<compile_context>
chip_gen: v7x
topology: tpu7x:2x2x1
jax: 0.10.2.dev20260603
libtpu: 0.0.44.dev20260713+nightly
codegen_flags: <defaults>
</compile_context>

<pallas_src>
import functools

import jax
import jax.numpy as jnp
from jax import lax
from jax.experimental import pallas as pl
from jax.experimental.pallas import tpu as pltpu
from jax.experimental.pallas import tpu_sc as plsc

_N = 10000
_E = 320000
_D = 128
_K = 30
_NPAD = 10240
_NC = 2
_NS = 16
_NW = _NC * _NS
_EPW = _E // _NW
_C = 128
_NCHUNK = 80
_EPWP = _NCHUNK * _C
_RPT = _NPAD // _NS
_DPAD = _N
_BLK = 1280
_GRID = _NPAD // _BLK

def _mesh():
    return plsc.VectorSubcoreMesh(
        core_axis_name="c", subcore_axis_name="s",
        num_cores=_NC, num_subcores=_NS)



def _sc_degree_body(didx_hbm, ones_hbm, zeros_hbm, out_hbm, idx_v, val_v,
                    z_v, acc_sh):
    cid = lax.axis_index("c")
    sid = lax.axis_index("s")
    wid = sid * _NC + cid

    pltpu.sync_copy(ones_hbm, val_v)
    pltpu.sync_copy(zeros_hbm, z_v)
    pltpu.sync_copy(didx_hbm.at[wid], idx_v)

    row0 = sid * _RPT
    for k in range(_RPT // _C):
        pltpu.sync_copy(z_v, acc_sh.at[pl.ds(row0 + k * _C, _C)])
    plsc.subcore_barrier()

    def chunk(j, _):
        pltpu.sync_copy(val_v, acc_sh.at[idx_v.at[j]], add=True)
        return 0

    lax.fori_loop(0, _NCHUNK, chunk, 0)

    plsc.subcore_barrier()
    pltpu.sync_copy(acc_sh.at[pl.ds(row0, _RPT)],
                    out_hbm.at[cid, pl.ds(row0, _RPT)])


def _sc_degree(d_idx, ones16, zeros16):
    return pl.kernel(
        _sc_degree_body,
        out_type=jax.ShapeDtypeStruct((_NC, _NPAD, _D), jnp.float32),
        mesh=_mesh(),
        scratch_types=[
            pltpu.VMEM((_NCHUNK, _C), jnp.int32),
            pltpu.VMEM((_C, _D), jnp.float32),
            pltpu.VMEM((_C, _D), jnp.float32),
            pltpu.VMEM_SHARED((_NPAD, _D), jnp.float32),
        ],
        name="sc_degree",
    )(d_idx, ones16, zeros16)


_HALF = _NCHUNK // 2


def _sc_scatter_body(h_hbm, s_hbm, d_hbm, z_hbm, out_hbm, sv, dv, g0, g1,
                     acc_sh, sem0, sem1):
    cid = lax.axis_index("c")
    sid = lax.axis_index("s")
    wid = sid * _NC + cid

    pltpu.sync_copy(z_hbm, g0)

    row0 = sid * _RPT
    for k in range(_RPT // _C):
        pltpu.sync_copy(g0, acc_sh.at[pl.ds(row0 + k * _C, _C)])
    plsc.subcore_barrier()

    for half in range(2):
        pltpu.sync_copy(s_hbm.at[wid, pl.ds(half * _HALF, _HALF)], sv)
        pltpu.sync_copy(d_hbm.at[wid, pl.ds(half * _HALF, _HALF)], dv)

        pltpu.async_copy(h_hbm.at[sv.at[0]], g0, sem0)

        def pair(t, _):
            j0 = 2 * t
            pltpu.async_copy(h_hbm.at[sv.at[j0 + 1]], g1, sem1)
            pltpu.make_async_copy(h_hbm.at[sv.at[j0]], g0, sem0).wait()
            pltpu.sync_copy(g0, acc_sh.at[dv.at[j0]], add=True)

            @pl.when(t < _HALF // 2 - 1)
            def _():
                pltpu.async_copy(h_hbm.at[sv.at[j0 + 2]], g0, sem0)

            pltpu.make_async_copy(h_hbm.at[sv.at[j0 + 1]], g1, sem1).wait()
            pltpu.sync_copy(g1, acc_sh.at[dv.at[j0 + 1]], add=True)
            return 0

        lax.fori_loop(0, _HALF // 2, pair, 0)

    plsc.subcore_barrier()
    pltpu.sync_copy(acc_sh.at[pl.ds(row0, _RPT)],
                    out_hbm.at[cid, pl.ds(row0, _RPT)])


def _sc_scatter(ht, s_idx, d_idx, zeros128):
    return pl.kernel(
        _sc_scatter_body,
        out_type=jax.ShapeDtypeStruct((_NC, _NPAD, _D), jnp.float32),
        mesh=_mesh(),
        scratch_types=[
            pltpu.VMEM((_HALF, _C), jnp.int32),
            pltpu.VMEM((_HALF, _C), jnp.int32),
            pltpu.VMEM((_C, _D), jnp.float32),
            pltpu.VMEM((_C, _D), jnp.float32),
            pltpu.VMEM_SHARED((_NPAD, _D), jnp.float32),
            pltpu.SemaphoreType.DMA,
            pltpu.SemaphoreType.DMA,
        ],
        name="sc_edge_scatter",
    )(ht, s_idx, d_idx, zeros128)



def _dis_from_deg(deg_ref):
    deg3 = deg_ref[...]
    return lax.rsqrt(deg3[0][:, 0:1] + deg3[1][:, 0:1] + 1.0)


def _ln(xb, s, b):
    mu = jnp.mean(xb, axis=1, keepdims=True)
    var = jnp.mean((xb - mu) * (xb - mu), axis=1, keepdims=True)
    return (xb - mu) * lax.rsqrt(var + 1e-5) * s + b


def _tc_prep_body(x_ref, deg_ref, s_ref, b_ref, h_ref, hh_ref):
    dis = _dis_from_deg(deg_ref)
    h = _ln(x_ref[...], s_ref[...], b_ref[...])
    h_ref[...] = h
    hh_ref[...] = h * dis


def _tc_prep(x_pad, degcols, ln_s, ln_b):
    return pl.pallas_call(
        _tc_prep_body,
        grid=(_GRID,),
        in_specs=[
            pl.BlockSpec((_BLK, _D), lambda i: (i, 0)),
            pl.BlockSpec((_NC, _BLK, _D), lambda i: (0, i, 0)),
            pl.BlockSpec((1, _D), lambda i: (0, 0)),
            pl.BlockSpec((1, _D), lambda i: (0, 0)),
        ],
        out_specs=[pl.BlockSpec((_BLK, _D), lambda i: (i, 0))] * 2,
        out_shape=[jax.ShapeDtypeStruct((_NPAD, _D), jnp.float32)] * 2,
        name="tc_prep",
    )(x_pad, degcols, ln_s.reshape(1, _D), ln_b.reshape(1, _D))


def _tc_evolve_body(h_ref, p_ref, P_ref, W_ref, Wz_ref, Uz_ref, Bz_ref,
                    Wr_ref, Ur_ref, Br_ref, Wh_ref, Uh_ref, Bh_ref, out_ref):
    pv = p_ref[...]
    pn = jnp.sqrt(jnp.sum(pv * pv)) + 1e-12
    hm = h_ref[...]
    y = jnp.sum(hm * pv, axis=1, keepdims=True) / pn
    rid = lax.broadcasted_iota(jnp.int32, (_NPAD, 1), 0)
    neg = jnp.array(-jnp.inf, jnp.float32)
    y = jnp.where(rid < _N, y, neg)

    def step(k, carry):
        yc, X = carry
        m = jnp.max(yc)
        am = jnp.min(jnp.where(yc == m, rid, _NPAD))
        hrow = h_ref[pl.ds(am, 1), :]
        prow = P_ref[pl.ds(k, 1), :]
        X = X + jnp.tanh(m) * lax.dot_general(
            hrow, prow, (((0,), (0,)), ((), ())))
        yc = jnp.where(rid == am, neg, yc)
        return yc, X

    _, X = lax.fori_loop(0, _K, step, (y, jnp.zeros((_D, _D), jnp.float32)))

    H = W_ref[...]
    Zg = jax.nn.sigmoid(jnp.dot(Wz_ref[...], X) + jnp.dot(Uz_ref[...], H)
                        + Bz_ref[...])
    Rg = jax.nn.sigmoid(jnp.dot(Wr_ref[...], X) + jnp.dot(Ur_ref[...], H)
                        + Br_ref[...])
    Ht = jnp.tanh(jnp.dot(Wh_ref[...], X) + jnp.dot(Uh_ref[...], Rg * H)
                  + Bh_ref[...])
    out_ref[...] = (1.0 - Zg) * H + Zg * Ht


def _tc_evolve(h, lp):
    return pl.pallas_call(
        _tc_evolve_body,
        out_shape=jax.ShapeDtypeStruct((_D, _D), jnp.float32),
        name="tc_evolve",
    )(h, lp["p"].reshape(1, _D), lp["P"], lp["W"], lp["Wz"], lp["Uz"],
      lp["Bz"], lp["Wr"], lp["Ur"], lp["Br"], lp["Wh"], lp["Uh"], lp["Bh"])


def _tc_update_body(a_ref, hh_ref, deg_ref, W_ref, h_ref, hh1_ref):
    dis = _dis_from_deg(deg_ref)
    agg = (a_ref[0] + a_ref[1] + hh_ref[...]) * dis
    hx = jnp.maximum(jnp.dot(agg, W_ref[...]), 0.0)
    h_ref[...] = hx
    hh1_ref[...] = hx * dis


def _tc_update(A, hh, degcols, W):
    return pl.pallas_call(
        _tc_update_body,
        grid=(_GRID,),
        in_specs=[
            pl.BlockSpec((_NC, _BLK, _D), lambda i: (0, i, 0)),
            pl.BlockSpec((_BLK, _D), lambda i: (i, 0)),
            pl.BlockSpec((_NC, _BLK, _D), lambda i: (0, i, 0)),
            pl.BlockSpec((_D, _D), lambda i: (0, 0)),
        ],
        out_specs=[pl.BlockSpec((_BLK, _D), lambda i: (i, 0))] * 2,
        out_shape=[jax.ShapeDtypeStruct((_NPAD, _D), jnp.float32)] * 2,
        name="tc_update",
    )(A, hh, degcols, W)


def _tc_final_body(a_ref, hh_ref, deg_ref, W_ref, s_ref, b_ref, Wfc_ref,
                   bfc_ref, o_ref):
    dis = _dis_from_deg(deg_ref)
    agg = (a_ref[0] + a_ref[1] + hh_ref[...]) * dis
    h2 = jnp.dot(agg, W_ref[...])
    hn = _ln(h2, s_ref[...], b_ref[...])
    o_ref[...] = jnp.dot(hn, Wfc_ref[...]) + bfc_ref[...]


def _tc_final(A, hh, degcols, W, ln_s, ln_b, W_fc, b_fc):
    return pl.pallas_call(
        _tc_final_body,
        grid=(_GRID,),
        in_specs=[
            pl.BlockSpec((_NC, _BLK, _D), lambda i: (0, i, 0)),
            pl.BlockSpec((_BLK, _D), lambda i: (i, 0)),
            pl.BlockSpec((_NC, _BLK, _D), lambda i: (0, i, 0)),
            pl.BlockSpec((_D, _D), lambda i: (0, 0)),
            pl.BlockSpec((1, _D), lambda i: (0, 0)),
            pl.BlockSpec((1, _D), lambda i: (0, 0)),
            pl.BlockSpec((_D, _D), lambda i: (0, 0)),
            pl.BlockSpec((1, _D), lambda i: (0, 0)),
        ],
        out_specs=pl.BlockSpec((_BLK, _D), lambda i: (i, 0)),
        out_shape=jax.ShapeDtypeStruct((_NPAD, _D), jnp.float32),
        name="tc_final",
    )(A, hh, degcols, W, ln_s.reshape(1, _D), ln_b.reshape(1, _D), W_fc,
      b_fc.reshape(1, _D))



def kernel(x, edge_index, params):
    ei = edge_index.astype(jnp.int32)
    s_r = ei[0].reshape(_NW, _EPW)
    d_r = ei[1].reshape(_NW, _EPW)
    padn = _EPWP - _EPW
    s_pad = jnp.pad(s_r, ((0, 0), (0, padn))).reshape(_NW, _NCHUNK, _C)
    padvals = jnp.broadcast_to(
        _DPAD + jnp.arange(_NW, dtype=jnp.int32)[:, None], (_NW, padn))
    d_pad = jnp.concatenate([d_r, padvals], axis=1).reshape(
        _NW, _NCHUNK, _C)
    x_pad = jnp.pad(x, ((0, _NPAD - _N), (0, 0)))
    ones128 = jnp.ones((_C, _D), jnp.float32)
    zeros128 = jnp.zeros((_C, _D), jnp.float32)

    degcols = _sc_degree(d_pad, ones128, zeros128)
    h0, hh0 = _tc_prep(x_pad, degcols, params["ln_in_s"], params["ln_in_b"])
    lp0, lp1 = params["layers"]

    W0 = _tc_evolve(h0, lp0)
    A0 = _sc_scatter(hh0, s_pad, d_pad, zeros128)
    h1, hh1 = _tc_update(A0, hh0, degcols, W0)

    W1 = _tc_evolve(h1, lp1)
    A1 = _sc_scatter(hh1, s_pad, d_pad, zeros128)
    out = _tc_final(A1, hh1, degcols, W1, params["ln_out_s"],
                    params["ln_out_b"], params["W_fc"], params["b_fc"])
    return out[:_N]

# --- scband reference (transcript-rebuilt; emitter-appended) ---
"""Pipeline reference for scband-hetero-evolve-gcn-10806137717433 (READ-ONLY COPY).

The authoritative reference and input builder live on the scoring server;
editing this copy changes nothing except your own understanding.
"""

import jax, jax.numpy as jnp
import numpy as np

N = 10000
E = 320000
D_IN = 128
D_H = 128
D_OUT = 128
TOPK = 30
NUM_LAYERS = 2


def _layer_norm(x, scale, bias, eps=1e-5):
    mu = jnp.mean(x, axis=-1, keepdims=True)
    var = jnp.var(x, axis=-1, keepdims=True)
    return (x - mu) / jnp.sqrt(var + eps) * scale + bias


def _evolve_weight(h, lp):
    # EvolveGCN-H: top-k summarization of node embeddings drives a matrix-GRU
    # whose hidden state is the GCN layer weight matrix.
    p = lp["p"]
    y = h @ p / (jnp.linalg.norm(p) + 1e-12)
    scores, idx = jax.lax.top_k(y, TOPK)
    Z = h[idx] * jnp.tanh(scores)[:, None]        # [K, d_in]
    X = Z.T @ lp["P"]                             # [d_in, d_out] GRU input
    H = lp["W"]                                   # [d_in, d_out] GRU hidden (= prev weight)
    Zg = jax.nn.sigmoid(lp["Wz"] @ X + lp["Uz"] @ H + lp["Bz"])
    R = jax.nn.sigmoid(lp["Wr"] @ X + lp["Ur"] @ H + lp["Br"])
    Ht = jnp.tanh(lp["Wh"] @ X + lp["Uh"] @ (R * H) + lp["Bh"])
    return (1.0 - Zg) * H + Zg * Ht


def _forward(x, edge_index, params):
    h = _layer_norm(x, params["ln_in_s"], params["ln_in_b"])
    src = edge_index[0]
    dst = edge_index[1]
    loop = jnp.arange(N, dtype=src.dtype)
    s = jnp.concatenate([src, loop])
    d = jnp.concatenate([dst, loop])
    deg = jax.ops.segment_sum(jnp.ones(s.shape[0], jnp.float32), d, num_segments=N)
    dis = 1.0 / jnp.sqrt(jnp.maximum(deg, 1.0))
    norm = dis[s] * dis[d]
    for l in range(NUM_LAYERS):
        lp = params["layers"][l]
        W = _evolve_weight(h, lp)
        msg = h[s] * norm[:, None]
        agg = jax.ops.segment_sum(msg, d, num_segments=N)
        h = agg @ W
        if l < NUM_LAYERS - 1:
            h = jax.nn.relu(h)
    # dropout omitted (inference / eval mode)
    h = _layer_norm(h, params["ln_out_s"], params["ln_out_b"])
    return h @ params["W_fc"] + params["b_fc"]


def setup_inputs(seed: int = 0):
    key = jax.random.key(seed)
    ks = iter(jax.random.split(key, 64))
    x = jax.random.normal(next(ks), (N, D_IN), jnp.float32)
    edge_index = jax.random.randint(next(ks), (2, E), 0, N, dtype=jnp.int32).astype(jnp.int64)

    def nrm(shape, scale=0.05):
        return jax.random.normal(next(ks), shape, jnp.float32) * scale

    layers = []
    for l in range(NUM_LAYERS):
        d_in = D_IN if l == 0 else D_H
        d_out = D_H
        layers.append({
            "p": nrm((d_in,), 1.0),
            "P": nrm((TOPK, d_out)),
            "W": nrm((d_in, d_out)),
            "Wz": nrm((d_in, d_in)), "Uz": nrm((d_in, d_in)), "Bz": jnp.zeros((d_in, 1), jnp.float32),
            "Wr": nrm((d_in, d_in)), "Ur": nrm((d_in, d_in)), "Br": jnp.zeros((d_in, 1), jnp.float32),
            "Wh": nrm((d_in, d_in)), "Uh": nrm((d_in, d_in)), "Bh": jnp.zeros((d_in, 1), jnp.float32),
        })
    params = {
        "layers": layers,
        "ln_in_s": jnp.ones((D_IN,), jnp.float32), "ln_in_b": jnp.zeros((D_IN,), jnp.float32),
        "ln_out_s": jnp.ones((D_H,), jnp.float32), "ln_out_b": jnp.zeros((D_H,), jnp.float32),
        "W_fc": nrm((D_H, D_OUT), 0.01), "b_fc": jnp.zeros((D_OUT,), jnp.float32),
    }
    return {"x": x, "edge_index": edge_index, "params": params}


def reference(x, edge_index, params):
    return _forward(x, edge_index, params)

if __name__ == "__main__":
    import jax
    _d = setup_inputs()
    print(jax.jit(kernel)(*tuple(_d.values())))

</pallas_src>

<mosaic_0001>
#map = affine_map<(d0, d1) -> (0, 0, 0)>
#map1 = affine_map<(d0, d1) -> (0, 0)>
module attributes {stable_mosaic.version = 14 : i64} {
  func.func @sc_degree(%arg0: i32, %arg1: i32, %arg2: memref<32x80x128xi32, #tpu.memory_space<hbm>>, %arg3: memref<128x128xf32, #tpu.memory_space<hbm>>, %arg4: memref<128x128xf32, #tpu.memory_space<hbm>>, %arg5: memref<2x10240x128xf32, #tpu.memory_space<hbm>>, %arg6: memref<80x128xi32, #tpu.memory_space<vmem>>, %arg7: memref<128x128xf32, #tpu.memory_space<vmem>>, %arg8: memref<128x128xf32, #tpu.memory_space<vmem>>, %arg9: memref<10240x128xf32, #tpu.memory_space<vmem_shared>>) attributes {dimension_semantics = [#tpu.dimension_semantics<core_parallel>, #tpu.dimension_semantics<subcore_parallel>], iteration_bounds = array<i64: 2, 16>, scalar_prefetch = 0 : i64, scratch_operands = 4 : i64, tpu.core_type = #tpu.core_type<sc_vector_subcore>, window_params = [{transform_indices = #map}, {transform_indices = #map1}, {transform_indices = #map1}, {transform_indices = #map}]} {
    %mul3A = arith.constant 2 : i32
    %mul3A_0 = arith.muli %arg1, %mul3A : i32
    %add3A = arith.addi %mul3A_0, %arg0 : i32
    "tpu.region"() ({
      %run_scoped3A = tpu.sem_alloc : memref<!tpu.dma_semaphore, #tpu.memory_space<semaphore_mem>>
      tpu.enqueue_dma source(%arg3 : memref<128x128xf32, #tpu.memory_space<hbm>>) target(%arg7 : memref<128x128xf32, #tpu.memory_space<vmem>>) target_semaphore(%run_scoped3A : memref<!tpu.dma_semaphore, #tpu.memory_space<semaphore_mem>>)
      tpu.wait_dma2 semaphore(%run_scoped3A : memref<!tpu.dma_semaphore, #tpu.memory_space<semaphore_mem>>) src(%arg3 : memref<128x128xf32, #tpu.memory_space<hbm>>) dst(%arg7 : memref<128x128xf32, #tpu.memory_space<vmem>>)
      tpu.yield
    }) : () -> ()
    "tpu.region"() ({
      %run_scoped3A = tpu.sem_alloc : memref<!tpu.dma_semaphore, #tpu.memory_space<semaphore_mem>>
      tpu.enqueue_dma source(%arg4 : memref<128x128xf32, #tpu.memory_space<hbm>>) target(%arg8 : memref<128x128xf32, #tpu.memory_space<vmem>>) target_semaphore(%run_scoped3A : memref<!tpu.dma_semaphore, #tpu.memory_space<semaphore_mem>>)
      tpu.wait_dma2 semaphore(%run_scoped3A : memref<!tpu.dma_semaphore, #tpu.memory_space<semaphore_mem>>) src(%arg4 : memref<128x128xf32, #tpu.memory_space<hbm>>) dst(%arg8 : memref<128x128xf32, #tpu.memory_space<vmem>>)
      tpu.yield
    }) : () -> ()
    "tpu.region"() ({
      %run_scoped3A = tpu.sem_alloc : memref<!tpu.dma_semaphore, #tpu.memory_space<semaphore_mem>>
      %dma_start3A = arith.constant 0 : i32
      %dma_start3A_20 = arith.constant 0 : i32
      %dma_start3A_21 = tpu.memref_slice %arg2[%add3A, %dma_start3A, %dma_start3A_20] : memref<32x80x128xi32, #tpu.memory_space<hbm>> -> memref<1x80x128xi32, #tpu.memory_space<hbm>>
      %dma_start3A_22 = tpu.memref_squeeze %dma_start3A_21 : memref<1x80x128xi32, #tpu.memory_space<hbm>> -> memref<80x128xi32, #tpu.memory_space<hbm>>
      %dma_start3A_23 = arith.constant 0 : i32
      %dma_start3A_24 = arith.constant 0 : i32
      %dma_start3A_25 = tpu.memref_slice %arg2[%add3A, %dma_start3A_23, %dma_start3A_24] : memref<32x80x128xi32, #tpu.memory_space<hbm>> -> memref<1x80x128xi32, #tpu.memory_space<hbm>>
      %dma_start3A_26 = tpu.memref_squeeze %dma_start3A_25 : memref<1x80x128xi32, #tpu.memory_space<hbm>> -> memref<80x128xi32, #tpu.memory_space<hbm>>
      tpu.enqueue_dma source(%dma_start3A_26 : memref<80x128xi32, #tpu.memory_space<hbm>>) target(%arg6 : memref<80x128xi32, #tpu.memory_space<vmem>>) target_semaphore(%run_scoped3A : memref<!tpu.dma_semaphore, #tpu.memory_space<semaphore_mem>>)
      %dma_wait3A = arith.constant 0 : i32
      %dma_wait3A_27 = arith.constant 0 : i32
      %dma_wait3A_28 = tpu.memref_slice %arg2[%add3A, %dma_wait3A, %dma_wait3A_27] : memref<32x80x128xi32, #tpu.memory_space<hbm>> -> memref<1x80x128xi32, #tpu.memory_space<hbm>>
      %dma_wait3A_29 = tpu.memref_squeeze %dma_wait3A_28 : memref<1x80x128xi32, #tpu.memory_space<hbm>> -> memref<80x128xi32, #tpu.memory_space<hbm>>
      %dma_wait3A_30 = arith.constant 0 : i32
      %dma_wait3A_31 = arith.constant 0 : i32
      %dma_wait3A_32 = tpu.memref_slice %arg2[%add3A, %dma_wait3A_30, %dma_wait3A_31] : memref<32x80x128xi32, #tpu.memory_space<hbm>> -> memref<1x80x128xi32, #tpu.memory_space<hbm>>
      %dma_wait3A_33 = tpu.memref_squeeze %dma_wait3A_32 : memref<1x80x128xi32, #tpu.memory_space<hbm>> -> memref<80x128xi32, #tpu.memory_space<hbm>>
      tpu.wait_dma2 semaphore(%run_scoped3A : memref<!tpu.dma_semaphore, #tpu.memory_space<semaphore_mem>>) src(%dma_wait3A_33 : memref<80x128xi32, #tpu.memory_space<hbm>>) dst(%arg6 : memref<80x128xi32, #tpu.memory_space<vmem>>)
      tpu.yield
    }) : () -> ()
    %mul3A_1 = arith.constant 640 : i32
    %mul3A_2 = arith.muli %arg1, %mul3A_1 : i32
    %add3A_3 = arith.constant 0 : i32
    %add3A_4 = arith.addi %mul3A_2, %add3A_3 : i32
    "tpu.region"() ({
      %run_scoped3A = tpu.sem_alloc : memref<!tpu.dma_semaphore, #tpu.memory_space<semaphore_mem>>
      %dma_start3A = arith.constant 0 : i32
      %dma_start3A_20 = tpu.memref_slice %arg9[%add3A_4, %dma_start3A] : memref<10240x128xf32, #tpu.memory_space<vmem_shared>> -> memref<128x128xf32, #tpu.memory_space<vmem_shared>>
      %dma_start3A_21 = arith.constant 0 : i32
      %dma_start3A_22 = tpu.memref_slice %arg9[%add3A_4, %dma_start3A_21] : memref<10240x128xf32, #tpu.memory_space<vmem_shared>> -> memref<128x128xf32, #tpu.memory_space<vmem_shared>>
      tpu.enqueue_dma source(%arg8 : memref<128x128xf32, #tpu.memory_space<vmem>>) target(%dma_start3A_22 : memref<128x128xf32, #tpu.memory_space<vmem_shared>>) target_semaphore(%run_scoped3A : memref<!tpu.dma_semaphore, #tpu.memory_space<semaphore_mem>>)
      %dma_wait3A = arith.constant 0 : i32
      %dma_wait3A_23 = tpu.memref_slice %arg9[%add3A_4, %dma_wait3A] : memref<10240x128xf32, #tpu.memory_space<vmem_shared>> -> memref<128x128xf32, #tpu.memory_space<vmem_shared>>
      %dma_wait3A_24 = arith.constant 0 : i32
      %dma_wait3A_25 = tpu.memref_slice %arg9[%add3A_4, %dma_wait3A_24] : memref<10240x128xf32, #tpu.memory_space<vmem_shared>> -> memref<128x128xf32, #tpu.memory_space<vmem_shared>>
      tpu.wait_dma2 semaphore(%run_scoped3A : memref<!tpu.dma_semaphore, #tpu.memory_space<semaphore_mem>>) src(%arg8 : memref<128x128xf32, #tpu.memory_space<vmem>>) dst(%dma_wait3A_25 : memref<128x128xf32, #tpu.memory_space<vmem_shared>>)
      tpu.yield
    }) : () -> ()
    %add3A_5 = arith.constant 128 : i32
    %add3A_6 = arith.addi %mul3A_2, %add3A_5 : i32
    "tpu.region"() ({
      %run_scoped3A = tpu.sem_alloc : memref<!tpu.dma_semaphore, #tpu.memory_space<semaphore_mem>>
      %dma_start3A = arith.constant 0 : i32
      %dma_start3A_20 = tpu.memref_slice %arg9[%add3A_6, %dma_start3A] : memref<10240x128xf32, #tpu.memory_space<vmem_shared>> -> memref<128x128xf32, #tpu.memory_space<vmem_shared>>
      %dma_start3A_21 = arith.constant 0 : i32
      %dma_start3A_22 = tpu.memref_slice %arg9[%add3A_6, %dma_start3A_21] : memref<10240x128xf32, #tpu.memory_space<vmem_shared>> -> memref<128x128xf32, #tpu.memory_space<vmem_shared>>
      tpu.enqueue_dma source(%arg8 : memref<128x128xf32, #tpu.memory_space<vmem>>) target(%dma_start3A_22 : memref<128x128xf32, #tpu.memory_space<vmem_shared>>) target_semaphore(%run_scoped3A : memref<!tpu.dma_semaphore, #tpu.memory_space<semaphore_mem>>)
      %dma_wait3A = arith.constant 0 : i32
      %dma_wait3A_23 = tpu.memref_slice %arg9[%add3A_6, %dma_wait3A] : memref<10240x128xf32, #tpu.memory_space<vmem_shared>> -> memref<128x128xf32, #tpu.memory_space<vmem_shared>>
      %dma_wait3A_24 = arith.constant 0 : i32
      %dma_wait3A_25 = tpu.memref_slice %arg9[%add3A_6, %dma_wait3A_24] : memref<10240x128xf32, #tpu.memory_space<vmem_shared>> -> memref<128x128xf32, #tpu.memory_space<vmem_shared>>
      tpu.wait_dma2 semaphore(%run_scoped3A : memref<!tpu.dma_semaphore, #tpu.memory_space<semaphore_mem>>) src(%arg8 : memref<128x128xf32, #tpu.memory_space<vmem>>) dst(%dma_wait3A_25 : memref<128x128xf32, #tpu.memory_space<vmem_shared>>)
      tpu.yield
    }) : () -> ()
    %add3A_7 = arith.constant 256 : i32
    %add3A_8 = arith.addi %mul3A_2, %add3A_7 : i32
    "tpu.region"() ({
      %run_scoped3A = tpu.sem_alloc : memref<!tpu.dma_semaphore, #tpu.memory_space<semaphore_mem>>
      %dma_start3A = arith.constant 0 : i32
      %dma_start3A_20 = tpu.memref_slice %arg9[%add3A_8, %dma_start3A] : memref<10240x128xf32, #tpu.memory_space<vmem_shared>> -> memref<128x128xf32, #tpu.memory_space<vmem_shared>>
      %dma_start3A_21 = arith.constant 0 : i32
      %dma_start3A_22 = tpu.memref_slice %arg9[%add3A_8, %dma_start3A_21] : memref<10240x128xf32, #tpu.memory_space<vmem_shared>> -> memref<128x128xf32, #tpu.memory_space<vmem_shared>>
      tpu.enqueue_dma source(%arg8 : memref<128x128xf32, #tpu.memory_space<vmem>>) target(%dma_start3A_22 : memref<128x128xf32, #tpu.memory_space<vmem_shared>>) target_semaphore(%run_scoped3A : memref<!tpu.dma_semaphore, #tpu.memory_space<semaphore_mem>>)
      %dma_wait3A = arith.constant 0 : i32
      %dma_wait3A_23 = tpu.memref_slice %arg9[%add3A_8, %dma_wait3A] : memref<10240x128xf32, #tpu.memory_space<vmem_shared>> -> memref<128x128xf32, #tpu.memory_space<vmem_shared>>
      %dma_wait3A_24 = arith.constant 0 : i32
      %dma_wait3A_25 = tpu.memref_slice %arg9[%add3A_8, %dma_wait3A_24] : memref<10240x128xf32, #tpu.memory_space<vmem_shared>> -> memref<128x128xf32, #tpu.memory_space<vmem_shared>>
      tpu.wait_dma2 semaphore(%run_scoped3A : memref<!tpu.dma_semaphore, #tpu.memory_space<semaphore_mem>>) src(%arg8 : memref<128x128xf32, #tpu.memory_space<vmem>>) dst(%dma_wait3A_25 : memref<128x128xf32, #tpu.memory_space<vmem_shared>>)
      tpu.yield
    }) : () -> ()
    %add3A_9 = arith.constant 384 : i32
    %add3A_10 = arith.addi %mul3A_2, %add3A_9 : i32
    "tpu.region"() ({
      %run_scoped3A = tpu.sem_alloc : memref<!tpu.dma_semaphore, #tpu.memory_space<semaphore_mem>>
      %dma_start3A = arith.constant 0 : i32
      %dma_start3A_20 = tpu.memref_slice %arg9[%add3A_10, %dma_start3A] : memref<10240x128xf32, #tpu.memory_space<vmem_shared>> -> memref<128x128xf32, #tpu.memory_space<vmem_shared>>
      %dma_start3A_21 = arith.constant 0 : i32
      %dma_start3A_22 = tpu.memref_slice %arg9[%add3A_10, %dma_start3A_21] : memref<10240x128xf32, #tpu.memory_space<vmem_shared>> -> memref<128x128xf32, #tpu.memory_space<vmem_shared>>
      tpu.enqueue_dma source(%arg8 : memref<128x128xf32, #tpu.memory_space<vmem>>) target(%dma_start3A_22 : memref<128x128xf32, #tpu.memory_space<vmem_shared>>) target_semaphore(%run_scoped3A : memref<!tpu.dma_semaphore, #tpu.memory_space<semaphore_mem>>)
      %dma_wait3A = arith.constant 0 : i32
      %dma_wait3A_23 = tpu.memref_slice %arg9[%add3A_10, %dma_wait3A] : memref<10240x128xf32, #tpu.memory_space<vmem_shared>> -> memref<128x128xf32, #tpu.memory_space<vmem_shared>>
      %dma_wait3A_24 = arith.constant 0 : i32
      %dma_wait3A_25 = tpu.memref_slice %arg9[%add3A_10, %dma_wait3A_24] : memref<10240x128xf32, #tpu.memory_space<vmem_shared>> -> memref<128x128xf32, #tpu.memory_space<vmem_shared>>
      tpu.wait_dma2 semaphore(%run_scoped3A : memref<!tpu.dma_semaphore, #tpu.memory_space<semaphore_mem>>) src(%arg8 : memref<128x128xf32, #tpu.memory_space<vmem>>) dst(%dma_wait3A_25 : memref<128x128xf32, #tpu.memory_space<vmem_shared>>)
      tpu.yield
    }) : () -> ()
    %add3A_11 = arith.constant 512 : i32
    %add3A_12 = arith.addi %mul3A_2, %add3A_11 : i32
    "tpu.region"() ({
      %run_scoped3A = tpu.sem_alloc : memref<!tpu.dma_semaphore, #tpu.memory_space<semaphore_mem>>
      %dma_start3A = arith.constant 0 : i32
      %dma_start3A_20 = tpu.memref_slice %arg9[%add3A_12, %dma_start3A] : memref<10240x128xf32, #tpu.memory_space<vmem_shared>> -> memref<128x128xf32, #tpu.memory_space<vmem_shared>>
      %dma_start3A_21 = arith.constant 0 : i32
      %dma_start3A_22 = tpu.memref_slice %arg9[%add3A_12, %dma_start3A_21] : memref<10240x128xf32, #tpu.memory_space<vmem_shared>> -> memref<128x128xf32, #tpu.memory_space<vmem_shared>>
      tpu.enqueue_dma source(%arg8 : memref<128x128xf32, #tpu.memory_space<vmem>>) target(%dma_start3A_22 : memref<128x128xf32, #tpu.memory_space<vmem_shared>>) target_semaphore(%run_scoped3A : memref<!tpu.dma_semaphore, #tpu.memory_space<semaphore_mem>>)
      %dma_wait3A = arith.constant 0 : i32
      %dma_wait3A_23 = tpu.memref_slice %arg9[%add3A_12, %dma_wait3A] : memref<10240x128xf32, #tpu.memory_space<vmem_shared>> -> memref<128x128xf32, #tpu.memory_space<vmem_shared>>
      %dma_wait3A_24 = arith.constant 0 : i32
      %dma_wait3A_25 = tpu.memref_slice %arg9[%add3A_12, %dma_wait3A_24] : memref<10240x128xf32, #tpu.memory_space<vmem_shared>> -> memref<128x128xf32, #tpu.memory_space<vmem_shared>>
      tpu.wait_dma2 semaphore(%run_scoped3A : memref<!tpu.dma_semaphore, #tpu.memory_space<semaphore_mem>>) src(%arg8 : memref<128x128xf32, #tpu.memory_space<vmem>>) dst(%dma_wait3A_25 : memref<128x128xf32, #tpu.memory_space<vmem_shared>>)
      tpu.yield
    }) : () -> ()
    %barrier3A = arith.constant 0 : index
    tpu.barrier barrier_id(%barrier3A)
    %scan3A = arith.constant 0 : i32
    %scan3A_13 = arith.constant 0 : i32
    %scan3A_14 = arith.constant 80 : i32
    %scan3A_15 = arith.addi %scan3A_13, %scan3A_14 : i32
    %scan3A_16 = arith.constant 1 : i32
    %scan3A_17 = scf.for %scan3A_20 = %scan3A_13 to %scan3A_15 step %scan3A_16 iter_args(%scan3A_21 = %scan3A) -> (i32)  : i32 {
      "tpu.region"() ({
        %run_scoped3A = tpu.sem_alloc : memref<!tpu.dma_semaphore, #tpu.memory_space<semaphore_mem>>
        %dma_start3A = arith.constant 0 : i32
        %dma_start3A_23 = tpu.memref_slice %arg6[%scan3A_20, %dma_start3A] : memref<80x128xi32, #tpu.memory_space<vmem>> -> memref<1x128xi32, #tpu.memory_space<vmem>>
        %dma_start3A_24 = tpu.memref_squeeze %dma_start3A_23 : memref<1x128xi32, #tpu.memory_space<vmem>> -> memref<128xi32, #tpu.memory_space<vmem>>
        %dma_start3A_25 = arith.constant 0 : i32
        %dma_start3A_26 = arith.constant 0 : i32
        %dma_start3A_27 = tpu.memref_slice %arg9[%dma_start3A_25, %dma_start3A_26] : memref<10240x128xf32, #tpu.memory_space<vmem_shared>> -> memref<10240x128xf32, #tpu.memory_space<vmem_shared>>
        tpu.enqueue_indirect_dma source(%arg7 : memref<128x128xf32, #tpu.memory_space<vmem>>) target(%dma_start3A_27 : memref<10240x128xf32, #tpu.memory_space<vmem_shared>>) offsets(%dma_start3A_24 : memref<128xi32, #tpu.memory_space<vmem>>) semaphore(%run_scoped3A : memref<!tpu.dma_semaphore, #tpu.memory_space<semaphore_mem>>) {add = true}
        %dma_wait3A = arith.constant 0 : i32
        %dma_wait3A_28 = tpu.memref_slice %arg6[%scan3A_20, %dma_wait3A] : memref<80x128xi32, #tpu.memory_space<vmem>> -> memref<1x128xi32, #tpu.memory_space<vmem>>
        %dma_wait3A_29 = tpu.memref_squeeze %dma_wait3A_28 : memref<1x128xi32, #tpu.memory_space<vmem>> -> memref<128xi32, #tpu.memory_space<vmem>>
        %dma_wait3A_30 = arith.constant 0 : i32
        %dma_wait3A_31 = arith.constant 0 : i32
        %dma_wait3A_32 = tpu.memref_slice %arg9[%dma_wait3A_30, %dma_wait3A_31] : memref<10240x128xf32, #tpu.memory_space<vmem_shared>> -> memref<10240x128xf32, #tpu.memory_space<vmem_shared>>
        tpu.wait_indirect_dma semaphore(%run_scoped3A : memref<!tpu.dma_semaphore, #tpu.memory_space<semaphore_mem>>) src(%arg7 : memref<128x128xf32, #tpu.memory_space<vmem>>) dst(%dma_wait3A_32 : memref<10240x128xf32, #tpu.memory_space<vmem_shared>>)
        tpu.yield
      }) : () -> ()
      %scan3A_22 = arith.constant 0 : i32
      scf.yield %scan3A_22 : i32
    }
    %scan3A_18 = arith.constant 80 : i32
    %barrier3A_19 = arith.constant 0 : index
    tpu.barrier barrier_id(%barrier3A_19)
    "tpu.region"() ({
      %run_scoped3A = tpu.sem_alloc : memref<!tpu.dma_semaphore, #tpu.memory_space<semaphore_mem>>
      %dma_start3A = arith.constant 0 : i32
      %dma_start3A_20 = tpu.memref_slice %arg5[%arg0, %mul3A_2, %dma_start3A] : memref<2x10240x128xf32, #tpu.memory_space<hbm>> -> memref<1x640x128xf32, #tpu.memory_space<hbm>>
      %dma_start3A_21 = tpu.memref_squeeze %dma_start3A_20 : memref<1x640x128xf32, #tpu.memory_space<hbm>> -> memref<640x128xf32, #tpu.memory_space<hbm>>
      %dma_start3A_22 = arith.constant 0 : i32
      %dma_start3A_23 = tpu.memref_slice %arg9[%mul3A_2, %dma_start3A_22] : memref<10240x128xf32, #tpu.memory_space<vmem_shared>> -> memref<640x128xf32, #tpu.memory_space<vmem_shared>>
      tpu.enqueue_dma source(%dma_start3A_23 : memref<640x128xf32, #tpu.memory_space<vmem_shared>>) target(%dma_start3A_21 : memref<640x128xf32, #tpu.memory_space<hbm>>) target_semaphore(%run_scoped3A : memref<!tpu.dma_semaphore, #tpu.memory_space<semaphore_mem>>)
      %dma_wait3A = arith.constant 0 : i32
      %dma_wait3A_24 = tpu.memref_slice %arg5[%arg0, %mul3A_2, %dma_wait3A] : memref<2x10240x128xf32, #tpu.memory_space<hbm>> -> memref<1x640x128xf32, #tpu.memory_space<hbm>>
      %dma_wait3A_25 = tpu.memref_squeeze %dma_wait3A_24 : memref<1x640x128xf32, #tpu.memory_space<hbm>> -> memref<640x128xf32, #tpu.memory_space<hbm>>
      %dma_wait3A_26 = arith.constant 0 : i32
      %dma_wait3A_27 = tpu.memref_slice %arg9[%mul3A_2, %dma_wait3A_26] : memref<10240x128xf32, #tpu.memory_space<vmem_shared>> -> memref<640x128xf32, #tpu.memory_space<vmem_shared>>
      tpu.wait_dma2 semaphore(%run_scoped3A : memref<!tpu.dma_semaphore, #tpu.memory_space<semaphore_mem>>) src(%dma_wait3A_27 : memref<640x128xf32, #tpu.memory_space<vmem_shared>>) dst(%dma_wait3A_25 : memref<640x128xf32, #tpu.memory_space<hbm>>)
      tpu.yield
    }) : () -> ()
    return
  }
}

#map = affine_map<(d0, d1) -> (0, 0)>
#map1 = affine_map<(d0, d1) -> (0, 0, 0)>
module attributes {stable_mosaic.version = 14 : i64} {
  func.func @sc_edge_scatter(%arg0: i32, %arg1: i32, %arg2: memref<10240x128xf32, #tpu.memory_space<hbm>>, %arg3: memref<32x80x128xi32, #tpu.memory_space<hbm>>, %arg4: memref<32x80x128xi32, #tpu.memory_space<hbm>>, %arg5: memref<128x128xf32, #tpu.memory_space<hbm>>, %arg6: memref<2x10240x128xf32, #tpu.memory_space<hbm>>, %arg7: memref<40x128xi32, #tpu.memory_space<vmem>>, %arg8: memref<40x128xi32, #tpu.memory_space<vmem>>, %arg9: memref<128x128xf32, #tpu.memory_space<vmem>>, %arg10: memref<128x128xf32, #tpu.memory_space<vmem>>, %arg11: memref<10240x128xf32, #tpu.memory_space<vmem_shared>>, %arg12: memref<!tpu.dma_semaphore, #tpu.memory_space<semaphore_mem>>, %arg13: memref<!tpu.dma_semaphore, #tpu.memory_space<semaphore_mem>>) attributes {dimension_semantics = [#tpu.dimension_semantics<core_parallel>, #tpu.dimension_semantics<subcore_parallel>], iteration_bounds = array<i64: 2, 16>, scalar_prefetch = 0 : i64, scratch_operands = 7 : i64, tpu.core_type = #tpu.core_type<sc_vector_subcore>, window_params = [{transform_indices = #map}, {transform_indices = #map1}, {transform_indices = #map1}, {transform_indices = #map}, {transform_indices = #map1}]} {
    %mul3A = arith.constant 2 : i32
    %mul3A_0 = arith.muli %arg1, %mul3A : i32
    %add3A = arith.addi %mul3A_0, %arg0 : i32
    "tpu.region"() ({
      %run_scoped3A = tpu.sem_alloc : memref<!tpu.dma_semaphore, #tpu.memory_space<semaphore_mem>>
      tpu.enqueue_dma source(%arg5 : memref<128x128xf32, #tpu.memory_space<hbm>>) target(%arg9 : memref<128x128xf32, #tpu.memory_space<vmem>>) target_semaphore(%run_scoped3A : memref<!tpu.dma_semaphore, #tpu.memory_space<semaphore_mem>>)
      tpu.wait_dma2 semaphore(%run_scoped3A : memref<!tpu.dma_semaphore, #tpu.memory_space<semaphore_mem>>) src(%arg5 : memref<128x128xf32, #tpu.memory_space<hbm>>) dst(%arg9 : memref<128x128xf32, #tpu.memory_space<vmem>>)
      tpu.yield
    }) : () -> ()
    %mul3A_1 = arith.constant 640 : i32
    %mul3A_2 = arith.muli %arg1, %mul3A_1 : i32
    %add3A_3 = arith.constant 0 : i32
    %add3A_4 = arith.addi %mul3A_2, %add3A_3 : i32
    "tpu.region"() ({
      %run_scoped3A = tpu.sem_alloc : memref<!tpu.dma_semaphore, #tpu.memory_space<semaphore_mem>>
      %dma_start3A_40 = arith.constant 0 : i32
      %dma_start3A_41 = tpu.memref_slice %arg11[%add3A_4, %dma_start3A_40] : memref<10240x128xf32, #tpu.memory_space<vmem_shared>> -> memref<128x128xf32, #tpu.memory_space<vmem_shared>>
      %dma_start3A_42 = arith.constant 0 : i32
      %dma_start3A_43 = tpu.memref_slice %arg11[%add3A_4, %dma_start3A_42] : memref<10240x128xf32, #tpu.memory_space<vmem_shared>> -> memref<128x128xf32, #tpu.memory_space<vmem_shared>>
      tpu.enqueue_dma source(%arg9 : memref<128x128xf32, #tpu.memory_space<vmem>>) target(%dma_start3A_43 : memref<128x128xf32, #tpu.memory_space<vmem_shared>>) target_semaphore(%run_scoped3A : memref<!tpu.dma_semaphore, #tpu.memory_space<semaphore_mem>>)
      %dma_wait3A = arith.constant 0 : i32
      %dma_wait3A_44 = tpu.memref_slice %arg11[%add3A_4, %dma_wait3A] : memref<10240x128xf32, #tpu.memory_space<vmem_shared>> -> memref<128x128xf32, #tpu.memory_space<vmem_shared>>
      %dma_wait3A_45 = arith.constant 0 : i32
      %dma_wait3A_46 = tpu.memref_slice %arg11[%add3A_4, %dma_wait3A_45] : memref<10240x128xf32, #tpu.memory_space<vmem_shared>> -> memref<128x128xf32, #tpu.memory_space<vmem_shared>>
      tpu.wait_dma2 semaphore(%run_scoped3A : memref<!tpu.dma_semaphore, #tpu.memory_space<semaphore_mem>>) src(%arg9 : memref<128x128xf32, #tpu.memory_space<vmem>>) dst(%dma_wait3A_46 : memref<128x128xf32, #tpu.memory_space<vmem_shared>>)
      tpu.yield
    }) : () -> ()
    %add3A_5 = arith.constant 128 : i32
    %add3A_6 = arith.addi %mul3A_2, %add3A_5 : i32
    "tpu.region"() ({
      %run_scoped3A = tpu.sem_alloc : memref<!tpu.dma_semaphore, #tpu.memory_space<semaphore_mem>>
      %dma_start3A_40 = arith.constant 0 : i32
      %dma_start3A_41 = tpu.memref_slice %arg11[%add3A_6, %dma_start3A_40] : memref<10240x128xf32, #tpu.memory_space<vmem_shared>> -> memref<128x128xf32, #tpu.memory_space<vmem_shared>>
      %dma_start3A_42 = arith.constant 0 : i32
      %dma_start3A_43 = tpu.memref_slice %arg11[%add3A_6, %dma_start3A_42] : memref<10240x128xf32, #tpu.memory_space<vmem_shared>> -> memref<128x128xf32, #tpu.memory_space<vmem_shared>>
      tpu.enqueue_dma source(%arg9 : memref<128x128xf32, #tpu.memory_space<vmem>>) target(%dma_start3A_43 : memref<128x128xf32, #tpu.memory_space<vmem_shared>>) target_semaphore(%run_scoped3A : memref<!tpu.dma_semaphore, #tpu.memory_space<semaphore_mem>>)
      %dma_wait3A = arith.constant 0 : i32
      %dma_wait3A_44 = tpu.memref_slice %arg11[%add3A_6, %dma_wait3A] : memref<10240x128xf32, #tpu.memory_space<vmem_shared>> -> memref<128x128xf32, #tpu.memory_space<vmem_shared>>
      %dma_wait3A_45 = arith.constant 0 : i32
      %dma_wait3A_46 = tpu.memref_slice %arg11[%add3A_6, %dma_wait3A_45] : memref<10240x128xf32, #tpu.memory_space<vmem_shared>> -> memref<128x128xf32, #tpu.memory_space<vmem_shared>>
      tpu.wait_dma2 semaphore(%run_scoped3A : memref<!tpu.dma_semaphore, #tpu.memory_space<semaphore_mem>>) src(%arg9 : memref<128x128xf32, #tpu.memory_space<vmem>>) dst(%dma_wait3A_46 : memref<128x128xf32, #tpu.memory_space<vmem_shared>>)
      tpu.yield
    }) : () -> ()
    %add3A_7 = arith.constant 256 : i32
    %add3A_8 = arith.addi %mul3A_2, %add3A_7 : i32
    "tpu.region"() ({
      %run_scoped3A = tpu.sem_alloc : memref<!tpu.dma_semaphore, #tpu.memory_space<semaphore_mem>>
      %dma_start3A_40 = arith.constant 0 : i32
      %dma_start3A_41 = tpu.memref_slice %arg11[%add3A_8, %dma_start3A_40] : memref<10240x128xf32, #tpu.memory_space<vmem_shared>> -> memref<128x128xf32, #tpu.memory_space<vmem_shared>>
      %dma_start3A_42 = arith.constant 0 : i32
      %dma_start3A_43 = tpu.memref_slice %arg11[%add3A_8, %dma_start3A_42] : memref<10240x128xf32, #tpu.memory_space<vmem_shared>> -> memref<128x128xf32, #tpu.memory_space<vmem_shared>>
      tpu.enqueue_dma source(%arg9 : memref<128x128xf32, #tpu.memory_space<vmem>>) target(%dma_start3A_43 : memref<128x128xf32, #tpu.memory_space<vmem_shared>>) target_semaphore(%run_scoped3A : memref<!tpu.dma_semaphore, #tpu.memory_space<semaphore_mem>>)
      %dma_wait3A = arith.constant 0 : i32
      %dma_wait3A_44 = tpu.memref_slice %arg11[%add3A_8, %dma_wait3A] : memref<10240x128xf32, #tpu.memory_space<vmem_shared>> -> memref<128x128xf32, #tpu.memory_space<vmem_shared>>
      %dma_wait3A_45 = arith.constant 0 : i32
      %dma_wait3A_46 = tpu.memref_slice %arg11[%add3A_8, %dma_wait3A_45] : memref<10240x128xf32, #tpu.memory_space<vmem_shared>> -> memref<128x128xf32, #tpu.memory_space<vmem_shared>>
      tpu.wait_dma2 semaphore(%run_scoped3A : memref<!tpu.dma_semaphore, #tpu.memory_space<semaphore_mem>>) src(%arg9 : memref<128x128xf32, #tpu.memory_space<vmem>>) dst(%dma_wait3A_46 : memref<128x128xf32, #tpu.memory_space<vmem_shared>>)
      tpu.yield
    }) : () -> ()
    %add3A_9 = arith.constant 384 : i32
    %add3A_10 = arith.addi %mul3A_2, %add3A_9 : i32
    "tpu.region"() ({
      %run_scoped3A = tpu.sem_alloc : memref<!tpu.dma_semaphore, #tpu.memory_space<semaphore_mem>>
      %dma_start3A_40 = arith.constant 0 : i32
      %dma_start3A_41 = tpu.memref_slice %arg11[%add3A_10, %dma_start3A_40] : memref<10240x128xf32, #tpu.memory_space<vmem_shared>> -> memref<128x128xf32, #tpu.memory_space<vmem_shared>>
      %dma_start3A_42 = arith.constant 0 : i32
      %dma_start3A_43 = tpu.memref_slice %arg11[%add3A_10, %dma_start3A_42] : memref<10240x128xf32, #tpu.memory_space<vmem_shared>> -> memref<128x128xf32, #tpu.memory_space<vmem_shared>>
      tpu.enqueue_dma source(%arg9 : memref<128x128xf32, #tpu.memory_space<vmem>>) target(%dma_start3A_43 : memref<128x128xf32, #tpu.memory_space<vmem_shared>>) target_semaphore(%run_scoped3A : memref<!tpu.dma_semaphore, #tpu.memory_space<semaphore_mem>>)
      %dma_wait3A = arith.constant 0 : i32
      %dma_wait3A_44 = tpu.memref_slice %arg11[%add3A_10, %dma_wait3A] : memref<10240x128xf32, #tpu.memory_space<vmem_shared>> -> memref<128x128xf32, #tpu.memory_space<vmem_shared>>
      %dma_wait3A_45 = arith.constant 0 : i32
      %dma_wait3A_46 = tpu.memref_slice %arg11[%add3A_10, %dma_wait3A_45] : memref<10240x128xf32, #tpu.memory_space<vmem_shared>> -> memref<128x128xf32, #tpu.memory_space<vmem_shared>>
      tpu.wait_dma2 semaphore(%run_scoped3A : memref<!tpu.dma_semaphore, #tpu.memory_space<semaphore_mem>>) src(%arg9 : memref<128x128xf32, #tpu.memory_space<vmem>>) dst(%dma_wait3A_46 : memref<128x128xf32, #tpu.memory_space<vmem_shared>>)
      tpu.yield
    }) : () -> ()
    %add3A_11 = arith.constant 512 : i32
    %add3A_12 = arith.addi %mul3A_2, %add3A_11 : i32
    "tpu.region"() ({
      %run_scoped3A = tpu.sem_alloc : memref<!tpu.dma_semaphore, #tpu.memory_space<semaphore_mem>>
      %dma_start3A_40 = arith.constant 0 : i32
      %dma_start3A_41 = tpu.memref_slice %arg11[%add3A_12, %dma_start3A_40] : memref<10240x128xf32, #tpu.memory_space<vmem_shared>> -> memref<128x128xf32, #tpu.memory_space<vmem_shared>>
      %dma_start3A_42 = arith.constant 0 : i32
      %dma_start3A_43 = tpu.memref_slice %arg11[%add3A_12, %dma_start3A_42] : memref<10240x128xf32, #tpu.memory_space<vmem_shared>> -> memref<128x128xf32, #tpu.memory_space<vmem_shared>>
      tpu.enqueue_dma source(%arg9 : memref<128x128xf32, #tpu.memory_space<vmem>>) target(%dma_start3A_43 : memref<128x128xf32, #tpu.memory_space<vmem_shared>>) target_semaphore(%run_scoped3A : memref<!tpu.dma_semaphore, #tpu.memory_space<semaphore_mem>>)
      %dma_wait3A = arith.constant 0 : i32
      %dma_wait3A_44 = tpu.memref_slice %arg11[%add3A_12, %dma_wait3A] : memref<10240x128xf32, #tpu.memory_space<vmem_shared>> -> memref<128x128xf32, #tpu.memory_space<vmem_shared>>
      %dma_wait3A_45 = arith.constant 0 : i32
      %dma_wait3A_46 = tpu.memref_slice %arg11[%add3A_12, %dma_wait3A_45] : memref<10240x128xf32, #tpu.memory_space<vmem_shared>> -> memref<128x128xf32, #tpu.memory_space<vmem_shared>>
      tpu.wait_dma2 semaphore(%run_scoped3A : memref<!tpu.dma_semaphore, #tpu.memory_space<semaphore_mem>>) src(%arg9 : memref<128x128xf32, #tpu.memory_space<vmem>>) dst(%dma_wait3A_46 : memref<128x128xf32, #tpu.memory_space<vmem_shared>>)
      tpu.yield
    }) : () -> ()
    %barrier3A = arith.constant 0 : index
    tpu.barrier barrier_id(%barrier3A)
    "tpu.region"() ({
      %run_scoped3A = tpu.sem_alloc : memref<!tpu.dma_semaphore, #tpu.memory_space<semaphore_mem>>
      %dma_start3A_40 = arith.constant 0 : i32
      %dma_start3A_41 = arith.constant 0 : i32
      %dma_start3A_42 = tpu.memref_slice %arg3[%add3A, %dma_start3A_40, %dma_start3A_41] : memref<32x80x128xi32, #tpu.memory_space<hbm>> -> memref<1x40x128xi32, #tpu.memory_space<hbm>>
      %dma_start3A_43 = tpu.memref_squeeze %dma_start3A_42 : memref<1x40x128xi32, #tpu.memory_space<hbm>> -> memref<40x128xi32, #tpu.memory_space<hbm>>
      %dma_start3A_44 = arith.constant 0 : i32
      %dma_start3A_45 = arith.constant 0 : i32
      %dma_start3A_46 = tpu.memref_slice %arg3[%add3A, %dma_start3A_44, %dma_start3A_45] : memref<32x80x128xi32, #tpu.memory_space<hbm>> -> memref<1x40x128xi32, #tpu.memory_space<hbm>>
      %dma_start3A_47 = tpu.memref_squeeze %dma_start3A_46 : memref<1x40x128xi32, #tpu.memory_space<hbm>> -> memref<40x128xi32, #tpu.memory_space<hbm>>
      tpu.enqueue_dma source(%dma_start3A_47 : memref<40x128xi32, #tpu.memory_space<hbm>>) target(%arg7 : memref<40x128xi32, #tpu.memory_space<vmem>>) target_semaphore(%run_scoped3A : memref<!tpu.dma_semaphore, #tpu.memory_space<semaphore_mem>>)
      %dma_wait3A = arith.constant 0 : i32
      %dma_wait3A_48 = arith.constant 0 : i32
      %dma_wait3A_49 = tpu.memref_slice %arg3[%add3A, %dma_wait3A, %dma_wait3A_48] : memref<32x80x128xi32, #tpu.memory_space<hbm>> -> memref<1x40x128xi32, #tpu.memory_space<hbm>>
      %dma_wait3A_50 = tpu.memref_squeeze %dma_wait3A_49 : memref<1x40x128xi32, #tpu.memory_space<hbm>> -> memref<40x128xi32, #tpu.memory_space<hbm>>
      %dma_wait3A_51 = arith.constant 0 : i32
      %dma_wait3A_52 = arith.constant 0 : i32
      %dma_wait3A_53 = tpu.memref_slice %arg3[%add3A, %dma_wait3A_51, %dma_wait3A_52] : memref<32x80x128xi32, #tpu.memory_space<hbm>> -> memref<1x40x128xi32, #tpu.memory_space<hbm>>
      %dma_wait3A_54 = tpu.memref_squeeze %dma_wait3A_53 : memref<1x40x128xi32, #tpu.memory_space<hbm>> -> memref<40x128xi32, #tpu.memory_space<hbm>>
      tpu.wait_dma2 semaphore(%run_scoped3A : memref<!tpu.dma_semaphore, #tpu.memory_space<semaphore_mem>>) src(%dma_wait3A_54 : memref<40x128xi32, #tpu.memory_space<hbm>>) dst(%arg7 : memref<40x128xi32, #tpu.memory_space<vmem>>)
      tpu.yield
    }) : () -> ()
    "tpu.region"() ({
      %run_scoped3A = tpu.sem_alloc : memref<!tpu.dma_semaphore, #tpu.memory_space<semaphore_mem>>
      %dma_start3A_40 = arith.constant 0 : i32
      %dma_start3A_41 = arith.constant 0 : i32
      %dma_start3A_42 = tpu.memref_slice %arg4[%add3A, %dma_start3A_40, %dma_start3A_41] : memref<32x80x128xi32, #tpu.memory_space<hbm>> -> memref<1x40x128xi32, #tpu.memory_space<hbm>>
      %dma_start3A_43 = tpu.memref_squeeze %dma_start3A_42 : memref<1x40x128xi32, #tpu.memory_space<hbm>> -> memref<40x128xi32, #tpu.memory_space<hbm>>
      %dma_start3A_44 = arith.constant 0 : i32
      %dma_start3A_45 = arith.constant 0 : i32
      %dma_start3A_46 = tpu.memref_slice %arg4[%add3A, %dma_start3A_44, %dma_start3A_45] : memref<32x80x128xi32, #tpu.memory_space<hbm>> -> memref<1x40x128xi32, #tpu.memory_space<hbm>>
      %dma_start3A_47 = tpu.memref_squeeze %dma_start3A_46 : memref<1x40x128xi32, #tpu.memory_space<hbm>> -> memref<40x128xi32, #tpu.memory_space<hbm>>
      tpu.enqueue_dma source(%dma_start3A_47 : memref<40x128xi32, #tpu.memory_space<hbm>>) target(%arg8 : memref<40x128xi32, #tpu.memory_space<vmem>>) target_semaphore(%run_scoped3A : memref<!tpu.dma_semaphore, #tpu.memory_space<semaphore_mem>>)
      %dma_wait3A = arith.constant 0 : i32
      %dma_wait3A_48 = arith.constant 0 : i32
      %dma_wait3A_49 = tpu.memref_slice %arg4[%add3A, %dma_wait3A, %dma_wait3A_48] : memref<32x80x128xi32, #tpu.memory_space<hbm>> -> memref<1x40x128xi32, #tpu.memory_space<hbm>>
      %dma_wait3A_50 = tpu.memref_squeeze %dma_wait3A_49 : memref<1x40x128xi32, #tpu.memory_space<hbm>> -> memref<40x128xi32, #tpu.memory_space<hbm>>
      %dma_wait3A_51 = arith.constant 0 : i32
      %dma_wait3A_52 = arith.constant 0 : i32
      %dma_wait3A_53 = tpu.memref_slice %arg4[%add3A, %dma_wait3A_51, %dma_wait3A_52] : memref<32x80x128xi32, #tpu.memory_space<hbm>> -> memref<1x40x128xi32, #tpu.memory_space<hbm>>
      %dma_wait3A_54 = tpu.memref_squeeze %dma_wait3A_53 : memref<1x40x128xi32, #tpu.memory_space<hbm>> -> memref<40x128xi32, #tpu.memory_space<hbm>>
      tpu.wait_dma2 semaphore(%run_scoped3A : memref<!tpu.dma_semaphore, #tpu.memory_space<semaphore_mem>>) src(%dma_wait3A_54 : memref<40x128xi32, #tpu.memory_space<hbm>>) dst(%arg8 : memref<40x128xi32, #tpu.memory_space<vmem>>)
      tpu.yield
    }) : () -> ()
    %dma_start3A = arith.constant 0 : i32
    %dma_start3A_13 = arith.constant 0 : i32
    %dma_start3A_14 = tpu.memref_slice %arg7[%dma_start3A, %dma_start3A_13] : memref<40x128xi32, #tpu.memory_space<vmem>> -> memref<1x128xi32, #tpu.memory_space<vmem>>
    %dma_start3A_15 = tpu.memref_squeeze %dma_start3A_14 : memref<1x128xi32, #tpu.memory_space<vmem>> -> memref<128xi32, #tpu.memory_space<vmem>>
    %dma_start3A_16 = arith.constant 0 : i32
    %dma_start3A_17 = arith.constant 0 : i32
    %dma_start3A_18 = tpu.memref_slice %arg2[%dma_start3A_16, %dma_start3A_17] : memref<10240x128xf32, #tpu.memory_space<hbm>> -> memref<10240x128xf32, #tpu.memory_space<hbm>>
    tpu.enqueue_indirect_dma source(%dma_start3A_18 : memref<10240x128xf32, #tpu.memory_space<hbm>>) target(%arg9 : memref<128x128xf32, #tpu.memory_space<vmem>>) offsets(%dma_start3A_15 : memref<128xi32, #tpu.memory_space<vmem>>) semaphore(%arg12 : memref<!tpu.dma_semaphore, #tpu.memory_space<semaphore_mem>>)
    %scan3A = arith.constant 0 : i32
    %scan3A_19 = arith.constant 0 : i32
    %scan3A_20 = arith.constant 20 : i32
    %scan3A_21 = arith.addi %scan3A_19, %scan3A_20 : i32
    %scan3A_22 = arith.constant 1 : i32
    %scan3A_23 = scf.for %scan3A_40 = %scan3A_19 to %scan3A_21 step %scan3A_22 iter_args(%scan3A_41 = %scan3A) -> (i32)  : i32 {
      %mul3A_42 = arith.constant 2 : i32
      %mul3A_43 = arith.muli %mul3A_42, %scan3A_40 : i32
      %add3A_44 = arith.constant 1 : i32
      %add3A_45 = arith.addi %mul3A_43, %add3A_44 : i32
      %dma_start3A_46 = arith.constant 0 : i32
      %dma_start3A_47 = tpu.memref_slice %arg7[%add3A_45, %dma_start3A_46] : memref<40x128xi32, #tpu.memory_space<vmem>> -> memref<1x128xi32, #tpu.memory_space<vmem>>
      %dma_start3A_48 = tpu.memref_squeeze %dma_start3A_47 : memref<1x128xi32, #tpu.memory_space<vmem>> -> memref<128xi32, #tpu.memory_space<vmem>>
      %dma_start3A_49 = arith.constant 0 : i32
      %dma_start3A_50 = arith.constant 0 : i32
      %dma_start3A_51 = tpu.memref_slice %arg2[%dma_start3A_49, %dma_start3A_50] : memref<10240x128xf32, #tpu.memory_space<hbm>> -> memref<10240x128xf32, #tpu.memory_space<hbm>>
      tpu.enqueue_indirect_dma source(%dma_start3A_51 : memref<10240x128xf32, #tpu.memory_space<hbm>>) target(%arg10 : memref<128x128xf32, #tpu.memory_space<vmem>>) offsets(%dma_start3A_48 : memref<128xi32, #tpu.memory_space<vmem>>) semaphore(%arg13 : memref<!tpu.dma_semaphore, #tpu.memory_space<semaphore_mem>>)
      %dma_wait3A = arith.constant 0 : i32
      %dma_wait3A_52 = tpu.memref_slice %arg7[%mul3A_43, %dma_wait3A] : memref<40x128xi32, #tpu.memory_space<vmem>> -> memref<1x128xi32, #tpu.memory_space<vmem>>
      %dma_wait3A_53 = tpu.memref_squeeze %dma_wait3A_52 : memref<1x128xi32, #tpu.memory_space<vmem>> -> memref<128xi32, #tpu.memory_space<vmem>>
      %dma_wait3A_54 = arith.constant 0 : i32
      %dma_wait3A_55 = arith.constant 0 : i32
      %dma_wait3A_56 = tpu.memref_slice %arg2[%dma_wait3A_54, %dma_wait3A_55] : memref<10240x128xf32, #tpu.memory_space<hbm>> -> memref<10240x128xf32, #tpu.memory_space<hbm>>
      tpu.wait_indirect_dma semaphore(%arg12 : memref<!tpu.dma_semaphore, #tpu.memory_space<semaphore_mem>>) src(%dma_wait3A_56 : memref<10240x128xf32, #tpu.memory_space<hbm>>) dst(%arg9 : memref<128x128xf32, #tpu.memory_space<vmem>>)
      "tpu.region"() ({
        %run_scoped3A = tpu.sem_alloc : memref<!tpu.dma_semaphore, #tpu.memory_space<semaphore_mem>>
        %dma_start3A_70 = arith.constant 0 : i32
        %dma_start3A_71 = tpu.memref_slice %arg8[%mul3A_43, %dma_start3A_70] : memref<40x128xi32, #tpu.memory_space<vmem>> -> memref<1x128xi32, #tpu.memory_space<vmem>>
        %dma_start3A_72 = tpu.memref_squeeze %dma_start3A_71 : memref<1x128xi32, #tpu.memory_space<vmem>> -> memref<128xi32, #tpu.memory_space<vmem>>
        %dma_start3A_73 = arith.constant 0 : i32
        %dma_start3A_74 = arith.constant 0 : i32
        %dma_start3A_75 = tpu.memref_slice %arg11[%dma_start3A_73, %dma_start3A_74] : memref<10240x128xf32, #tpu.memory_space<vmem_shared>> -> memref<10240x128xf32, #tpu.memory_space<vmem_shared>>
        tpu.enqueue_indirect_dma source(%arg9 : memref<128x128xf32, #tpu.memory_space<vmem>>) target(%dma_start3A_75 : memref<10240x128xf32, #tpu.memory_space<vmem_shared>>) offsets(%dma_start3A_72 : memref<128xi32, #tpu.memory_space<vmem>>) semaphore(%run_scoped3A : memref<!tpu.dma_semaphore, #tpu.memory_space<semaphore_mem>>) {add = true}
        %dma_wait3A_76 = arith.constant 0 : i32
        %dma_wait3A_77 = tpu.memref_slice %arg8[%mul3A_43, %dma_wait3A_76] : memref<40x128xi32, #tpu.memory_space<vmem>> -> memref<1x128xi32, #tpu.memory_space<vmem>>
        %dma_wait3A_78 = tpu.memref_squeeze %dma_wait3A_77 : memref<1x128xi32, #tpu.memory_space<vmem>> -> memref<128xi32, #tpu.memory_space<vmem>>
        %dma_wait3A_79 = arith.constant 0 : i32
        %dma_wait3A_80 = arith.constant 0 : i32
        %dma_wait3A_81 = tpu.memref_slice %arg11[%dma_wait3A_79, %dma_wait3A_80] : memref<10240x128xf32, #tpu.memory_space<vmem_shared>> -> memref<10240x128xf32, #tpu.memory_space<vmem_shared>>
        tpu.wait_indirect_dma semaphore(%run_scoped3A : memref<!tpu.dma_semaphore, #tpu.memory_space<semaphore_mem>>) src(%arg9 : memref<128x128xf32, #tpu.memory_space<vmem>>) dst(%dma_wait3A_81 : memref<10240x128xf32, #tpu.memory_space<vmem_shared>>)
        tpu.yield
      }) : () -> ()
      %lt3A = arith.constant 19 : i32
      %lt3A_57 = arith.cmpi slt, %scan3A_40, %lt3A : i32
      %convert_element_type3A = arith.extui %lt3A_57 : i1 to i32
      %cond3A = arith.constant 0 : i32
      %cond3A_58 = arith.cmpi ne, %convert_element_type3A, %cond3A : i32
      scf.if %cond3A_58 {
        %add3A_70 = arith.constant 2 : i32
        %add3A_71 = arith.addi %mul3A_43, %add3A_70 : i32
        %dma_start3A_72 = arith.constant 0 : i32
        %dma_start3A_73 = tpu.memref_slice %arg7[%add3A_71, %dma_start3A_72] : memref<40x128xi32, #tpu.memory_space<vmem>> -> memref<1x128xi32, #tpu.memory_space<vmem>>
        %dma_start3A_74 = tpu.memref_squeeze %dma_start3A_73 : memref<1x128xi32, #tpu.memory_space<vmem>> -> memref<128xi32, #tpu.memory_space<vmem>>
        %dma_start3A_75 = arith.constant 0 : i32
        %dma_start3A_76 = arith.constant 0 : i32
        %dma_start3A_77 = tpu.memref_slice %arg2[%dma_start3A_75, %dma_start3A_76] : memref<10240x128xf32, #tpu.memory_space<hbm>> -> memref<10240x128xf32, #tpu.memory_space<hbm>>
        tpu.enqueue_indirect_dma source(%dma_start3A_77 : memref<10240x128xf32, #tpu.memory_space<hbm>>) target(%arg9 : memref<128x128xf32, #tpu.memory_space<vmem>>) offsets(%dma_start3A_74 : memref<128xi32, #tpu.memory_space<vmem>>) semaphore(%arg12 : memref<!tpu.dma_semaphore, #tpu.memory_space<semaphore_mem>>)
      } else {
      }
      %add3A_59 = arith.constant 1 : i32
      %add3A_60 = arith.addi %mul3A_43, %add3A_59 : i32
      %dma_wait3A_61 = arith.constant 0 : i32
      %dma_wait3A_62 = tpu.memref_slice %arg7[%add3A_60, %dma_wait3A_61] : memref<40x128xi32, #tpu.memory_space<vmem>> -> memref<1x128xi32, #tpu.memory_space<vmem>>
      %dma_wait3A_63 = tpu.memref_squeeze %dma_wait3A_62 : memref<1x128xi32, #tpu.memory_space<vmem>> -> memref<128xi32, #tpu.memory_space<vmem>>
      %dma_wait3A_64 = arith.constant 0 : i32
      %dma_wait3A_65 = arith.constant 0 : i32
      %dma_wait3A_66 = tpu.memref_slice %arg2[%dma_wait3A_64, %dma_wait3A_65] : memref<10240x128xf32, #tpu.memory_space<hbm>> -> memref<10240x128xf32, #tpu.memory_space<hbm>>
      tpu.wait_indirect_dma semaphore(%arg13 : memref<!tpu.dma_semaphore, #tpu.memory_space<semaphore_mem>>) src(%dma_wait3A_66 : memref<10240x128xf32, #tpu.memory_space<hbm>>) dst(%arg10 : memref<128x128xf32, #tpu.memory_space<vmem>>)
      %add3A_67 = arith.constant 1 : i32
      %add3A_68 = arith.addi %mul3A_43, %add3A_67 : i32
      "tpu.region"() ({
        %run_scoped3A = tpu.sem_alloc : memref<!tpu.dma_semaphore, #tpu.memory_space<semaphore_mem>>
        %dma_start3A_70 = arith.constant 0 : i32
        %dma_start3A_71 = tpu.memref_slice %arg8[%add3A_68, %dma_start3A_70] : memref<40x128xi32, #tpu.memory_space<vmem>> -> memref<1x128xi32, #tpu.memory_space<vmem>>
        %dma_start3A_72 = tpu.memref_squeeze %dma_start3A_71 : memref<1x128xi32, #tpu.memory_space<vmem>> -> memref<128xi32, #tpu.memory_space<vmem>>
        %dma_start3A_73 = arith.constant 0 : i32
        %dma_start3A_74 = arith.constant 0 : i32
        %dma_start3A_75 = tpu.memref_slice %arg11[%dma_start3A_73, %dma_start3A_74] : memref<10240x128xf32, #tpu.memory_space<vmem_shared>> -> memref<10240x128xf32, #tpu.memory_space<vmem_shared>>
        tpu.enqueue_indirect_dma source(%arg10 : memref<128x128xf32, #tpu.memory_space<vmem>>) target(%dma_start3A_75 : memref<10240x128xf32, #tpu.memory_space<vmem_shared>>) offsets(%dma_start3A_72 : memref<128xi32, #tpu.memory_space<vmem>>) semaphore(%run_scoped3A : memref<!tpu.dma_semaphore, #tpu.memory_space<semaphore_mem>>) {add = true}
        %dma_wait3A_76 = arith.constant 0 : i32
        %dma_wait3A_77 = tpu.memref_slice %arg8[%add3A_68, %dma_wait3A_76] : memref<40x128xi32, #tpu.memory_space<vmem>> -> memref<1x128xi32, #tpu.memory_space<vmem>>
        %dma_wait3A_78 = tpu.memref_squeeze %dma_wait3A_77 : memref<1x128xi32, #tpu.memory_space<vmem>> -> memref<128xi32, #tpu.memory_space<vmem>>
        %dma_wait3A_79 = arith.constant 0 : i32
        %dma_wait3A_80 = arith.constant 0 : i32
        %dma_wait3A_81 = tpu.memref_slice %arg11[%dma_wait3A_79, %dma_wait3A_80] : memref<10240x128xf32, #tpu.memory_space<vmem_shared>> -> memref<10240x128xf32, #tpu.memory_space<vmem_shared>>
        tpu.wait_indirect_dma semaphore(%run_scoped3A : memref<!tpu.dma_semaphore, #tpu.memory_space<semaphore_mem>>) src(%arg10 : memref<128x128xf32, #tpu.memory_space<vmem>>) dst(%dma_wait3A_81 : memref<10240x128xf32, #tpu.memory_space<vmem_shared>>)
        tpu.yield
      }) : () -> ()
      %scan3A_69 = arith.constant 0 : i32
      scf.yield %scan3A_69 : i32
    }
    %scan3A_24 = arith.constant 20 : i32
    "tpu.region"() ({
      %run_scoped3A = tpu.sem_alloc : memref<!tpu.dma_semaphore, #tpu.memory_space<semaphore_mem>>
      %dma_start3A_40 = arith.constant 40 : i32
      %dma_start3A_41 = arith.constant 0 : i32
      %dma_start3A_42 = tpu.memref_slice %arg3[%add3A, %dma_start3A_40, %dma_start3A_41] : memref<32x80x128xi32, #tpu.memory_space<hbm>> -> memref<1x40x128xi32, #tpu.memory_space<hbm>>
      %dma_start3A_43 = tpu.memref_squeeze %dma_start3A_42 : memref<1x40x128xi32, #tpu.memory_space<hbm>> -> memref<40x128xi32, #tpu.memory_space<hbm>>
      %dma_start3A_44 = arith.constant 40 : i32
      %dma_start3A_45 = arith.constant 0 : i32
      %dma_start3A_46 = tpu.memref_slice %arg3[%add3A, %dma_start3A_44, %dma_start3A_45] : memref<32x80x128xi32, #tpu.memory_space<hbm>> -> memref<1x40x128xi32, #tpu.memory_space<hbm>>
      %dma_start3A_47 = tpu.memref_squeeze %dma_start3A_46 : memref<1x40x128xi32, #tpu.memory_space<hbm>> -> memref<40x128xi32, #tpu.memory_space<hbm>>
      tpu.enqueue_dma source(%dma_start3A_47 : memref<40x128xi32, #tpu.memory_space<hbm>>) target(%arg7 : memref<40x128xi32, #tpu.memory_space<vmem>>) target_semaphore(%run_scoped3A : memref<!tpu.dma_semaphore, #tpu.memory_space<semaphore_mem>>)
      %dma_wait3A = arith.constant 40 : i32
      %dma_wait3A_48 = arith.constant 0 : i32
      %dma_wait3A_49 = tpu.memref_slice %arg3[%add3A, %dma_wait3A, %dma_wait3A_48] : memref<32x80x128xi32, #tpu.memory_space<hbm>> -> memref<1x40x128xi32, #tpu.memory_space<hbm>>
      %dma_wait3A_50 = tpu.memref_squeeze %dma_wait3A_49 : memref<1x40x128xi32, #tpu.memory_space<hbm>> -> memref<40x128xi32, #tpu.memory_space<hbm>>
      %dma_wait3A_51 = arith.constant 40 : i32
      %dma_wait3A_52 = arith.constant 0 : i32
      %dma_wait3A_53 = tpu.memref_slice %arg3[%add3A, %dma_wait3A_51, %dma_wait3A_52] : memref<32x80x128xi32, #tpu.memory_space<hbm>> -> memref<1x40x128xi32, #tpu.memory_space<hbm>>
      %dma_wait3A_54 = tpu.memref_squeeze %dma_wait3A_53 : memref<1x40x128xi32, #tpu.memory_space<hbm>> -> memref<40x128xi32, #tpu.memory_space<hbm>>
      tpu.wait_dma2 semaphore(%run_scoped3A : memref<!tpu.dma_semaphore, #tpu.memory_space<semaphore_mem>>) src(%dma_wait3A_54 : memref<40x128xi32, #tpu.memory_space<hbm>>) dst(%arg7 : memref<40x128xi32, #tpu.memory_space<vmem>>)
      tpu.yield
    }) : () -> ()
    "tpu.region"() ({
      %run_scoped3A = tpu.sem_alloc : memref<!tpu.dma_semaphore, #tpu.memory_space<semaphore_mem>>
      %dma_start3A_40 = arith.constant 40 : i32
      %dma_start3A_41 = arith.constant 0 : i32
      %dma_start3A_42 = tpu.memref_slice %arg4[%add3A, %dma_start3A_40, %dma_start3A_41] : memref<32x80x128xi32, #tpu.memory_space<hbm>> -> memref<1x40x128xi32, #tpu.memory_space<hbm>>
      %dma_start3A_43 = tpu.memref_squeeze %dma_start3A_42 : memref<1x40x128xi32, #tpu.memory_space<hbm>> -> memref<40x128xi32, #tpu.memory_space<hbm>>
      %dma_start3A_44 = arith.constant 40 : i32
      %dma_start3A_45 = arith.constant 0 : i32
      %dma_start3A_46 = tpu.memref_slice %arg4[%add3A, %dma_start3A_44, %dma_start3A_45] : memref<32x80x128xi32, #tpu.memory_space<hbm>> -> memref<1x40x128xi32, #tpu.memory_space<hbm>>
      %dma_start3A_47 = tpu.memref_squeeze %dma_start3A_46 : memref<1x40x128xi32, #tpu.memory_space<hbm>> -> memref<40x128xi32, #tpu.memory_space<hbm>>
      tpu.enqueue_dma source(%dma_start3A_47 : memref<40x128xi32, #tpu.memory_space<hbm>>) target(%arg8 : memref<40x128xi32, #tpu.memory_space<vmem>>) target_semaphore(%run_scoped3A : memref<!tpu.dma_semaphore, #tpu.memory_space<semaphore_mem>>)
      %dma_wait3A = arith.constant 40 : i32
      %dma_wait3A_48 = arith.constant 0 : i32
      %dma_wait3A_49 = tpu.memref_slice %arg4[%add3A, %dma_wait3A, %dma_wait3A_48] : memref<32x80x128xi32, #tpu.memory_space<hbm>> -> memref<1x40x128xi32, #tpu.memory_space<hbm>>
      %dma_wait3A_50 = tpu.memref_squeeze %dma_wait3A_49 : memref<1x40x128xi32, #tpu.memory_space<hbm>> -> memref<40x128xi32, #tpu.memory_space<hbm>>
      %dma_wait3A_51 = arith.constant 40 : i32
      %dma_wait3A_52 = arith.constant 0 : i32
      %dma_wait3A_53 = tpu.memref_slice %arg4[%add3A, %dma_wait3A_51, %dma_wait3A_52] : memref<32x80x128xi32, #tpu.memory_space<hbm>> -> memref<1x40x128xi32, #tpu.memory_space<hbm>>
      %dma_wait3A_54 = tpu.memref_squeeze %dma_wait3A_53 : memref<1x40x128xi32, #tpu.memory_space<hbm>> -> memref<40x128xi32, #tpu.memory_space<hbm>>
      tpu.wait_dma2 semaphore(%run_scoped3A : memref<!tpu.dma_semaphore, #tpu.memory_space<semaphore_mem>>) src(%dma_wait3A_54 : memref<40x128xi32, #tpu.memory_space<hbm>>) dst(%arg8 : memref<40x128xi32, #tpu.memory_space<vmem>>)
      tpu.yield
    }) : () -> ()
    %dma_start3A_25 = arith.constant 0 : i32
    %dma_start3A_26 = arith.constant 0 : i32
    %dma_start3A_27 = tpu.memref_slice %arg7[%dma_start3A_25, %dma_start3A_26] : memref<40x128xi32, #tpu.memory_space<vmem>> -> memref<1x128xi32, #tpu.memory_space<vmem>>
    %dma_start3A_28 = tpu.memref_squeeze %dma_start3A_27 : memref<1x128xi32, #tpu.memory_space<vmem>> -> memref<128xi32, #tpu.memory_space<vmem>>
    %dma_start3A_29 = arith.constant 0 : i32
    %dma_start3A_30 = arith.constant 0 : i32
    %dma_start3A_31 = tpu.memref_slice %arg2[%dma_start3A_29, %dma_start3A_30] : memref<10240x128xf32, #tpu.memory_space<hbm>> -> memref<10240x128xf32, #tpu.memory_space<hbm>>
    tpu.enqueue_indirect_dma source(%dma_start3A_31 : memref<10240x128xf32, #tpu.memory_space<hbm>>) target(%arg9 : memref<128x128xf32, #tpu.memory_space<vmem>>) offsets(%dma_start3A_28 : memref<128xi32, #tpu.memory_space<vmem>>) semaphore(%arg12 : memref<!tpu.dma_semaphore, #tpu.memory_space<semaphore_mem>>)
    %scan3A_32 = arith.constant 0 : i32
    %scan3A_33 = arith.constant 0 : i32
    %scan3A_34 = arith.constant 20 : i32
    %scan3A_35 = arith.addi %scan3A_33, %scan3A_34 : i32
    %scan3A_36 = arith.constant 1 : i32
    %scan3A_37 = scf.for %scan3A_40 = %scan3A_33 to %scan3A_35 step %scan3A_36 iter_args(%scan3A_41 = %scan3A_32) -> (i32)  : i32 {
      %mul3A_42 = arith.constant 2 : i32
      %mul3A_43 = arith.muli %mul3A_42, %scan3A_40 : i32
      %add3A_44 = arith.constant 1 : i32
      %add3A_45 = arith.addi %mul3A_43, %add3A_44 : i32
      %dma_start3A_46 = arith.constant 0 : i32
      %dma_start3A_47 = tpu.memref_slice %arg7[%add3A_45, %dma_start3A_46] : memref<40x128xi32, #tpu.memory_space<vmem>> -> memref<1x128xi32, #tpu.memory_space<vmem>>
      %dma_start3A_48 = tpu.memref_squeeze %dma_start3A_47 : memref<1x128xi32, #tpu.memory_space<vmem>> -> memref<128xi32, #tpu.memory_space<vmem>>
      %dma_start3A_49 = arith.constant 0 : i32
      %dma_start3A_50 = arith.constant 0 : i32
      %dma_start3A_51 = tpu.memref_slice %arg2[%dma_start3A_49, %dma_start3A_50] : memref<10240x128xf32, #tpu.memory_space<hbm>> -> memref<10240x128xf32, #tpu.memory_space<hbm>>
      tpu.enqueue_indirect_dma source(%dma_start3A_51 : memref<10240x128xf32, #tpu.memory_space<hbm>>) target(%arg10 : memref<128x128xf32, #tpu.memory_space<vmem>>) offsets(%dma_start3A_48 : memref<128xi32, #tpu.memory_space<vmem>>) semaphore(%arg13 : memref<!tpu.dma_semaphore, #tpu.memory_space<semaphore_mem>>)
      %dma_wait3A = arith.constant 0 : i32
      %dma_wait3A_52 = tpu.memref_slice %arg7[%mul3A_43, %dma_wait3A] : memref<40x128xi32, #tpu.memory_space<vmem>> -> memref<1x128xi32, #tpu.memory_space<vmem>>
      %dma_wait3A_53 = tpu.memref_squeeze %dma_wait3A_52 : memref<1x128xi32, #tpu.memory_space<vmem>> -> memref<128xi32, #tpu.memory_space<vmem>>
      %dma_wait3A_54 = arith.constant 0 : i32
      %dma_wait3A_55 = arith.constant 0 : i32
      %dma_wait3A_56 = tpu.memref_slice %arg2[%dma_wait3A_54, %dma_wait3A_55] : memref<10240x128xf32, #tpu.memory_space<hbm>> -> memref<10240x128xf32, #tpu.memory_space<hbm>>
      tpu.wait_indirect_dma semaphore(%arg12 : memref<!tpu.dma_semaphore, #tpu.memory_space<semaphore_mem>>) src(%dma_wait3A_56 : memref<10240x128xf32, #tpu.memory_space<hbm>>) dst(%arg9 : memref<128x128xf32, #tpu.memory_space<vmem>>)
      "tpu.region"() ({
        %run_scoped3A = tpu.sem_alloc : memref<!tpu.dma_semaphore, #tpu.memory_space<semaphore_mem>>
        %dma_start3A_70 = arith.constant 0 : i32
        %dma_start3A_71 = tpu.memref_slice %arg8[%mul3A_43, %dma_start3A_70] : memref<40x128xi32, #tpu.memory_space<vmem>> -> memref<1x128xi32, #tpu.memory_space<vmem>>
        %dma_start3A_72 = tpu.memref_squeeze %dma_start3A_71 : memref<1x128xi32, #tpu.memory_space<vmem>> -> memref<128xi32, #tpu.memory_space<vmem>>
        %dma_start3A_73 = arith.constant 0 : i32
        %dma_start3A_74 = arith.constant 0 : i32
        %dma_start3A_75 = tpu.memref_slice %arg11[%dma_start3A_73, %dma_start3A_74] : memref<10240x128xf32, #tpu.memory_space<vmem_shared>> -> memref<10240x128xf32, #tpu.memory_space<vmem_shared>>
        tpu.enqueue_indirect_dma source(%arg9 : memref<128x128xf32, #tpu.memory_space<vmem>>) target(%dma_start3A_75 : memref<10240x128xf32, #tpu.memory_space<vmem_shared>>) offsets(%dma_start3A_72 : memref<128xi32, #tpu.memory_space<vmem>>) semaphore(%run_scoped3A : memref<!tpu.dma_semaphore, #tpu.memory_space<semaphore_mem>>) {add = true}
        %dma_wait3A_76 = arith.constant 0 : i32
        %dma_wait3A_77 = tpu.memref_slice %arg8[%mul3A_43, %dma_wait3A_76] : memref<40x128xi32, #tpu.memory_space<vmem>> -> memref<1x128xi32, #tpu.memory_space<vmem>>
        %dma_wait3A_78 = tpu.memref_squeeze %dma_wait3A_77 : memref<1x128xi32, #tpu.memory_space<vmem>> -> memref<128xi32, #tpu.memory_space<vmem>>
        %dma_wait3A_79 = arith.constant 0 : i32
        %dma_wait3A_80 = arith.constant 0 : i32
        %dma_wait3A_81 = tpu.memref_slice %arg11[%dma_wait3A_79, %dma_wait3A_80] : memref<10240x128xf32, #tpu.memory_space<vmem_shared>> -> memref<10240x128xf32, #tpu.memory_space<vmem_shared>>
        tpu.wait_indirect_dma semaphore(%run_scoped3A : memref<!tpu.dma_semaphore, #tpu.memory_space<semaphore_mem>>) src(%arg9 : memref<128x128xf32, #tpu.memory_space<vmem>>) dst(%dma_wait3A_81 : memref<10240x128xf32, #tpu.memory_space<vmem_shared>>)
        tpu.yield
      }) : () -> ()
      %lt3A = arith.constant 19 : i32
      %lt3A_57 = arith.cmpi slt, %scan3A_40, %lt3A : i32
      %convert_element_type3A = arith.extui %lt3A_57 : i1 to i32
      %cond3A = arith.constant 0 : i32
      %cond3A_58 = arith.cmpi ne, %convert_element_type3A, %cond3A : i32
      scf.if %cond3A_58 {
        %add3A_70 = arith.constant 2 : i32
        %add3A_71 = arith.addi %mul3A_43, %add3A_70 : i32
        %dma_start3A_72 = arith.constant 0 : i32
        %dma_start3A_73 = tpu.memref_slice %arg7[%add3A_71, %dma_start3A_72] : memref<40x128xi32, #tpu.memory_space<vmem>> -> memref<1x128xi32, #tpu.memory_space<vmem>>
        %dma_start3A_74 = tpu.memref_squeeze %dma_start3A_73 : memref<1x128xi32, #tpu.memory_space<vmem>> -> memref<128xi32, #tpu.memory_space<vmem>>
        %dma_start3A_75 = arith.constant 0 : i32
        %dma_start3A_76 = arith.constant 0 : i32
        %dma_start3A_77 = tpu.memref_slice %arg2[%dma_start3A_75, %dma_start3A_76] : memref<10240x128xf32, #tpu.memory_space<hbm>> -> memref<10240x128xf32, #tpu.memory_space<hbm>>
        tpu.enqueue_indirect_dma source(%dma_start3A_77 : memref<10240x128xf32, #tpu.memory_space<hbm>>) target(%arg9 : memref<128x128xf32, #tpu.memory_space<vmem>>) offsets(%dma_start3A_74 : memref<128xi32, #tpu.memory_space<vmem>>) semaphore(%arg12 : memref<!tpu.dma_semaphore, #tpu.memory_space<semaphore_mem>>)
      } else {
      }
      %add3A_59 = arith.constant 1 : i32
      %add3A_60 = arith.addi %mul3A_43, %add3A_59 : i32
      %dma_wait3A_61 = arith.constant 0 : i32
      %dma_wait3A_62 = tpu.memref_slice %arg7[%add3A_60, %dma_wait3A_61] : memref<40x128xi32, #tpu.memory_space<vmem>> -> memref<1x128xi32, #tpu.memory_space<vmem>>
      %dma_wait3A_63 = tpu.memref_squeeze %dma_wait3A_62 : memref<1x128xi32, #tpu.memory_space<vmem>> -> memref<128xi32, #tpu.memory_space<vmem>>
      %dma_wait3A_64 = arith.constant 0 : i32
      %dma_wait3A_65 = arith.constant 0 : i32
      %dma_wait3A_66 = tpu.memref_slice %arg2[%dma_wait3A_64, %dma_wait3A_65] : memref<10240x128xf32, #tpu.memory_space<hbm>> -> memref<10240x128xf32, #tpu.memory_space<hbm>>
      tpu.wait_indirect_dma semaphore(%arg13 : memref<!tpu.dma_semaphore, #tpu.memory_space<semaphore_mem>>) src(%dma_wait3A_66 : memref<10240x128xf32, #tpu.memory_space<hbm>>) dst(%arg10 : memref<128x128xf32, #tpu.memory_space<vmem>>)
      %add3A_67 = arith.constant 1 : i32
      %add3A_68 = arith.addi %mul3A_43, %add3A_67 : i32
      "tpu.region"() ({
        %run_scoped3A = tpu.sem_alloc : memref<!tpu.dma_semaphore, #tpu.memory_space<semaphore_mem>>
        %dma_start3A_70 = arith.constant 0 : i32
        %dma_start3A_71 = tpu.memref_slice %arg8[%add3A_68, %dma_start3A_70] : memref<40x128xi32, #tpu.memory_space<vmem>> -> memref<1x128xi32, #tpu.memory_space<vmem>>
        %dma_start3A_72 = tpu.memref_squeeze %dma_start3A_71 : memref<1x128xi32, #tpu.memory_space<vmem>> -> memref<128xi32, #tpu.memory_space<vmem>>
        %dma_start3A_73 = arith.constant 0 : i32
        %dma_start3A_74 = arith.constant 0 : i32
        %dma_start3A_75 = tpu.memref_slice %arg11[%dma_start3A_73, %dma_start3A_74] : memref<10240x128xf32, #tpu.memory_space<vmem_shared>> -> memref<10240x128xf32, #tpu.memory_space<vmem_shared>>
        tpu.enqueue_indirect_dma source(%arg10 : memref<128x128xf32, #tpu.memory_space<vmem>>) target(%dma_start3A_75 : memref<10240x128xf32, #tpu.memory_space<vmem_shared>>) offsets(%dma_start3A_72 : memref<128xi32, #tpu.memory_space<vmem>>) semaphore(%run_scoped3A : memref<!tpu.dma_semaphore, #tpu.memory_space<semaphore_mem>>) {add = true}
        %dma_wait3A_76 = arith.constant 0 : i32
        %dma_wait3A_77 = tpu.memref_slice %arg8[%add3A_68, %dma_wait3A_76] : memref<40x128xi32, #tpu.memory_space<vmem>> -> memref<1x128xi32, #tpu.memory_space<vmem>>
        %dma_wait3A_78 = tpu.memref_squeeze %dma_wait3A_77 : memref<1x128xi32, #tpu.memory_space<vmem>> -> memref<128xi32, #tpu.memory_space<vmem>>
        %dma_wait3A_79 = arith.constant 0 : i32
        %dma_wait3A_80 = arith.constant 0 : i32
        %dma_wait3A_81 = tpu.memref_slice %arg11[%dma_wait3A_79, %dma_wait3A_80] : memref<10240x128xf32, #tpu.memory_space<vmem_shared>> -> memref<10240x128xf32, #tpu.memory_space<vmem_shared>>
        tpu.wait_indirect_dma semaphore(%run_scoped3A : memref<!tpu.dma_semaphore, #tpu.memory_space<semaphore_mem>>) src(%arg10 : memref<128x128xf32, #tpu.memory_space<vmem>>) dst(%dma_wait3A_81 : memref<10240x128xf32, #tpu.memory_space<vmem_shared>>)
        tpu.yield
      }) : () -> ()
      %scan3A_69 = arith.constant 0 : i32
      scf.yield %scan3A_69 : i32
    }
    %scan3A_38 = arith.constant 20 : i32
    %barrier3A_39 = arith.constant 0 : index
    tpu.barrier barrier_id(%barrier3A_39)
    "tpu.region"() ({
      %run_scoped3A = tpu.sem_alloc : memref<!tpu.dma_semaphore, #tpu.memory_space<semaphore_mem>>
      %dma_start3A_40 = arith.constant 0 : i32
      %dma_start3A_41 = tpu.memref_slice %arg6[%arg0, %mul3A_2, %dma_start3A_40] : memref<2x10240x128xf32, #tpu.memory_space<hbm>> -> memref<1x640x128xf32, #tpu.memory_space<hbm>>
      %dma_start3A_42 = tpu.memref_squeeze %dma_start3A_41 : memref<1x640x128xf32, #tpu.memory_space<hbm>> -> memref<640x128xf32, #tpu.memory_space<hbm>>
      %dma_start3A_43 = arith.constant 0 : i32
      %dma_start3A_44 = tpu.memref_slice %arg11[%mul3A_2, %dma_start3A_43] : memref<10240x128xf32, #tpu.memory_space<vmem_shared>> -> memref<640x128xf32, #tpu.memory_space<vmem_shared>>
      tpu.enqueue_dma source(%dma_start3A_44 : memref<640x128xf32, #tpu.memory_space<vmem_shared>>) target(%dma_start3A_42 : memref<640x128xf32, #tpu.memory_space<hbm>>) target_semaphore(%run_scoped3A : memref<!tpu.dma_semaphore, #tpu.memory_space<semaphore_mem>>)
      %dma_wait3A = arith.constant 0 : i32
      %dma_wait3A_45 = tpu.memref_slice %arg6[%arg0, %mul3A_2, %dma_wait3A] : memref<2x10240x128xf32, #tpu.memory_space<hbm>> -> memref<1x640x128xf32, #tpu.memory_space<hbm>>
      %dma_wait3A_46 = tpu.memref_squeeze %dma_wait3A_45 : memref<1x640x128xf32, #tpu.memory_space<hbm>> -> memref<640x128xf32, #tpu.memory_space<hbm>>
      %dma_wait3A_47 = arith.constant 0 : i32
      %dma_wait3A_48 = tpu.memref_slice %arg11[%mul3A_2, %dma_wait3A_47] : memref<10240x128xf32, #tpu.memory_space<vmem_shared>> -> memref<640x128xf32, #tpu.memory_space<vmem_shared>>
      tpu.wait_dma2 semaphore(%run_scoped3A : memref<!tpu.dma_semaphore, #tpu.memory_space<semaphore_mem>>) src(%dma_wait3A_48 : memref<640x128xf32, #tpu.memory_space<vmem_shared>>) dst(%dma_wait3A_46 : memref<640x128xf32, #tpu.memory_space<hbm>>)
      tpu.yield
    }) : () -> ()
    return
  }
}

#map = affine_map<(d0, d1) -> (0, 0)>
#map1 = affine_map<(d0, d1) -> (0, 0, 0)>
module attributes {stable_mosaic.version = 14 : i64} {
  func.func @sc_edge_scatter(%arg0: i32, %arg1: i32, %arg2: memref<10240x128xf32, #tpu.memory_space<hbm>>, %arg3: memref<32x80x128xi32, #tpu.memory_space<hbm>>, %arg4: memref<32x80x128xi32, #tpu.memory_space<hbm>>, %arg5: memref<128x128xf32, #tpu.memory_space<hbm>>, %arg6: memref<2x10240x128xf32, #tpu.memory_space<hbm>>, %arg7: memref<40x128xi32, #tpu.memory_space<vmem>>, %arg8: memref<40x128xi32, #tpu.memory_space<vmem>>, %arg9: memref<128x128xf32, #tpu.memory_space<vmem>>, %arg10: memref<128x128xf32, #tpu.memory_space<vmem>>, %arg11: memref<10240x128xf32, #tpu.memory_space<vmem_shared>>, %arg12: memref<!tpu.dma_semaphore, #tpu.memory_space<semaphore_mem>>, %arg13: memref<!tpu.dma_semaphore, #tpu.memory_space<semaphore_mem>>) attributes {dimension_semantics = [#tpu.dimension_semantics<core_parallel>, #tpu.dimension_semantics<subcore_parallel>], iteration_bounds = array<i64: 2, 16>, scalar_prefetch = 0 : i64, scratch_operands = 7 : i64, tpu.core_type = #tpu.core_type<sc_vector_subcore>, window_params = [{transform_indices = #map}, {transform_indices = #map1}, {transform_indices = #map1}, {transform_indices = #map}, {transform_indices = #map1}]} {
    %mul3A = arith.constant 2 : i32
    %mul3A_0 = arith.muli %arg1, %mul3A : i32
    %add3A = arith.addi %mul3A_0, %arg0 : i32
    "tpu.region"() ({
      %run_scoped3A = tpu.sem_alloc : memref<!tpu.dma_semaphore, #tpu.memory_space<semaphore_mem>>
      tpu.enqueue_dma source(%arg5 : memref<128x128xf32, #tpu.memory_space<hbm>>) target(%arg9 : memref<128x128xf32, #tpu.memory_space<vmem>>) target_semaphore(%run_scoped3A : memref<!tpu.dma_semaphore, #tpu.memory_space<semaphore_mem>>)
      tpu.wait_dma2 semaphore(%run_scoped3A : memref<!tpu.dma_semaphore, #tpu.memory_space<semaphore_mem>>) src(%arg5 : memref<128x128xf32, #tpu.memory_space<hbm>>) dst(%arg9 : memref<128x128xf32, #tpu.memory_space<vmem>>)
      tpu.yield
    }) : () -> ()
    %mul3A_1 = arith.constant 640 : i32
    %mul3A_2 = arith.muli %arg1, %mul3A_1 : i32
    %add3A_3 = arith.constant 0 : i32
    %add3A_4 = arith.addi %mul3A_2, %add3A_3 : i32
    "tpu.region"() ({
      %run_scoped3A = tpu.sem_alloc : memref<!tpu.dma_semaphore, #tpu.memory_space<semaphore_mem>>
      %dma_start3A_40 = arith.constant 0 : i32
      %dma_start3A_41 = tpu.memref_slice %arg11[%add3A_4, %dma_start3A_40] : memref<10240x128xf32, #tpu.memory_space<vmem_shared>> -> memref<128x128xf32, #tpu.memory_space<vmem_shared>>
      %dma_start3A_42 = arith.constant 0 : i32
      %dma_start3A_43 = tpu.memref_slice %arg11[%add3A_4, %dma_start3A_42] : memref<10240x128xf32, #tpu.memory_space<vmem_shared>> -> memref<128x128xf32, #tpu.memory_space<vmem_shared>>
      tpu.enqueue_dma source(%arg9 : memref<128x128xf32, #tpu.memory_space<vmem>>) target(%dma_start3A_43 : memref<128x128xf32, #tpu.memory_space<vmem_shared>>) target_semaphore(%run_scoped3A : memref<!tpu.dma_semaphore, #tpu.memory_space<semaphore_mem>>)
      %dma_wait3A = arith.constant 0 : i32
      %dma_wait3A_44 = tpu.memref_slice %arg11[%add3A_4, %dma_wait3A] : memref<10240x128xf32, #tpu.memory_space<vmem_shared>> -> memref<128x128xf32, #tpu.memory_space<vmem_shared>>
      %dma_wait3A_45 = arith.constant 0 : i32
      %dma_wait3A_46 = tpu.memref_slice %arg11[%add3A_4, %dma_wait3A_45] : memref<10240x128xf32, #tpu.memory_space<vmem_shared>> -> memref<128x128xf32, #tpu.memory_space<vmem_shared>>
      tpu.wait_dma2 semaphore(%run_scoped3A : memref<!tpu.dma_semaphore, #tpu.memory_space<semaphore_mem>>) src(%arg9 : memref<128x128xf32, #tpu.memory_space<vmem>>) dst(%dma_wait3A_46 : memref<128x128xf32, #tpu.memory_space<vmem_shared>>)
      tpu.yield
    }) : () -> ()
    %add3A_5 = arith.constant 128 : i32
    %add3A_6 = arith.addi %mul3A_2, %add3A_5 : i32
    "tpu.region"() ({
      %run_scoped3A = tpu.sem_alloc : memref<!tpu.dma_semaphore, #tpu.memory_space<semaphore_mem>>
      %dma_start3A_40 = arith.constant 0 : i32
      %dma_start3A_41 = tpu.memref_slice %arg11[%add3A_6, %dma_start3A_40] : memref<10240x128xf32, #tpu.memory_space<vmem_shared>> -> memref<128x128xf32, #tpu.memory_space<vmem_shared>>
      %dma_start3A_42 = arith.constant 0 : i32
      %dma_start3A_43 = tpu.memref_slice %arg11[%add3A_6, %dma_start3A_42] : memref<10240x128xf32, #tpu.memory_space<vmem_shared>> -> memref<128x128xf32, #tpu.memory_space<vmem_shared>>
      tpu.enqueue_dma source(%arg9 : memref<128x128xf32, #tpu.memory_space<vmem>>) target(%dma_start3A_43 : memref<128x128xf32, #tpu.memory_space<vmem_shared>>) target_semaphore(%run_scoped3A : memref<!tpu.dma_semaphore, #tpu.memory_space<semaphore_mem>>)
      %dma_wait3A = arith.constant 0 : i32
      %dma_wait3A_44 = tpu.memref_slice %arg11[%add3A_6, %dma_wait3A] : memref<10240x128xf32, #tpu.memory_space<vmem_shared>> -> memref<128x128xf32, #tpu.memory_space<vmem_shared>>
      %dma_wait3A_45 = arith.constant 0 : i32
      %dma_wait3A_46 = tpu.memref_slice %arg11[%add3A_6, %dma_wait3A_45] : memref<10240x128xf32, #tpu.memory_space<vmem_shared>> -> memref<128x128xf32, #tpu.memory_space<vmem_shared>>
      tpu.wait_dma2 semaphore(%run_scoped3A : memref<!tpu.dma_semaphore, #tpu.memory_space<semaphore_mem>>) src(%arg9 : memref<128x128xf32, #tpu.memory_space<vmem>>) dst(%dma_wait3A_46 : memref<128x128xf32, #tpu.memory_space<vmem_shared>>)
      tpu.yield
    }) : () -> ()
    %add3A_7 = arith.constant 256 : i32
    %add3A_8 = arith.addi %mul3A_2, %add3A_7 : i32
    "tpu.region"() ({
      %run_scoped3A = tpu.sem_alloc : memref<!tpu.dma_semaphore, #tpu.memory_space<semaphore_mem>>
      %dma_start3A_40 = arith.constant 0 : i32
      %dma_start3A_41 = tpu.memref_slice %arg11[%add3A_8, %dma_start3A_40] : memref<10240x128xf32, #tpu.memory_space<vmem_shared>> -> memref<128x128xf32, #tpu.memory_space<vmem_shared>>
      %dma_start3A_42 = arith.constant 0 : i32
      %dma_start3A_43 = tpu.memref_slice %arg11[%add3A_8, %dma_start3A_42] : memref<10240x128xf32, #tpu.memory_space<vmem_shared>> -> memref<128x128xf32, #tpu.memory_space<vmem_shared>>
      tpu.enqueue_dma source(%arg9 : memref<128x128xf32, #tpu.memory_space<vmem>>) target(%dma_start3A_43 : memref<128x128xf32, #tpu.memory_space<vmem_shared>>) target_semaphore(%run_scoped3A : memref<!tpu.dma_semaphore, #tpu.memory_space<semaphore_mem>>)
      %dma_wait3A = arith.constant 0 : i32
      %dma_wait3A_44 = tpu.memref_slice %arg11[%add3A_8, %dma_wait3A] : memref<10240x128xf32, #tpu.memory_space<vmem_shared>> -> memref<128x128xf32, #tpu.memory_space<vmem_shared>>
      %dma_wait3A_45 = arith.constant 0 : i32
      %dma_wait3A_46 = tpu.memref_slice %arg11[%add3A_8, %dma_wait3A_45] : memref<10240x128xf32, #tpu.memory_space<vmem_shared>> -> memref<128x128xf32, #tpu.memory_space<vmem_shared>>
      tpu.wait_dma2 semaphore(%run_scoped3A : memref<!tpu.dma_semaphore, #tpu.memory_space<semaphore_mem>>) src(%arg9 : memref<128x128xf32, #tpu.memory_space<vmem>>) dst(%dma_wait3A_46 : memref<128x128xf32, #tpu.memory_space<vmem_shared>>)
      tpu.yield
    }) : () -> ()
    %add3A_9 = arith.constant 384 : i32
    %add3A_10 = arith.addi %mul3A_2, %add3A_9 : i32
    "tpu.region"() ({
      %run_scoped3A = tpu.sem_alloc : memref<!tpu.dma_semaphore, #tpu.memory_space<semaphore_mem>>
      %dma_start3A_40 = arith.constant 0 : i32
      %dma_start3A_41 = tpu.memref_slice %arg11[%add3A_10, %dma_start3A_40] : memref<10240x128xf32, #tpu.memory_space<vmem_shared>> -> memref<128x128xf32, #tpu.memory_space<vmem_shared>>
      %dma_start3A_42 = arith.constant 0 : i32
      %dma_start3A_43 = tpu.memref_slice %arg11[%add3A_10, %dma_start3A_42] : memref<10240x128xf32, #tpu.memory_space<vmem_shared>> -> memref<128x128xf32, #tpu.memory_space<vmem_shared>>
      tpu.enqueue_dma source(%arg9 : memref<128x128xf32, #tpu.memory_space<vmem>>) target(%dma_start3A_43 : memref<128x128xf32, #tpu.memory_space<vmem_shared>>) target_semaphore(%run_scoped3A : memref<!tpu.dma_semaphore, #tpu.memory_space<semaphore_mem>>)
      %dma_wait3A = arith.constant 0 : i32
      %dma_wait3A_44 = tpu.memref_slice %arg11[%add3A_10, %dma_wait3A] : memref<10240x128xf32, #tpu.memory_space<vmem_shared>> -> memref<128x128xf32, #tpu.memory_space<vmem_shared>>
      %dma_wait3A_45 = arith.constant 0 : i32
      %dma_wait3A_46 = tpu.memref_slice %arg11[%add3A_10, %dma_wait3A_45] : memref<10240x128xf32, #tpu.memory_space<vmem_shared>> -> memref<128x128xf32, #tpu.memory_space<vmem_shared>>
      tpu.wait_dma2 semaphore(%run_scoped3A : memref<!tpu.dma_semaphore, #tpu.memory_space<semaphore_mem>>) src(%arg9 : memref<128x128xf32, #tpu.memory_space<vmem>>) dst(%dma_wait3A_46 : memref<128x128xf32, #tpu.memory_space<vmem_shared>>)
      tpu.yield
    }) : () -> ()
    %add3A_11 = arith.constant 512 : i32
    %add3A_12 = arith.addi %mul3A_2, %add3A_11 : i32
    "tpu.region"() ({
      %run_scoped3A = tpu.sem_alloc : memref<!tpu.dma_semaphore, #tpu.memory_space<semaphore_mem>>
      %dma_start3A_40 = arith.constant 0 : i32
      %dma_start3A_41 = tpu.memref_slice %arg11[%add3A_12, %dma_start3A_40] : memref<10240x128xf32, #tpu.memory_space<vmem_shared>> -> memref<128x128xf32, #tpu.memory_space<vmem_shared>>
      %dma_start3A_42 = arith.constant 0 : i32
      %dma_start3A_43 = tpu.memref_slice %arg11[%add3A_12, %dma_start3A_42] : memref<10240x128xf32, #tpu.memory_space<vmem_shared>> -> memref<128x128xf32, #tpu.memory_space<vmem_shared>>
      tpu.enqueue_dma source(%arg9 : memref<128x128xf32, #tpu.memory_space<vmem>>) target(%dma_start3A_43 : memref<128x128xf32, #tpu.memory_space<vmem_shared>>) target_semaphore(%run_scoped3A : memref<!tpu.dma_semaphore, #tpu.memory_space<semaphore_mem>>)
      %dma_wait3A = arith.constant 0 : i32
      %dma_wait3A_44 = tpu.memref_slice %arg11[%add3A_12, %dma_wait3A] : memref<10240x128xf32, #tpu.memory_space<vmem_shared>> -> memref<128x128xf32, #tpu.memory_space<vmem_shared>>
      %dma_wait3A_45 = arith.constant 0 : i32
      %dma_wait3A_46 = tpu.memref_slice %arg11[%add3A_12, %dma_wait3A_45] : memref<10240x128xf32, #tpu.memory_space<vmem_shared>> -> memref<128x128xf32, #tpu.memory_space<vmem_shared>>
      tpu.wait_dma2 semaphore(%run_scoped3A : memref<!tpu.dma_semaphore, #tpu.memory_space<semaphore_mem>>) src(%arg9 : memref<128x128xf32, #tpu.memory_space<vmem>>) dst(%dma_wait3A_46 : memref<128x128xf32, #tpu.memory_space<vmem_shared>>)
      tpu.yield
    }) : () -> ()
    %barrier3A = arith.constant 0 : index
    tpu.barrier barrier_id(%barrier3A)
    "tpu.region"() ({
      %run_scoped3A = tpu.sem_alloc : memref<!tpu.dma_semaphore, #tpu.memory_space<semaphore_mem>>
      %dma_start3A_40 = arith.constant 0 : i32
      %dma_start3A_41 = arith.constant 0 : i32
      %dma_start3A_42 = tpu.memref_slice %arg3[%add3A, %dma_start3A_40, %dma_start3A_41] : memref<32x80x128xi32, #tpu.memory_space<hbm>> -> memref<1x40x128xi32, #tpu.memory_space<hbm>>
      %dma_start3A_43 = tpu.memref_squeeze %dma_start3A_42 : memref<1x40x128xi32, #tpu.memory_space<hbm>> -> memref<40x128xi32, #tpu.memory_space<hbm>>
      %dma_start3A_44 = arith.constant 0 : i32
      %dma_start3A_45 = arith.constant 0 : i32
      %dma_start3A_46 = tpu.memref_slice %arg3[%add3A, %dma_start3A_44, %dma_start3A_45] : memref<32x80x128xi32, #tpu.memory_space<hbm>> -> memref<1x40x128xi32, #tpu.memory_space<hbm>>
      %dma_start3A_47 = tpu.memref_squeeze %dma_start3A_46 : memref<1x40x128xi32, #tpu.memory_space<hbm>> -> memref<40x128xi32, #tpu.memory_space<hbm>>
      tpu.enqueue_dma source(%dma_start3A_47 : memref<40x128xi32, #tpu.memory_space<hbm>>) target(%arg7 : memref<40x128xi32, #tpu.memory_space<vmem>>) target_semaphore(%run_scoped3A : memref<!tpu.dma_semaphore, #tpu.memory_space<semaphore_mem>>)
      %dma_wait3A = arith.constant 0 : i32
      %dma_wait3A_48 = arith.constant 0 : i32
      %dma_wait3A_49 = tpu.memref_slice %arg3[%add3A, %dma_wait3A, %dma_wait3A_48] : memref<32x80x128xi32, #tpu.memory_space<hbm>> -> memref<1x40x128xi32, #tpu.memory_space<hbm>>
      %dma_wait3A_50 = tpu.memref_squeeze %dma_wait3A_49 : memref<1x40x128xi32, #tpu.memory_space<hbm>> -> memref<40x128xi32, #tpu.memory_space<hbm>>
      %dma_wait3A_51 = arith.constant 0 : i32
      %dma_wait3A_52 = arith.constant 0 : i32
      %dma_wait3A_53 = tpu.memref_slice %arg3[%add3A, %dma_wait3A_51, %dma_wait3A_52] : memref<32x80x128xi32, #tpu.memory_space<hbm>> -> memref<1x40x128xi32, #tpu.memory_space<hbm>>
      %dma_wait3A_54 = tpu.memref_squeeze %dma_wait3A_53 : memref<1x40x128xi32, #tpu.memory_space<hbm>> -> memref<40x128xi32, #tpu.memory_space<hbm>>
      tpu.wait_dma2 semaphore(%run_scoped3A : memref<!tpu.dma_semaphore, #tpu.memory_space<semaphore_mem>>) src(%dma_wait3A_54 : memref<40x128xi32, #tpu.memory_space<hbm>>) dst(%arg7 : memref<40x128xi32, #tpu.memory_space<vmem>>)
      tpu.yield
    }) : () -> ()
    "tpu.region"() ({
      %run_scoped3A = tpu.sem_alloc : memref<!tpu.dma_semaphore, #tpu.memory_space<semaphore_mem>>
      %dma_start3A_40 = arith.constant 0 : i32
      %dma_start3A_41 = arith.constant 0 : i32
      %dma_start3A_42 = tpu.memref_slice %arg4[%add3A, %dma_start3A_40, %dma_start3A_41] : memref<32x80x128xi32, #tpu.memory_space<hbm>> -> memref<1x40x128xi32, #tpu.memory_space<hbm>>
      %dma_start3A_43 = tpu.memref_squeeze %dma_start3A_42 : memref<1x40x128xi32, #tpu.memory_space<hbm>> -> memref<40x128xi32, #tpu.memory_space<hbm>>
      %dma_start3A_44 = arith.constant 0 : i32
      %dma_start3A_45 = arith.constant 0 : i32
      %dma_start3A_46 = tpu.memref_slice %arg4[%add3A, %dma_start3A_44, %dma_start3A_45] : memref<32x80x128xi32, #tpu.memory_space<hbm>> -> memref<1x40x128xi32, #tpu.memory_space<hbm>>
      %dma_start3A_47 = tpu.memref_squeeze %dma_start3A_46 : memref<1x40x128xi32, #tpu.memory_space<hbm>> -> memref<40x128xi32, #tpu.memory_space<hbm>>
      tpu.enqueue_dma source(%dma_start3A_47 : memref<40x128xi32, #tpu.memory_space<hbm>>) target(%arg8 : memref<40x128xi32, #tpu.memory_space<vmem>>) target_semaphore(%run_scoped3A : memref<!tpu.dma_semaphore, #tpu.memory_space<semaphore_mem>>)
      %dma_wait3A = arith.constant 0 : i32
      %dma_wait3A_48 = arith.constant 0 : i32
      %dma_wait3A_49 = tpu.memref_slice %arg4[%add3A, %dma_wait3A, %dma_wait3A_48] : memref<32x80x128xi32, #tpu.memory_space<hbm>> -> memref<1x40x128xi32, #tpu.memory_space<hbm>>
      %dma_wait3A_50 = tpu.memref_squeeze %dma_wait3A_49 : memref<1x40x128xi32, #tpu.memory_space<hbm>> -> memref<40x128xi32, #tpu.memory_space<hbm>>
      %dma_wait3A_51 = arith.constant 0 : i32
      %dma_wait3A_52 = arith.constant 0 : i32
      %dma_wait3A_53 = tpu.memref_slice %arg4[%add3A, %dma_wait3A_51, %dma_wait3A_52] : memref<32x80x128xi32, #tpu.memory_space<hbm>> -> memref<1x40x128xi32, #tpu.memory_space<hbm>>
      %dma_wait3A_54 = tpu.memref_squeeze %dma_wait3A_53 : memref<1x40x128xi32, #tpu.memory_space<hbm>> -> memref<40x128xi32, #tpu.memory_space<hbm>>
      tpu.wait_dma2 semaphore(%run_scoped3A : memref<!tpu.dma_semaphore, #tpu.memory_space<semaphore_mem>>) src(%dma_wait3A_54 : memref<40x128xi32, #tpu.memory_space<hbm>>) dst(%arg8 : memref<40x128xi32, #tpu.memory_space<vmem>>)
      tpu.yield
    }) : () -> ()
    %dma_start3A = arith.constant 0 : i32
    %dma_start3A_13 = arith.constant 0 : i32
    %dma_start3A_14 = tpu.memref_slice %arg7[%dma_start3A, %dma_start3A_13] : memref<40x128xi32, #tpu.memory_space<vmem>> -> memref<1x128xi32, #tpu.memory_space<vmem>>
    %dma_start3A_15 = tpu.memref_squeeze %dma_start3A_14 : memref<1x128xi32, #tpu.memory_space<vmem>> -> memref<128xi32, #tpu.memory_space<vmem>>
    %dma_start3A_16 = arith.constant 0 : i32
    %dma_start3A_17 = arith.constant 0 : i32
    %dma_start3A_18 = tpu.memref_slice %arg2[%dma_start3A_16, %dma_start3A_17] : memref<10240x128xf32, #tpu.memory_space<hbm>> -> memref<10240x128xf32, #tpu.memory_space<hbm>>
    tpu.enqueue_indirect_dma source(%dma_start3A_18 : memref<10240x128xf32, #tpu.memory_space<hbm>>) target(%arg9 : memref<128x128xf32, #tpu.memory_space<vmem>>) offsets(%dma_start3A_15 : memref<128xi32, #tpu.memory_space<vmem>>) semaphore(%arg12 : memref<!tpu.dma_semaphore, #tpu.memory_space<semaphore_mem>>)
    %scan3A = arith.constant 0 : i32
    %scan3A_19 = arith.constant 0 : i32
    %scan3A_20 = arith.constant 20 : i32
    %scan3A_21 = arith.addi %scan3A_19, %scan3A_20 : i32
    %scan3A_22 = arith.constant 1 : i32
    %scan3A_23 = scf.for %scan3A_40 = %scan3A_19 to %scan3A_21 step %scan3A_22 iter_args(%scan3A_41 = %scan3A) -> (i32)  : i32 {
      %mul3A_42 = arith.constant 2 : i32
      %mul3A_43 = arith.muli %mul3A_42, %scan3A_40 : i32
      %add3A_44 = arith.constant 1 : i32
      %add3A_45 = arith.addi %mul3A_43, %add3A_44 : i32
      %dma_start3A_46 = arith.constant 0 : i32
      %dma_start3A_47 = tpu.memref_slice %arg7[%add3A_45, %dma_start3A_46] : memref<40x128xi32, #tpu.memory_space<vmem>> -> memref<1x128xi32, #tpu.memory_space<vmem>>
      %dma_start3A_48 = tpu.memref_squeeze %dma_start3A_47 : memref<1x128xi32, #tpu.memory_space<vmem>> -> memref<128xi32, #tpu.memory_space<vmem>>
      %dma_start3A_49 = arith.constant 0 : i32
      %dma_start3A_50 = arith.constant 0 : i32
      %dma_start3A_51 = tpu.memref_slice %arg2[%dma_start3A_49, %dma_start3A_50] : memref<10240x128xf32, #tpu.memory_space<hbm>> -> memref<10240x128xf32, #tpu.memory_space<hbm>>
      tpu.enqueue_indirect_dma source(%dma_start3A_51 : memref<10240x128xf32, #tpu.memory_space<hbm>>) target(%arg10 : memref<128x128xf32, #tpu.memory_space<vmem>>) offsets(%dma_start3A_48 : memref<128xi32, #tpu.memory_space<vmem>>) semaphore(%arg13 : memref<!tpu.dma_semaphore, #tpu.memory_space<semaphore_mem>>)
      %dma_wait3A = arith.constant 0 : i32
      %dma_wait3A_52 = tpu.memref_slice %arg7[%mul3A_43, %dma_wait3A] : memref<40x128xi32, #tpu.memory_space<vmem>> -> memref<1x128xi32, #tpu.memory_space<vmem>>
      %dma_wait3A_53 = tpu.memref_squeeze %dma_wait3A_52 : memref<1x128xi32, #tpu.memory_space<vmem>> -> memref<128xi32, #tpu.memory_space<vmem>>
      %dma_wait3A_54 = arith.constant 0 : i32
      %dma_wait3A_55 = arith.constant 0 : i32
      %dma_wait3A_56 = tpu.memref_slice %arg2[%dma_wait3A_54, %dma_wait3A_55] : memref<10240x128xf32, #tpu.memory_space<hbm>> -> memref<10240x128xf32, #tpu.memory_space<hbm>>
      tpu.wait_indirect_dma semaphore(%arg12 : memref<!tpu.dma_semaphore, #tpu.memory_space<semaphore_mem>>) src(%dma_wait3A_56 : memref<10240x128xf32, #tpu.memory_space<hbm>>) dst(%arg9 : memref<128x128xf32, #tpu.memory_space<vmem>>)
      "tpu.region"() ({
        %run_scoped3A = tpu.sem_alloc : memref<!tpu.dma_semaphore, #tpu.memory_space<semaphore_mem>>
        %dma_start3A_70 = arith.constant 0 : i32
        %dma_start3A_71 = tpu.memref_slice %arg8[%mul3A_43, %dma_start3A_70] : memref<40x128xi32, #tpu.memory_space<vmem>> -> memref<1x128xi32, #tpu.memory_space<vmem>>
        %dma_start3A_72 = tpu.memref_squeeze %dma_start3A_71 : memref<1x128xi32, #tpu.memory_space<vmem>> -> memref<128xi32, #tpu.memory_space<vmem>>
        %dma_start3A_73 = arith.constant 0 : i32
        %dma_start3A_74 = arith.constant 0 : i32
        %dma_start3A_75 = tpu.memref_slice %arg11[%dma_start3A_73, %dma_start3A_74] : memref<10240x128xf32, #tpu.memory_space<vmem_shared>> -> memref<10240x128xf32, #tpu.memory_space<vmem_shared>>
        tpu.enqueue_indirect_dma source(%arg9 : memref<128x128xf32, #tpu.memory_space<vmem>>) target(%dma_start3A_75 : memref<10240x128xf32, #tpu.memory_space<vmem_shared>>) offsets(%dma_start3A_72 : memref<128xi32, #tpu.memory_space<vmem>>) semaphore(%run_scoped3A : memref<!tpu.dma_semaphore, #tpu.memory_space<semaphore_mem>>) {add = true}
        %dma_wait3A_76 = arith.constant 0 : i32
        %dma_wait3A_77 = tpu.memref_slice %arg8[%mul3A_43, %dma_wait3A_76] : memref<40x128xi32, #tpu.memory_space<vmem>> -> memref<1x128xi32, #tpu.memory_space<vmem>>
        %dma_wait3A_78 = tpu.memref_squeeze %dma_wait3A_77 : memref<1x128xi32, #tpu.memory_space<vmem>> -> memref<128xi32, #tpu.memory_space<vmem>>
        %dma_wait3A_79 = arith.constant 0 : i32
        %dma_wait3A_80 = arith.constant 0 : i32
        %dma_wait3A_81 = tpu.memref_slice %arg11[%dma_wait3A_79, %dma_wait3A_80] : memref<10240x128xf32, #tpu.memory_space<vmem_shared>> -> memref<10240x128xf32, #tpu.memory_space<vmem_shared>>
        tpu.wait_indirect_dma semaphore(%run_scoped3A : memref<!tpu.dma_semaphore, #tpu.memory_space<semaphore_mem>>) src(%arg9 : memref<128x128xf32, #tpu.memory_space<vmem>>) dst(%dma_wait3A_81 : memref<10240x128xf32, #tpu.memory_space<vmem_shared>>)
        tpu.yield
      }) : () -> ()
      %lt3A = arith.constant 19 : i32
      %lt3A_57 = arith.cmpi slt, %scan3A_40, %lt3A : i32
      %convert_element_type3A = arith.extui %lt3A_57 : i1 to i32
      %cond3A = arith.constant 0 : i32
      %cond3A_58 = arith.cmpi ne, %convert_element_type3A, %cond3A : i32
      scf.if %cond3A_58 {
        %add3A_70 = arith.constant 2 : i32
        %add3A_71 = arith.addi %mul3A_43, %add3A_70 : i32
        %dma_start3A_72 = arith.constant 0 : i32
        %dma_start3A_73 = tpu.memref_slice %arg7[%add3A_71, %dma_start3A_72] : memref<40x128xi32, #tpu.memory_space<vmem>> -> memref<1x128xi32, #tpu.memory_space<vmem>>
        %dma_start3A_74 = tpu.memref_squeeze %dma_start3A_73 : memref<1x128xi32, #tpu.memory_space<vmem>> -> memref<128xi32, #tpu.memory_space<vmem>>
        %dma_start3A_75 = arith.constant 0 : i32
        %dma_start3A_76 = arith.constant 0 : i32
        %dma_start3A_77 = tpu.memref_slice %arg2[%dma_start3A_75, %dma_start3A_76] : memref<10240x128xf32, #tpu.memory_space<hbm>> -> memref<10240x128xf32, #tpu.memory_space<hbm>>
        tpu.enqueue_indirect_dma source(%dma_start3A_77 : memref<10240x128xf32, #tpu.memory_space<hbm>>) target(%arg9 : memref<128x128xf32, #tpu.memory_space<vmem>>) offsets(%dma_start3A_74 : memref<128xi32, #tpu.memory_space<vmem>>) semaphore(%arg12 : memref<!tpu.dma_semaphore, #tpu.memory_space<semaphore_mem>>)
      } else {
      }
      %add3A_59 = arith.constant 1 : i32
      %add3A_60 = arith.addi %mul3A_43, %add3A_59 : i32
      %dma_wait3A_61 = arith.constant 0 : i32
      %dma_wait3A_62 = tpu.memref_slice %arg7[%add3A_60, %dma_wait3A_61] : memref<40x128xi32, #tpu.memory_space<vmem>> -> memref<1x128xi32, #tpu.memory_space<vmem>>
      %dma_wait3A_63 = tpu.memref_squeeze %dma_wait3A_62 : memref<1x128xi32, #tpu.memory_space<vmem>> -> memref<128xi32, #tpu.memory_space<vmem>>
      %dma_wait3A_64 = arith.constant 0 : i32
      %dma_wait3A_65 = arith.constant 0 : i32
      %dma_wait3A_66 = tpu.memref_slice %arg2[%dma_wait3A_64, %dma_wait3A_65] : memref<10240x128xf32, #tpu.memory_space<hbm>> -> memref<10240x128xf32, #tpu.memory_space<hbm>>
      tpu.wait_indirect_dma semaphore(%arg13 : memref<!tpu.dma_semaphore, #tpu.memory_space<semaphore_mem>>) src(%dma_wait3A_66 : memref<10240x128xf32, #tpu.memory_space<hbm>>) dst(%arg10 : memref<128x128xf32, #tpu.memory_space<vmem>>)
      %add3A_67 = arith.constant 1 : i32
      %add3A_68 = arith.addi %mul3A_43, %add3A_67 : i32
      "tpu.region"() ({
        %run_scoped3A = tpu.sem_alloc : memref<!tpu.dma_semaphore, #tpu.memory_space<semaphore_mem>>
        %dma_start3A_70 = arith.constant 0 : i32
        %dma_start3A_71 = tpu.memref_slice %arg8[%add3A_68, %dma_start3A_70] : memref<40x128xi32, #tpu.memory_space<vmem>> -> memref<1x128xi32, #tpu.memory_space<vmem>>
        %dma_start3A_72 = tpu.memref_squeeze %dma_start3A_71 : memref<1x128xi32, #tpu.memory_space<vmem>> -> memref<128xi32, #tpu.memory_space<vmem>>
        %dma_start3A_73 = arith.constant 0 : i32
        %dma_start3A_74 = arith.constant 0 : i32
        %dma_start3A_75 = tpu.memref_slice %arg11[%dma_start3A_73, %dma_start3A_74] : memref<10240x128xf32, #tpu.memory_space<vmem_shared>> -> memref<10240x128xf32, #tpu.memory_space<vmem_shared>>
        tpu.enqueue_indirect_dma source(%arg10 : memref<128x128xf32, #tpu.memory_space<vmem>>) target(%dma_start3A_75 : memref<10240x128xf32, #tpu.memory_space<vmem_shared>>) offsets(%dma_start3A_72 : memref<128xi32, #tpu.memory_space<vmem>>) semaphore(%run_scoped3A : memref<!tpu.dma_semaphore, #tpu.memory_space<semaphore_mem>>) {add = true}
        %dma_wait3A_76 = arith.constant 0 : i32
        %dma_wait3A_77 = tpu.memref_slice %arg8[%add3A_68, %dma_wait3A_76] : memref<40x128xi32, #tpu.memory_space<vmem>> -> memref<1x128xi32, #tpu.memory_space<vmem>>
        %dma_wait3A_78 = tpu.memref_squeeze %dma_wait3A_77 : memref<1x128xi32, #tpu.memory_space<vmem>> -> memref<128xi32, #tpu.memory_space<vmem>>
        %dma_wait3A_79 = arith.constant 0 : i32
        %dma_wait3A_80 = arith.constant 0 : i32
        %dma_wait3A_81 = tpu.memref_slice %arg11[%dma_wait3A_79, %dma_wait3A_80] : memref<10240x128xf32, #tpu.memory_space<vmem_shared>> -> memref<10240x128xf32, #tpu.memory_space<vmem_shared>>
        tpu.wait_indirect_dma semaphore(%run_scoped3A : memref<!tpu.dma_semaphore, #tpu.memory_space<semaphore_mem>>) src(%arg10 : memref<128x128xf32, #tpu.memory_space<vmem>>) dst(%dma_wait3A_81 : memref<10240x128xf32, #tpu.memory_space<vmem_shared>>)
        tpu.yield
      }) : () -> ()
      %scan3A_69 = arith.constant 0 : i32
      scf.yield %scan3A_69 : i32
    }
    %scan3A_24 = arith.constant 20 : i32
    "tpu.region"() ({
      %run_scoped3A = tpu.sem_alloc : memref<!tpu.dma_semaphore, #tpu.memory_space<semaphore_mem>>
      %dma_start3A_40 = arith.constant 40 : i32
      %dma_start3A_41 = arith.constant 0 : i32
      %dma_start3A_42 = tpu.memref_slice %arg3[%add3A, %dma_start3A_40, %dma_start3A_41] : memref<32x80x128xi32, #tpu.memory_space<hbm>> -> memref<1x40x128xi32, #tpu.memory_space<hbm>>
      %dma_start3A_43 = tpu.memref_squeeze %dma_start3A_42 : memref<1x40x128xi32, #tpu.memory_space<hbm>> -> memref<40x128xi32, #tpu.memory_space<hbm>>
      %dma_start3A_44 = arith.constant 40 : i32
      %dma_start3A_45 = arith.constant 0 : i32
      %dma_start3A_46 = tpu.memref_slice %arg3[%add3A, %dma_start3A_44, %dma_start3A_45] : memref<32x80x128xi32, #tpu.memory_space<hbm>> -> memref<1x40x128xi32, #tpu.memory_space<hbm>>
      %dma_start3A_47 = tpu.memref_squeeze %dma_start3A_46 : memref<1x40x128xi32, #tpu.memory_space<hbm>> -> memref<40x128xi32, #tpu.memory_space<hbm>>
      tpu.enqueue_dma source(%dma_start3A_47 : memref<40x128xi32, #tpu.memory_space<hbm>>) target(%arg7 : memref<40x128xi32, #tpu.memory_space<vmem>>) target_semaphore(%run_scoped3A : memref<!tpu.dma_semaphore, #tpu.memory_space<semaphore_mem>>)
      %dma_wait3A = arith.constant 40 : i32
      %dma_wait3A_48 = arith.constant 0 : i32
      %dma_wait3A_49 = tpu.memref_slice %arg3[%add3A, %dma_wait3A, %dma_wait3A_48] : memref<32x80x128xi32, #tpu.memory_space<hbm>> -> memref<1x40x128xi32, #tpu.memory_space<hbm>>
      %dma_wait3A_50 = tpu.memref_squeeze %dma_wait3A_49 : memref<1x40x128xi32, #tpu.memory_space<hbm>> -> memref<40x128xi32, #tpu.memory_space<hbm>>
      %dma_wait3A_51 = arith.constant 40 : i32
      %dma_wait3A_52 = arith.constant 0 : i32
      %dma_wait3A_53 = tpu.memref_slice %arg3[%add3A, %dma_wait3A_51, %dma_wait3A_52] : memref<32x80x128xi32, #tpu.memory_space<hbm>> -> memref<1x40x128xi32, #tpu.memory_space<hbm>>
      %dma_wait3A_54 = tpu.memref_squeeze %dma_wait3A_53 : memref<1x40x128xi32, #tpu.memory_space<hbm>> -> memref<40x128xi32, #tpu.memory_space<hbm>>
      tpu.wait_dma2 semaphore(%run_scoped3A : memref<!tpu.dma_semaphore, #tpu.memory_space<semaphore_mem>>) src(%dma_wait3A_54 : memref<40x128xi32, #tpu.memory_space<hbm>>) dst(%arg7 : memref<40x128xi32, #tpu.memory_space<vmem>>)
      tpu.yield
    }) : () -> ()
    "tpu.region"() ({
      %run_scoped3A = tpu.sem_alloc : memref<!tpu.dma_semaphore, #tpu.memory_space<semaphore_mem>>
      %dma_start3A_40 = arith.constant 40 : i32
      %dma_start3A_41 = arith.constant 0 : i32
      %dma_start3A_42 = tpu.memref_slice %arg4[%add3A, %dma_start3A_40, %dma_start3A_41] : memref<32x80x128xi32, #tpu.memory_space<hbm>> -> memref<1x40x128xi32, #tpu.memory_space<hbm>>
      %dma_start3A_43 = tpu.memref_squeeze %dma_start3A_42 : memref<1x40x128xi32, #tpu.memory_space<hbm>> -> memref<40x128xi32, #tpu.memory_space<hbm>>
      %dma_start3A_44 = arith.constant 40 : i32
      %dma_start3A_45 = arith.constant 0 : i32
      %dma_start3A_46 = tpu.memref_slice %arg4[%add3A, %dma_start3A_44, %dma_start3A_45] : memref<32x80x128xi32, #tpu.memory_space<hbm>> -> memref<1x40x128xi32, #tpu.memory_space<hbm>>
      %dma_start3A_47 = tpu.memref_squeeze %dma_start3A_46 : memref<1x40x128xi32, #tpu.memory_space<hbm>> -> memref<40x128xi32, #tpu.memory_space<hbm>>
      tpu.enqueue_dma source(%dma_start3A_47 : memref<40x128xi32, #tpu.memory_space<hbm>>) target(%arg8 : memref<40x128xi32, #tpu.memory_space<vmem>>) target_semaphore(%run_scoped3A : memref<!tpu.dma_semaphore, #tpu.memory_space<semaphore_mem>>)
      %dma_wait3A = arith.constant 40 : i32
      %dma_wait3A_48 = arith.constant 0 : i32
      %dma_wait3A_49 = tpu.memref_slice %arg4[%add3A, %dma_wait3A, %dma_wait3A_48] : memref<32x80x128xi32, #tpu.memory_space<hbm>> -> memref<1x40x128xi32, #tpu.memory_space<hbm>>
      %dma_wait3A_50 = tpu.memref_squeeze %dma_wait3A_49 : memref<1x40x128xi32, #tpu.memory_space<hbm>> -> memref<40x128xi32, #tpu.memory_space<hbm>>
      %dma_wait3A_51 = arith.constant 40 : i32
      %dma_wait3A_52 = arith.constant 0 : i32
      %dma_wait3A_53 = tpu.memref_slice %arg4[%add3A, %dma_wait3A_51, %dma_wait3A_52] : memref<32x80x128xi32, #tpu.memory_space<hbm>> -> memref<1x40x128xi32, #tpu.memory_space<hbm>>
      %dma_wait3A_54 = tpu.memref_squeeze %dma_wait3A_53 : memref<1x40x128xi32, #tpu.memory_space<hbm>> -> memref<40x128xi32, #tpu.memory_space<hbm>>
      tpu.wait_dma2 semaphore(%run_scoped3A : memref<!tpu.dma_semaphore, #tpu.memory_space<semaphore_mem>>) src(%dma_wait3A_54 : memref<40x128xi32, #tpu.memory_space<hbm>>) dst(%arg8 : memref<40x128xi32, #tpu.memory_space<vmem>>)
      tpu.yield
    }) : () -> ()
    %dma_start3A_25 = arith.constant 0 : i32
    %dma_start3A_26 = arith.constant 0 : i32
    %dma_start3A_27 = tpu.memref_slice %arg7[%dma_start3A_25, %dma_start3A_26] : memref<40x128xi32, #tpu.memory_space<vmem>> -> memref<1x128xi32, #tpu.memory_space<vmem>>
    %dma_start3A_28 = tpu.memref_squeeze %dma_start3A_27 : memref<1x128xi32, #tpu.memory_space<vmem>> -> memref<128xi32, #tpu.memory_space<vmem>>
    %dma_start3A_29 = arith.constant 0 : i32
    %dma_start3A_30 = arith.constant 0 : i32
    %dma_start3A_31 = tpu.memref_slice %arg2[%dma_start3A_29, %dma_start3A_30] : memref<10240x128xf32, #tpu.memory_space<hbm>> -> memref<10240x128xf32, #tpu.memory_space<hbm>>
    tpu.enqueue_indirect_dma source(%dma_start3A_31 : memref<10240x128xf32, #tpu.memory_space<hbm>>) target(%arg9 : memref<128x128xf32, #tpu.memory_space<vmem>>) offsets(%dma_start3A_28 : memref<128xi32, #tpu.memory_space<vmem>>) semaphore(%arg12 : memref<!tpu.dma_semaphore, #tpu.memory_space<semaphore_mem>>)
    %scan3A_32 = arith.constant 0 : i32
    %scan3A_33 = arith.constant 0 : i32
    %scan3A_34 = arith.constant 20 : i32
    %scan3A_35 = arith.addi %scan3A_33, %scan3A_34 : i32
    %scan3A_36 = arith.constant 1 : i32
    %scan3A_37 = scf.for %scan3A_40 = %scan3A_33 to %scan3A_35 step %scan3A_36 iter_args(%scan3A_41 = %scan3A_32) -> (i32)  : i32 {
      %mul3A_42 = arith.constant 2 : i32
      %mul3A_43 = arith.muli %mul3A_42, %scan3A_40 : i32
      %add3A_44 = arith.constant 1 : i32
      %add3A_45 = arith.addi %mul3A_43, %add3A_44 : i32
      %dma_start3A_46 = arith.constant 0 : i32
      %dma_start3A_47 = tpu.memref_slice %arg7[%add3A_45, %dma_start3A_46] : memref<40x128xi32, #tpu.memory_space<vmem>> -> memref<1x128xi32, #tpu.memory_space<vmem>>
      %dma_start3A_48 = tpu.memref_squeeze %dma_start3A_47 : memref<1x128xi32, #tpu.memory_space<vmem>> -> memref<128xi32, #tpu.memory_space<vmem>>
      %dma_start3A_49 = arith.constant 0 : i32
      %dma_start3A_50 = arith.constant 0 : i32
      %dma_start3A_51 = tpu.memref_slice %arg2[%dma_start3A_49, %dma_start3A_50] : memref<10240x128xf32, #tpu.memory_space<hbm>> -> memref<10240x128xf32, #tpu.memory_space<hbm>>
      tpu.enqueue_indirect_dma source(%dma_start3A_51 : memref<10240x128xf32, #tpu.memory_space<hbm>>) target(%arg10 : memref<128x128xf32, #tpu.memory_space<vmem>>) offsets(%dma_start3A_48 : memref<128xi32, #tpu.memory_space<vmem>>) semaphore(%arg13 : memref<!tpu.dma_semaphore, #tpu.memory_space<semaphore_mem>>)
      %dma_wait3A = arith.constant 0 : i32
      %dma_wait3A_52 = tpu.memref_slice %arg7[%mul3A_43, %dma_wait3A] : memref<40x128xi32, #tpu.memory_space<vmem>> -> memref<1x128xi32, #tpu.memory_space<vmem>>
      %dma_wait3A_53 = tpu.memref_squeeze %dma_wait3A_52 : memref<1x128xi32, #tpu.memory_space<vmem>> -> memref<128xi32, #tpu.memory_space<vmem>>
      %dma_wait3A_54 = arith.constant 0 : i32
      %dma_wait3A_55 = arith.constant 0 : i32
      %dma_wait3A_56 = tpu.memref_slice %arg2[%dma_wait3A_54, %dma_wait3A_55] : memref<10240x128xf32, #tpu.memory_space<hbm>> -> memref<10240x128xf32, #tpu.memory_space<hbm>>
      tpu.wait_indirect_dma semaphore(%arg12 : memref<!tpu.dma_semaphore, #tpu.memory_space<semaphore_mem>>) src(%dma_wait3A_56 : memref<10240x128xf32, #tpu.memory_space<hbm>>) dst(%arg9 : memref<128x128xf32, #tpu.memory_space<vmem>>)
      "tpu.region"() ({
        %run_scoped3A = tpu.sem_alloc : memref<!tpu.dma_semaphore, #tpu.memory_space<semaphore_mem>>
        %dma_start3A_70 = arith.constant 0 : i32
        %dma_start3A_71 = tpu.memref_slice %arg8[%mul3A_43, %dma_start3A_70] : memref<40x128xi32, #tpu.memory_space<vmem>> -> memref<1x128xi32, #tpu.memory_space<vmem>>
        %dma_start3A_72 = tpu.memref_squeeze %dma_start3A_71 : memref<1x128xi32, #tpu.memory_space<vmem>> -> memref<128xi32, #tpu.memory_space<vmem>>
        %dma_start3A_73 = arith.constant 0 : i32
        %dma_start3A_74 = arith.constant 0 : i32
        %dma_start3A_75 = tpu.memref_slice %arg11[%dma_start3A_73, %dma_start3A_74] : memref<10240x128xf32, #tpu.memory_space<vmem_shared>> -> memref<10240x128xf32, #tpu.memory_space<vmem_shared>>
        tpu.enqueue_indirect_dma source(%arg9 : memref<128x128xf32, #tpu.memory_space<vmem>>) target(%dma_start3A_75 : memref<10240x128xf32, #tpu.memory_space<vmem_shared>>) offsets(%dma_start3A_72 : memref<128xi32, #tpu.memory_space<vmem>>) semaphore(%run_scoped3A : memref<!tpu.dma_semaphore, #tpu.memory_space<semaphore_mem>>) {add = true}
        %dma_wait3A_76 = arith.constant 0 : i32
        %dma_wait3A_77 = tpu.memref_slice %arg8[%mul3A_43, %dma_wait3A_76] : memref<40x128xi32, #tpu.memory_space<vmem>> -> memref<1x128xi32, #tpu.memory_space<vmem>>
        %dma_wait3A_78 = tpu.memref_squeeze %dma_wait3A_77 : memref<1x128xi32, #tpu.memory_space<vmem>> -> memref<128xi32, #tpu.memory_space<vmem>>
        %dma_wait3A_79 = arith.constant 0 : i32
        %dma_wait3A_80 = arith.constant 0 : i32
        %dma_wait3A_81 = tpu.memref_slice %arg11[%dma_wait3A_79, %dma_wait3A_80] : memref<10240x128xf32, #tpu.memory_space<vmem_shared>> -> memref<10240x128xf32, #tpu.memory_space<vmem_shared>>
        tpu.wait_indirect_dma semaphore(%run_scoped3A : memref<!tpu.dma_semaphore, #tpu.memory_space<semaphore_mem>>) src(%arg9 : memref<128x128xf32, #tpu.memory_space<vmem>>) dst(%dma_wait3A_81 : memref<10240x128xf32, #tpu.memory_space<vmem_shared>>)
        tpu.yield
      }) : () -> ()
      %lt3A = arith.constant 19 : i32
      %lt3A_57 = arith.cmpi slt, %scan3A_40, %lt3A : i32
      %convert_element_type3A = arith.extui %lt3A_57 : i1 to i32
      %cond3A = arith.constant 0 : i32
      %cond3A_58 = arith.cmpi ne, %convert_element_type3A, %cond3A : i32
      scf.if %cond3A_58 {
        %add3A_70 = arith.constant 2 : i32
        %add3A_71 = arith.addi %mul3A_43, %add3A_70 : i32
        %dma_start3A_72 = arith.constant 0 : i32
        %dma_start3A_73 = tpu.memref_slice %arg7[%add3A_71, %dma_start3A_72] : memref<40x128xi32, #tpu.memory_space<vmem>> -> memref<1x128xi32, #tpu.memory_space<vmem>>
        %dma_start3A_74 = tpu.memref_squeeze %dma_start3A_73 : memref<1x128xi32, #tpu.memory_space<vmem>> -> memref<128xi32, #tpu.memory_space<vmem>>
        %dma_start3A_75 = arith.constant 0 : i32
        %dma_start3A_76 = arith.constant 0 : i32
        %dma_start3A_77 = tpu.memref_slice %arg2[%dma_start3A_75, %dma_start3A_76] : memref<10240x128xf32, #tpu.memory_space<hbm>> -> memref<10240x128xf32, #tpu.memory_space<hbm>>
        tpu.enqueue_indirect_dma source(%dma_start3A_77 : memref<10240x128xf32, #tpu.memory_space<hbm>>) target(%arg9 : memref<128x128xf32, #tpu.memory_space<vmem>>) offsets(%dma_start3A_74 : memref<128xi32, #tpu.memory_space<vmem>>) semaphore(%arg12 : memref<!tpu.dma_semaphore, #tpu.memory_space<semaphore_mem>>)
      } else {
      }
      %add3A_59 = arith.constant 1 : i32
      %add3A_60 = arith.addi %mul3A_43, %add3A_59 : i32
      %dma_wait3A_61 = arith.constant 0 : i32
      %dma_wait3A_62 = tpu.memref_slice %arg7[%add3A_60, %dma_wait3A_61] : memref<40x128xi32, #tpu.memory_space<vmem>> -> memref<1x128xi32, #tpu.memory_space<vmem>>
      %dma_wait3A_63 = tpu.memref_squeeze %dma_wait3A_62 : memref<1x128xi32, #tpu.memory_space<vmem>> -> memref<128xi32, #tpu.memory_space<vmem>>
      %dma_wait3A_64 = arith.constant 0 : i32
      %dma_wait3A_65 = arith.constant 0 : i32
      %dma_wait3A_66 = tpu.memref_slice %arg2[%dma_wait3A_64, %dma_wait3A_65] : memref<10240x128xf32, #tpu.memory_space<hbm>> -> memref<10240x128xf32, #tpu.memory_space<hbm>>
      tpu.wait_indirect_dma semaphore(%arg13 : memref<!tpu.dma_semaphore, #tpu.memory_space<semaphore_mem>>) src(%dma_wait3A_66 : memref<10240x128xf32, #tpu.memory_space<hbm>>) dst(%arg10 : memref<128x128xf32, #tpu.memory_space<vmem>>)
      %add3A_67 = arith.constant 1 : i32
      %add3A_68 = arith.addi %mul3A_43, %add3A_67 : i32
      "tpu.region"() ({
        %run_scoped3A = tpu.sem_alloc : memref<!tpu.dma_semaphore, #tpu.memory_space<semaphore_mem>>
        %dma_start3A_70 = arith.constant 0 : i32
        %dma_start3A_71 = tpu.memref_slice %arg8[%add3A_68, %dma_start3A_70] : memref<40x128xi32, #tpu.memory_space<vmem>> -> memref<1x128xi32, #tpu.memory_space<vmem>>
        %dma_start3A_72 = tpu.memref_squeeze %dma_start3A_71 : memref<1x128xi32, #tpu.memory_space<vmem>> -> memref<128xi32, #tpu.memory_space<vmem>>
        %dma_start3A_73 = arith.constant 0 : i32
        %dma_start3A_74 = arith.constant 0 : i32
        %dma_start3A_75 = tpu.memref_slice %arg11[%dma_start3A_73, %dma_start3A_74] : memref<10240x128xf32, #tpu.memory_space<vmem_shared>> -> memref<10240x128xf32, #tpu.memory_space<vmem_shared>>
        tpu.enqueue_indirect_dma source(%arg10 : memref<128x128xf32, #tpu.memory_space<vmem>>) target(%dma_start3A_75 : memref<10240x128xf32, #tpu.memory_space<vmem_shared>>) offsets(%dma_start3A_72 : memref<128xi32, #tpu.memory_space<vmem>>) semaphore(%run_scoped3A : memref<!tpu.dma_semaphore, #tpu.memory_space<semaphore_mem>>) {add = true}
        %dma_wait3A_76 = arith.constant 0 : i32
        %dma_wait3A_77 = tpu.memref_slice %arg8[%add3A_68, %dma_wait3A_76] : memref<40x128xi32, #tpu.memory_space<vmem>> -> memref<1x128xi32, #tpu.memory_space<vmem>>
        %dma_wait3A_78 = tpu.memref_squeeze %dma_wait3A_77 : memref<1x128xi32, #tpu.memory_space<vmem>> -> memref<128xi32, #tpu.memory_space<vmem>>
        %dma_wait3A_79 = arith.constant 0 : i32
        %dma_wait3A_80 = arith.constant 0 : i32
        %dma_wait3A_81 = tpu.memref_slice %arg11[%dma_wait3A_79, %dma_wait3A_80] : memref<10240x128xf32, #tpu.memory_space<vmem_shared>> -> memref<10240x128xf32, #tpu.memory_space<vmem_shared>>
        tpu.wait_indirect_dma semaphore(%run_scoped3A : memref<!tpu.dma_semaphore, #tpu.memory_space<semaphore_mem>>) src(%arg10 : memref<128x128xf32, #tpu.memory_space<vmem>>) dst(%dma_wait3A_81 : memref<10240x128xf32, #tpu.memory_space<vmem_shared>>)
        tpu.yield
      }) : () -> ()
      %scan3A_69 = arith.constant 0 : i32
      scf.yield %scan3A_69 : i32
    }
    %scan3A_38 = arith.constant 20 : i32
    %barrier3A_39 = arith.constant 0 : index
    tpu.barrier barrier_id(%barrier3A_39)
    "tpu.region"() ({
      %run_scoped3A = tpu.sem_alloc : memref<!tpu.dma_semaphore, #tpu.memory_space<semaphore_mem>>
      %dma_start3A_40 = arith.constant 0 : i32
      %dma_start3A_41 = tpu.memref_slice %arg6[%arg0, %mul3A_2, %dma_start3A_40] : memref<2x10240x128xf32, #tpu.memory_space<hbm>> -> memref<1x640x128xf32, #tpu.memory_space<hbm>>
      %dma_start3A_42 = tpu.memref_squeeze %dma_start3A_41 : memref<1x640x128xf32, #tpu.memory_space<hbm>> -> memref<640x128xf32, #tpu.memory_space<hbm>>
      %dma_start3A_43 = arith.constant 0 : i32
      %dma_start3A_44 = tpu.memref_slice %arg11[%mul3A_2, %dma_start3A_43] : memref<10240x128xf32, #tpu.memory_space<vmem_shared>> -> memref<640x128xf32, #tpu.memory_space<vmem_shared>>
      tpu.enqueue_dma source(%dma_start3A_44 : memref<640x128xf32, #tpu.memory_space<vmem_shared>>) target(%dma_start3A_42 : memref<640x128xf32, #tpu.memory_space<hbm>>) target_semaphore(%run_scoped3A : memref<!tpu.dma_semaphore, #tpu.memory_space<semaphore_mem>>)
      %dma_wait3A = arith.constant 0 : i32
      %dma_wait3A_45 = tpu.memref_slice %arg6[%arg0, %mul3A_2, %dma_wait3A] : memref<2x10240x128xf32, #tpu.memory_space<hbm>> -> memref<1x640x128xf32, #tpu.memory_space<hbm>>
      %dma_wait3A_46 = tpu.memref_squeeze %dma_wait3A_45 : memref<1x640x128xf32, #tpu.memory_space<hbm>> -> memref<640x128xf32, #tpu.memory_space<hbm>>
      %dma_wait3A_47 = arith.constant 0 : i32
      %dma_wait3A_48 = tpu.memref_slice %arg11[%mul3A_2, %dma_wait3A_47] : memref<10240x128xf32, #tpu.memory_space<vmem_shared>> -> memref<640x128xf32, #tpu.memory_space<vmem_shared>>
      tpu.wait_dma2 semaphore(%run_scoped3A : memref<!tpu.dma_semaphore, #tpu.memory_space<semaphore_mem>>) src(%dma_wait3A_48 : memref<640x128xf32, #tpu.memory_space<vmem_shared>>) dst(%dma_wait3A_46 : memref<640x128xf32, #tpu.memory_space<hbm>>)
      tpu.yield
    }) : () -> ()
    return
  }
}

module attributes {stable_mosaic.version = 14 : i64} {
  func.func @tc_prep(%arg0: i32, %arg1: memref<1280x128xf32, #tpu.memory_space<vmem>>, %arg2: memref<2x1280x128xf32, #tpu.memory_space<vmem>>, %arg3: memref<1x128xf32, #tpu.memory_space<vmem>>, %arg4: memref<1x128xf32, #tpu.memory_space<vmem>>, %arg5: memref<1280x128xf32, #tpu.memory_space<vmem>>, %arg6: memref<1280x128xf32, #tpu.memory_space<vmem>>) attributes {dimension_semantics = [#tpu.dimension_semantics<arbitrary>], iteration_bounds = array<i64: 8>, scalar_prefetch = 0 : i64, scratch_operands = 0 : i64, tpu.core_type = #tpu.core_type<tc>, window_params = [{transform_indices = @transform_0, window_bounds = array<i64: 1280, 128>}, {transform_indices = @transform_1, window_bounds = array<i64: 2, 1280, 128>}, {pipeline_mode = #tpu.pipeline_mode<synchronous>, transform_indices = @transform_2, window_bounds = array<i64: 1, 128>}, {pipeline_mode = #tpu.pipeline_mode<synchronous>, transform_indices = @transform_3, window_bounds = array<i64: 1, 128>}, {transform_indices = @transform_4, window_bounds = array<i64: 1280, 128>}, {transform_indices = @transform_5, window_bounds = array<i64: 1280, 128>}]} {
    %get3A = arith.constant 0 : index
    %get3A_0 = arith.constant 0 : index
    %get3A_1 = arith.constant 0 : index
    %get3A_2 = vector.load %arg2[%get3A, %get3A_0, %get3A_1] : memref<2x1280x128xf32, #tpu.memory_space<vmem>>, vector<2x1280x128xf32>
    %slice3A = vector.extract_strided_slice %get3A_2 {offsets = [0, 0, 0], sizes = [1, 1280, 128], strides = [1, 1, 1]} : vector<2x1280x128xf32> to vector<1x1280x128xf32>
    %squeeze3A = vector.shape_cast %slice3A : vector<1x1280x128xf32> to vector<1280x128xf32>
    %slice3A_3 = vector.extract_strided_slice %squeeze3A {offsets = [0, 0], sizes = [1280, 1], strides = [1, 1]} : vector<1280x128xf32> to vector<1280x1xf32>
    %slice3A_4 = vector.extract_strided_slice %get3A_2 {offsets = [1, 0, 0], sizes = [1, 1280, 128], strides = [1, 1, 1]} : vector<2x1280x128xf32> to vector<1x1280x128xf32>
    %squeeze3A_5 = vector.shape_cast %slice3A_4 : vector<1x1280x128xf32> to vector<1280x128xf32>
    %slice3A_6 = vector.extract_strided_slice %squeeze3A_5 {offsets = [0, 0], sizes = [1280, 1], strides = [1, 1]} : vector<1280x128xf32> to vector<1280x1xf32>
    %add3A = arith.addf %slice3A_3, %slice3A_6 : vector<1280x1xf32>
    %add3A_7 = arith.constant 1.000000e+00 : f32
    %add3A_8 = vector.broadcast %add3A_7 : f32 to vector<1280x1xf32>
    %add3A_9 = arith.addf %add3A, %add3A_8 : vector<1280x1xf32>
    %rsqrt3A = math.rsqrt %add3A_9 : vector<1280x1xf32>
    %get3A_10 = arith.constant 0 : index
    %get3A_11 = arith.constant 0 : index
    %get3A_12 = vector.load %arg1[%get3A_10, %get3A_11] : memref<1280x128xf32, #tpu.memory_space<vmem>>, vector<1280x128xf32>
    %get3A_13 = arith.constant 0 : index
    %get3A_14 = arith.constant 0 : index
    %get3A_15 = vector.load %arg3[%get3A_13, %get3A_14] : memref<1x128xf32, #tpu.memory_space<vmem>>, vector<1x128xf32>
    %get3A_16 = arith.constant 0 : index
    %get3A_17 = arith.constant 0 : index
    %get3A_18 = vector.load %arg4[%get3A_16, %get3A_17] : memref<1x128xf32, #tpu.memory_space<vmem>>, vector<1x128xf32>
    %reduce_sum3A = arith.constant dense<0.000000e+00> : vector<1280xf32>
    %reduce_sum3A_19 = vector.multi_reduction <add>, %get3A_12, %reduce_sum3A [1] : vector<1280x128xf32> to vector<1280xf32>
    %broadcast_in_dim3A = vector.shape_cast %reduce_sum3A_19 : vector<1280xf32> to vector<1280x1xf32>
    %div3A = arith.constant 1.280000e+02 : f32
    %div3A_20 = vector.broadcast %div3A : f32 to vector<1280x1xf32>
    %div3A_21 = arith.divf %broadcast_in_dim3A, %div3A_20 : vector<1280x1xf32>
    %sub3A = vector.broadcast %div3A_21 : vector<1280x1xf32> to vector<1280x128xf32>
    %sub3A_22 = arith.subf %get3A_12, %sub3A : vector<1280x128xf32>
    %sub3A_23 = vector.broadcast %div3A_21 : vector<1280x1xf32> to vector<1280x128xf32>
    %sub3A_24 = arith.subf %get3A_12, %sub3A_23 : vector<1280x128xf32>
    %mul3A = arith.mulf %sub3A_22, %sub3A_24 : vector<1280x128xf32>
    %reduce_sum3A_25 = arith.constant dense<0.000000e+00> : vector<1280xf32>
    %reduce_sum3A_26 = vector.multi_reduction <add>, %mul3A, %reduce_sum3A_25 [1] : vector<1280x128xf32> to vector<1280xf32>
    %broadcast_in_dim3A_27 = vector.shape_cast %reduce_sum3A_26 : vector<1280xf32> to vector<1280x1xf32>
    %div3A_28 = arith.constant 1.280000e+02 : f32
    %div3A_29 = vector.broadcast %div3A_28 : f32 to vector<1280x1xf32>
    %div3A_30 = arith.divf %broadcast_in_dim3A_27, %div3A_29 : vector<1280x1xf32>
    %sub3A_31 = vector.broadcast %div3A_21 : vector<1280x1xf32> to vector<1280x128xf32>
    %sub3A_32 = arith.subf %get3A_12, %sub3A_31 : vector<1280x128xf32>
    %add3A_33 = arith.constant 9.99999974E-6 : f32
    %add3A_34 = vector.broadcast %add3A_33 : f32 to vector<1280x1xf32>
    %add3A_35 = arith.addf %div3A_30, %add3A_34 : vector<1280x1xf32>
    %rsqrt3A_36 = math.rsqrt %add3A_35 : vector<1280x1xf32>
    %mul3A_37 = vector.broadcast %rsqrt3A_36 : vector<1280x1xf32> to vector<1280x128xf32>
    %mul3A_38 = arith.mulf %sub3A_32, %mul3A_37 : vector<1280x128xf32>
    %mul3A_39 = vector.broadcast %get3A_15 : vector<1x128xf32> to vector<1280x128xf32>
    %mul3A_40 = arith.mulf %mul3A_38, %mul3A_39 : vector<1280x128xf32>
    %add3A_41 = vector.broadcast %get3A_18 : vector<1x128xf32> to vector<1280x128xf32>
    %add3A_42 = arith.addf %mul3A_40, %add3A_41 : vector<1280x128xf32>
    %swap3A = arith.constant 0 : index
    %swap3A_43 = arith.constant 0 : index
    %swap3A_44 = vector.load %arg5[%swap3A, %swap3A_43] : memref<1280x128xf32, #tpu.memory_space<vmem>>, vector<1280x128xf32>
    tpu.vector_store %arg5[%swap3A, %swap3A_43], %add3A_42 {strides = array<i32>} : memref<1280x128xf32, #tpu.memory_space<vmem>>, vector<1280x128xf32>,
    %mul3A_45 = vector.broadcast %rsqrt3A : vector<1280x1xf32> to vector<1280x128xf32>
    %mul3A_46 = arith.mulf %add3A_42, %mul3A_45 : vector<1280x128xf32>
    %swap3A_47 = arith.constant 0 : index
    %swap3A_48 = arith.constant 0 : index
    %swap3A_49 = vector.load %arg6[%swap3A_47, %swap3A_48] : memref<1280x128xf32, #tpu.memory_space<vmem>>, vector<1280x128xf32>
    tpu.vector_store %arg6[%swap3A_47, %swap3A_48], %mul3A_46 {strides = array<i32>} : memref<1280x128xf32, #tpu.memory_space<vmem>>, vector<1280x128xf32>,
    return
  }
  func.func @transform_0(%arg0: i32) -> (i32, i32) {
    %c0_i32 = arith.constant 0 : i32
    %c0_i32_0 = arith.constant 0 : i32
    return %arg0, %c0_i32 : i32, i32
  }
  func.func @transform_1(%arg0: i32) -> (i32, i32, i32) {
    %c0_i32 = arith.constant 0 : i32
    %c0_i32_0 = arith.constant 0 : i32
    %c0_i32_1 = arith.constant 0 : i32
    return %c0_i32, %arg0, %c0_i32_0 : i32, i32, i32
  }
  func.func @transform_2(%arg0: i32) -> (i32, i32) {
    %c0_i32 = arith.constant 0 : i32
    %c0_i32_0 = arith.constant 0 : i32
    %c0_i32_1 = arith.constant 0 : i32
    return %c0_i32, %c0_i32_0 : i32, i32
  }
  func.func @transform_3(%arg0: i32) -> (i32, i32) {
    %c0_i32 = arith.constant 0 : i32
    %c0_i32_0 = arith.constant 0 : i32
    %c0_i32_1 = arith.constant 0 : i32
    return %c0_i32, %c0_i32_0 : i32, i32
  }
  func.func @transform_4(%arg0: i32) -> (i32, i32) {
    %c0_i32 = arith.constant 0 : i32
    %c0_i32_0 = arith.constant 0 : i32
    return %arg0, %c0_i32 : i32, i32
  }
  func.func @transform_5(%arg0: i32) -> (i32, i32) {
    %c0_i32 = arith.constant 0 : i32
    %c0_i32_0 = arith.constant 0 : i32
    return %arg0, %c0_i32 : i32, i32
  }
}

module attributes {stable_mosaic.version = 14 : i64} {
  func.func @tc_evolve(%arg0: memref<10240x128xf32, #tpu.memory_space<vmem>>, %arg1: memref<1x128xf32, #tpu.memory_space<vmem>>, %arg2: memref<30x128xf32, #tpu.memory_space<vmem>>, %arg3: memref<128x128xf32, #tpu.memory_space<vmem>>, %arg4: memref<128x128xf32, #tpu.memory_space<vmem>>, %arg5: memref<128x128xf32, #tpu.memory_space<vmem>>, %arg6: memref<128x1xf32, #tpu.memory_space<vmem>>, %arg7: memref<128x128xf32, #tpu.memory_space<vmem>>, %arg8: memref<128x128xf32, #tpu.memory_space<vmem>>, %arg9: memref<128x1xf32, #tpu.memory_space<vmem>>, %arg10: memref<128x128xf32, #tpu.memory_space<vmem>>, %arg11: memref<128x128xf32, #tpu.memory_space<vmem>>, %arg12: memref<128x1xf32, #tpu.memory_space<vmem>>, %arg13: memref<128x128xf32, #tpu.memory_space<vmem>>) attributes {dimension_semantics = [], scalar_prefetch = 0 : i64, scratch_operands = 0 : i64, tpu.core_type = #tpu.core_type<tc>} {
    %get3A = arith.constant 0 : index
    %get3A_0 = arith.constant 0 : index
    %get3A_1 = vector.load %arg1[%get3A, %get3A_0] : memref<1x128xf32, #tpu.memory_space<vmem>>, vector<1x128xf32>
    %mul3A = arith.mulf %get3A_1, %get3A_1 : vector<1x128xf32>
    %reduce_sum3A = vector.shape_cast %mul3A : vector<1x128xf32> to vector<1x1x128xf32>
    %reduce_sum3A_2 = arith.constant dense<0.000000e+00> : vector<1xf32>
    %reduce_sum3A_3 = vector.multi_reduction <add>, %reduce_sum3A, %reduce_sum3A_2 [1, 2] : vector<1x1x128xf32> to vector<1xf32>
    %reduce_sum3A_4 = vector.shape_cast %reduce_sum3A_3 : vector<1xf32> to vector<1x1x1xf32>
    %reduce_sum3A_5 = vector.extract %reduce_sum3A_4[0, 0, 0] : f32 from vector<1x1x1xf32>
    %sqrt3A = math.sqrt %reduce_sum3A_5 : f32
    %add3A = arith.constant 9.99999996E-13 : f32
    %add3A_6 = arith.addf %sqrt3A, %add3A : f32
    %get3A_7 = arith.constant 0 : index
    %get3A_8 = arith.constant 0 : index
    %get3A_9 = vector.load %arg0[%get3A_7, %get3A_8] : memref<10240x128xf32, #tpu.memory_space<vmem>>, vector<10240x128xf32>
    %mul3A_10 = vector.broadcast %get3A_1 : vector<1x128xf32> to vector<10240x128xf32>
    %mul3A_11 = arith.mulf %get3A_9, %mul3A_10 : vector<10240x128xf32>
    %reduce_sum3A_12 = arith.constant dense<0.000000e+00> : vector<10240xf32>
    %reduce_sum3A_13 = vector.multi_reduction <add>, %mul3A_11, %reduce_sum3A_12 [1] : vector<10240x128xf32> to vector<10240xf32>
    %broadcast_in_dim3A = vector.shape_cast %reduce_sum3A_13 : vector<10240xf32> to vector<10240x1xf32>
    %div3A = vector.broadcast %add3A_6 : f32 to vector<10240x1xf32>
    %div3A_14 = arith.divf %broadcast_in_dim3A, %div3A : vector<10240x1xf32>
    %iota3A = tpu.iota {dimensions = array<i32: 0>} : vector<10240x1xi32>
    %lt3A = arith.constant 10000 : i32
    %lt3A_15 = vector.broadcast %lt3A : i32 to vector<10240x1xi32>
    %lt3A_16 = arith.cmpi slt, %iota3A, %lt3A_15 : vector<10240x1xi32>
    %jit3A = arith.constant 0xFF800000 : f32
    %broadcast_in_dim3A_17 = vector.broadcast %jit3A : f32 to vector<10240x1xf32>
    %select_n3A = arith.select %lt3A_16, %div3A_14, %broadcast_in_dim3A_17 : vector<10240x1xi1>, vector<10240x1xf32>
    %broadcast_in_dim3A_18 = arith.constant 0.000000e+00 : f32
    %broadcast_in_dim3A_19 = vector.broadcast %broadcast_in_dim3A_18 : f32 to vector<128x128xf32>
    %scan3A = arith.constant 0xFF800000 : f32
    %scan3A_20 = arith.constant 0 : i32
    %scan3A_21 = arith.constant 30 : i32
    %scan3A_22 = arith.addi %scan3A_20, %scan3A_21 : i32
    %scan3A_23 = arith.constant 1 : i32
    %scan3A_24:2 = scf.for %scan3A_95 = %scan3A_20 to %scan3A_22 step %scan3A_23 iter_args(%scan3A_96 = %select_n3A, %scan3A_97 = %broadcast_in_dim3A_19) -> (vector<10240x1xf32>, vector<128x128xf32>)  : i32 {
      %reduce_max3A = vector.shape_cast %scan3A_96 : vector<10240x1xf32> to vector<1x10240x1xf32>
      %reduce_max3A_98 = arith.constant dense<0xFF800000> : vector<1xf32>
      %reduce_max3A_99 = vector.multi_reduction <maximumf>, %reduce_max3A, %reduce_max3A_98 [1, 2] : vector<1x10240x1xf32> to vector<1xf32>
      %reduce_max3A_100 = vector.shape_cast %reduce_max3A_99 : vector<1xf32> to vector<1x1x1xf32>
      %reduce_max3A_101 = vector.extract %reduce_max3A_100[0, 0, 0] : f32 from vector<1x1x1xf32>
      %eq3A = vector.broadcast %reduce_max3A_101 : f32 to vector<10240x1xf32>
      %eq3A_102 = arith.cmpf oeq, %scan3A_96, %eq3A : vector<10240x1xf32>
      %jit3A_103 = arith.constant 10240 : i32
      %broadcast_in_dim3A_104 = vector.broadcast %jit3A_103 : i32 to vector<10240x1xi32>
      %select_n3A_105 = arith.select %eq3A_102, %iota3A, %broadcast_in_dim3A_104 : vector<10240x1xi1>, vector<10240x1xi32>
      %reduce_min3A = vector.shape_cast %select_n3A_105 : vector<10240x1xi32> to vector<1x10240x1xi32>
      %reduce_min3A_106 = arith.constant dense<2147483647> : vector<1xi32>
      %reduce_min3A_107 = vector.multi_reduction <minsi>, %reduce_min3A, %reduce_min3A_106 [1, 2] : vector<1x10240x1xi32> to vector<1xi32>
      %reduce_min3A_108 = vector.shape_cast %reduce_min3A_107 : vector<1xi32> to vector<1x1x1xi32>
      %reduce_min3A_109 = vector.extract %reduce_min3A_108[0, 0, 0] : i32 from vector<1x1x1xi32>
      %get3A_110 = arith.index_cast %reduce_min3A_109 : i32 to index
      %get3A_111 = arith.constant 0 : index
      %get3A_112 = vector.load %arg0[%get3A_110, %get3A_111] : memref<10240x128xf32, #tpu.memory_space<vmem>>, vector<1x128xf32>
      %get3A_113 = arith.index_cast %scan3A_95 : i32 to index
      %get3A_114 = arith.constant 0 : index
      %get3A_115 = vector.load %arg2[%get3A_113, %get3A_114] : memref<30x128xf32, #tpu.memory_space<vmem>>, vector<1x128xf32>
      %tanh3A_116 = math.tanh %reduce_max3A_101 : f32
      %dot_general3A_117 = arith.constant dense<0.000000e+00> : vector<128x128xf32>
      %dot_general3A_118 = tpu.matmul %get3A_112, %get3A_115, %dot_general3A_117 {dimension_numbers = #tpu.dot_dimension_numbers<[0], [0], [1], [1], [0, 1, 1, 1], [], []>, transpose_lhs_hint = false} : vector<1x128xf32>, vector<1x128xf32>, vector<128x128xf32> -> vector<128x128xf32>
      %mul3A_119 = vector.broadcast %tanh3A_116 : f32 to vector<128x128xf32>
      %mul3A_120 = arith.mulf %mul3A_119, %dot_general3A_118 : vector<128x128xf32>
      %add3A_121 = arith.addf %scan3A_97, %mul3A_120 : vector<128x128xf32>
      %eq3A_122 = vector.broadcast %reduce_min3A_109 : i32 to vector<10240x1xi32>
      %eq3A_123 = arith.cmpi eq, %iota3A, %eq3A_122 : vector<10240x1xi32>
      %broadcast_in_dim3A_124 = vector.broadcast %scan3A : f32 to vector<10240x1xf32>
      %select_n3A_125 = arith.select %eq3A_123, %broadcast_in_dim3A_124, %scan3A_96 : vector<10240x1xi1>, vector<10240x1xf32>
      scf.yield %select_n3A_125, %add3A_121 : vector<10240x1xf32>, vector<128x128xf32>
    }
    %scan3A_25 = arith.constant 30 : i32
    %get3A_26 = arith.constant 0 : index
    %get3A_27 = arith.constant 0 : index
    %get3A_28 = vector.load %arg3[%get3A_26, %get3A_27] : memref<128x128xf32, #tpu.memory_space<vmem>>, vector<128x128xf32>
    %get3A_29 = arith.constant 0 : index
    %get3A_30 = arith.constant 0 : index
    %get3A_31 = vector.load %arg4[%get3A_29, %get3A_30] : memref<128x128xf32, #tpu.memory_space<vmem>>, vector<128x128xf32>
    %dot_general3A = arith.constant dense<0.000000e+00> : vector<128x128xf32>
    %dot_general3A_32 = tpu.matmul %get3A_31, %scan3A_24#1, %dot_general3A {dimension_numbers = #tpu.dot_dimension_numbers<[1], [0], [0], [1], [0, 0, 1, 1], [], []>, transpose_lhs_hint = false} : vector<128x128xf32>, vector<128x128xf32>, vector<128x128xf32> -> vector<128x128xf32>
    %get3A_33 = arith.constant 0 : index
    %get3A_34 = arith.constant 0 : index
    %get3A_35 = vector.load %arg5[%get3A_33, %get3A_34] : memref<128x128xf32, #tpu.memory_space<vmem>>, vector<128x128xf32>
    %dot_general3A_36 = arith.constant dense<0.000000e+00> : vector<128x128xf32>
    %dot_general3A_37 = tpu.matmul %get3A_35, %get3A_28, %dot_general3A_36 {dimension_numbers = #tpu.dot_dimension_numbers<[1], [0], [0], [1], [0, 0, 1, 1], [], []>, transpose_lhs_hint = false} : vector<128x128xf32>, vector<128x128xf32>, vector<128x128xf32> -> vector<128x128xf32>
    %add3A_38 = arith.addf %dot_general3A_32, %dot_general3A_37 : vector<128x128xf32>
    %get3A_39 = arith.constant 0 : index
    %get3A_40 = arith.constant 0 : index
    %get3A_41 = vector.load %arg6[%get3A_39, %get3A_40] : memref<128x1xf32, #tpu.memory_space<vmem>>, vector<128x1xf32>
    %add3A_42 = vector.broadcast %get3A_41 : vector<128x1xf32> to vector<128x128xf32>
    %add3A_43 = arith.addf %add3A_38, %add3A_42 : vector<128x128xf32>
    %logistic3A = arith.negf %add3A_43 : vector<128x128xf32>
    %logistic3A_44 = math.exp %logistic3A : vector<128x128xf32>
    %logistic3A_45 = arith.constant 1.000000e+00 : f32
    %logistic3A_46 = vector.broadcast %logistic3A_45 : f32 to vector<128x128xf32>
    %logistic3A_47 = arith.addf %logistic3A_46, %logistic3A_44 : vector<128x128xf32>
    %logistic3A_48 = arith.divf %logistic3A_46, %logistic3A_47 : vector<128x128xf32>
    %get3A_49 = arith.constant 0 : index
    %get3A_50 = arith.constant 0 : index
    %get3A_51 = vector.load %arg7[%get3A_49, %get3A_50] : memref<128x128xf32, #tpu.memory_space<vmem>>, vector<128x128xf32>
    %dot_general3A_52 = arith.constant dense<0.000000e+00> : vector<128x128xf32>
    %dot_general3A_53 = tpu.matmul %get3A_51, %scan3A_24#1, %dot_general3A_52 {dimension_numbers = #tpu.dot_dimension_numbers<[1], [0], [0], [1], [0, 0, 1, 1], [], []>, transpose_lhs_hint = false} : vector<128x128xf32>, vector<128x128xf32>, vector<128x128xf32> -> vector<128x128xf32>
    %get3A_54 = arith.constant 0 : index
    %get3A_55 = arith.constant 0 : index
    %get3A_56 = vector.load %arg8[%get3A_54, %get3A_55] : memref<128x128xf32, #tpu.memory_space<vmem>>, vector<128x128xf32>
    %dot_general3A_57 = arith.constant dense<0.000000e+00> : vector<128x128xf32>
    %dot_general3A_58 = tpu.matmul %get3A_56, %get3A_28, %dot_general3A_57 {dimension_numbers = #tpu.dot_dimension_numbers<[1], [0], [0], [1], [0, 0, 1, 1], [], []>, transpose_lhs_hint = false} : vector<128x128xf32>, vector<128x128xf32>, vector<128x128xf32> -> vector<128x128xf32>
    %add3A_59 = arith.addf %dot_general3A_53, %dot_general3A_58 : vector<128x128xf32>
    %get3A_60 = arith.constant 0 : index
    %get3A_61 = arith.constant 0 : index
    %get3A_62 = vector.load %arg9[%get3A_60, %get3A_61] : memref<128x1xf32, #tpu.memory_space<vmem>>, vector<128x1xf32>
    %add3A_63 = vector.broadcast %get3A_62 : vector<128x1xf32> to vector<128x128xf32>
    %add3A_64 = arith.addf %add3A_59, %add3A_63 : vector<128x128xf32>
    %logistic3A_65 = arith.negf %add3A_64 : vector<128x128xf32>
    %logistic3A_66 = math.exp %logistic3A_65 : vector<128x128xf32>
    %logistic3A_67 = arith.constant 1.000000e+00 : f32
    %logistic3A_68 = vector.broadcast %logistic3A_67 : f32 to vector<128x128xf32>
    %logistic3A_69 = arith.addf %logistic3A_68, %logistic3A_66 : vector<128x128xf32>
    %logistic3A_70 = arith.divf %logistic3A_68, %logistic3A_69 : vector<128x128xf32>
    %get3A_71 = arith.constant 0 : index
    %get3A_72 = arith.constant 0 : index
    %get3A_73 = vector.load %arg10[%get3A_71, %get3A_72] : memref<128x128xf32, #tpu.memory_space<vmem>>, vector<128x128xf32>
    %dot_general3A_74 = arith.constant dense<0.000000e+00> : vector<128x128xf32>
    %dot_general3A_75 = tpu.matmul %get3A_73, %scan3A_24#1, %dot_general3A_74 {dimension_numbers = #tpu.dot_dimension_numbers<[1], [0], [0], [1], [0, 0, 1, 1], [], []>, transpose_lhs_hint = false} : vector<128x128xf32>, vector<128x128xf32>, vector<128x128xf32> -> vector<128x128xf32>
    %get3A_76 = arith.constant 0 : index
    %get3A_77 = arith.constant 0 : index
    %get3A_78 = vector.load %arg11[%get3A_76, %get3A_77] : memref<128x128xf32, #tpu.memory_space<vmem>>, vector<128x128xf32>
    %mul3A_79 = arith.mulf %logistic3A_70, %get3A_28 : vector<128x128xf32>
    %dot_general3A_80 = arith.constant dense<0.000000e+00> : vector<128x128xf32>
    %dot_general3A_81 = tpu.matmul %get3A_78, %mul3A_79, %dot_general3A_80 {dimension_numbers = #tpu.dot_dimension_numbers<[1], [0], [0], [1], [0, 0, 1, 1], [], []>, transpose_lhs_hint = false} : vector<128x128xf32>, vector<128x128xf32>, vector<128x128xf32> -> vector<128x128xf32>
    %add3A_82 = arith.addf %dot_general3A_75, %dot_general3A_81 : vector<128x128xf32>
    %get3A_83 = arith.constant 0 : index
    %get3A_84 = arith.constant 0 : index
    %get3A_85 = vector.load %arg12[%get3A_83, %get3A_84] : memref<128x1xf32, #tpu.memory_space<vmem>>, vector<128x1xf32>
    %add3A_86 = vector.broadcast %get3A_85 : vector<128x1xf32> to vector<128x128xf32>
    %add3A_87 = arith.addf %add3A_82, %add3A_86 : vector<128x128xf32>
    %tanh3A = math.tanh %add3A_87 : vector<128x128xf32>
    %sub3A = arith.constant 1.000000e+00 : f32
    %sub3A_88 = vector.broadcast %sub3A : f32 to vector<128x128xf32>
    %sub3A_89 = arith.subf %sub3A_88, %logistic3A_48 : vector<128x128xf32>
    %mul3A_90 = arith.mulf %sub3A_89, %get3A_28 : vector<128x128xf32>
    %mul3A_91 = arith.mulf %logistic3A_48, %tanh3A : vector<128x128xf32>
    %add3A_92 = arith.addf %mul3A_90, %mul3A_91 : vector<128x128xf32>
    %swap3A = arith.constant 0 : index
    %swap3A_93 = arith.constant 0 : index
    %swap3A_94 = vector.load %arg13[%swap3A, %swap3A_93] : memref<128x128xf32, #tpu.memory_space<vmem>>, vector<128x128xf32>
    tpu.vector_store %arg13[%swap3A, %swap3A_93], %add3A_92 {strides = array<i32>} : memref<128x128xf32, #tpu.memory_space<vmem>>, vector<128x128xf32>,
    return
  }
}

module attributes {stable_mosaic.version = 14 : i64} {
  func.func @tc_update(%arg0: i32, %arg1: memref<2x1280x128xf32, #tpu.memory_space<vmem>>, %arg2: memref<1280x128xf32, #tpu.memory_space<vmem>>, %arg3: memref<2x1280x128xf32, #tpu.memory_space<vmem>>, %arg4: memref<128x128xf32, #tpu.memory_space<vmem>>, %arg5: memref<1280x128xf32, #tpu.memory_space<vmem>>, %arg6: memref<1280x128xf32, #tpu.memory_space<vmem>>) attributes {dimension_semantics = [#tpu.dimension_semantics<arbitrary>], iteration_bounds = array<i64: 8>, scalar_prefetch = 0 : i64, scratch_operands = 0 : i64, tpu.core_type = #tpu.core_type<tc>, window_params = [{transform_indices = @transform_0, window_bounds = array<i64: 2, 1280, 128>}, {transform_indices = @transform_1, window_bounds = array<i64: 1280, 128>}, {transform_indices = @transform_2, window_bounds = array<i64: 2, 1280, 128>}, {pipeline_mode = #tpu.pipeline_mode<synchronous>, transform_indices = @transform_3, window_bounds = array<i64: 128, 128>}, {transform_indices = @transform_4, window_bounds = array<i64: 1280, 128>}, {transform_indices = @transform_5, window_bounds = array<i64: 1280, 128>}]} {
    %get3A = arith.constant 0 : index
    %get3A_0 = arith.constant 0 : index
    %get3A_1 = arith.constant 0 : index
    %get3A_2 = vector.load %arg3[%get3A, %get3A_0, %get3A_1] : memref<2x1280x128xf32, #tpu.memory_space<vmem>>, vector<2x1280x128xf32>
    %slice3A = vector.extract_strided_slice %get3A_2 {offsets = [0, 0, 0], sizes = [1, 1280, 128], strides = [1, 1, 1]} : vector<2x1280x128xf32> to vector<1x1280x128xf32>
    %squeeze3A = vector.shape_cast %slice3A : vector<1x1280x128xf32> to vector<1280x128xf32>
    %slice3A_3 = vector.extract_strided_slice %squeeze3A {offsets = [0, 0], sizes = [1280, 1], strides = [1, 1]} : vector<1280x128xf32> to vector<1280x1xf32>
    %slice3A_4 = vector.extract_strided_slice %get3A_2 {offsets = [1, 0, 0], sizes = [1, 1280, 128], strides = [1, 1, 1]} : vector<2x1280x128xf32> to vector<1x1280x128xf32>
    %squeeze3A_5 = vector.shape_cast %slice3A_4 : vector<1x1280x128xf32> to vector<1280x128xf32>
    %slice3A_6 = vector.extract_strided_slice %squeeze3A_5 {offsets = [0, 0], sizes = [1280, 1], strides = [1, 1]} : vector<1280x128xf32> to vector<1280x1xf32>
    %add3A = arith.addf %slice3A_3, %slice3A_6 : vector<1280x1xf32>
    %add3A_7 = arith.constant 1.000000e+00 : f32
    %add3A_8 = vector.broadcast %add3A_7 : f32 to vector<1280x1xf32>
    %add3A_9 = arith.addf %add3A, %add3A_8 : vector<1280x1xf32>
    %rsqrt3A = math.rsqrt %add3A_9 : vector<1280x1xf32>
    %get3A_10 = arith.constant 0 : index
    %get3A_11 = arith.constant 0 : index
    %get3A_12 = arith.constant 0 : index
    %get3A_13 = vector.load %arg1[%get3A_10, %get3A_11, %get3A_12] : memref<2x1280x128xf32, #tpu.memory_space<vmem>>, vector<1x1280x128xf32>
    %get3A_14 = vector.shape_cast %get3A_13 : vector<1x1280x128xf32> to vector<1280x128xf32>
    %get3A_15 = arith.constant 1 : index
    %get3A_16 = arith.constant 0 : index
    %get3A_17 = arith.constant 0 : index
    %get3A_18 = vector.load %arg1[%get3A_15, %get3A_16, %get3A_17] : memref<2x1280x128xf32, #tpu.memory_space<vmem>>, vector<1x1280x128xf32>
    %get3A_19 = vector.shape_cast %get3A_18 : vector<1x1280x128xf32> to vector<1280x128xf32>
    %add3A_20 = arith.addf %get3A_14, %get3A_19 : vector<1280x128xf32>
    %get3A_21 = arith.constant 0 : index
    %get3A_22 = arith.constant 0 : index
    %get3A_23 = vector.load %arg2[%get3A_21, %get3A_22] : memref<1280x128xf32, #tpu.memory_space<vmem>>, vector<1280x128xf32>
    %add3A_24 = arith.addf %add3A_20, %get3A_23 : vector<1280x128xf32>
    %mul3A = vector.broadcast %rsqrt3A : vector<1280x1xf32> to vector<1280x128xf32>
    %mul3A_25 = arith.mulf %add3A_24, %mul3A : vector<1280x128xf32>
    %get3A_26 = arith.constant 0 : index
    %get3A_27 = arith.constant 0 : index
    %get3A_28 = vector.load %arg4[%get3A_26, %get3A_27] : memref<128x128xf32, #tpu.memory_space<vmem>>, vector<128x128xf32>
    %dot_general3A = arith.constant dense<0.000000e+00> : vector<1280x128xf32>
    %dot_general3A_29 = tpu.matmul %mul3A_25, %get3A_28, %dot_general3A {dimension_numbers = #tpu.dot_dimension_numbers<[1], [0], [0], [1], [0, 0, 1, 1], [], []>, transpose_lhs_hint = false} : vector<1280x128xf32>, vector<128x128xf32>, vector<1280x128xf32> -> vector<1280x128xf32>
    %max3A = arith.constant 0.000000e+00 : f32
    %max3A_30 = vector.broadcast %max3A : f32 to vector<1280x128xf32>
    %max3A_31 = arith.maximumf %dot_general3A_29, %max3A_30 : vector<1280x128xf32>
    %swap3A = arith.constant 0 : index
    %swap3A_32 = arith.constant 0 : index
    %swap3A_33 = vector.load %arg5[%swap3A, %swap3A_32] : memref<1280x128xf32, #tpu.memory_space<vmem>>, vector<1280x128xf32>
    tpu.vector_store %arg5[%swap3A, %swap3A_32], %max3A_31 {strides = array<i32>} : memref<1280x128xf32, #tpu.memory_space<vmem>>, vector<1280x128xf32>,
    %mul3A_34 = vector.broadcast %rsqrt3A : vector<1280x1xf32> to vector<1280x128xf32>
    %mul3A_35 = arith.mulf %max3A_31, %mul3A_34 : vector<1280x128xf32>
    %swap3A_36 = arith.constant 0 : index
    %swap3A_37 = arith.constant 0 : index
    %swap3A_38 = vector.load %arg6[%swap3A_36, %swap3A_37] : memref<1280x128xf32, #tpu.memory_space<vmem>>, vector<1280x128xf32>
    tpu.vector_store %arg6[%swap3A_36, %swap3A_37], %mul3A_35 {strides = array<i32>} : memref<1280x128xf32, #tpu.memory_space<vmem>>, vector<1280x128xf32>,
    return
  }
  func.func @transform_0(%arg0: i32) -> (i32, i32, i32) {
    %c0_i32 = arith.constant 0 : i32
    %c0_i32_0 = arith.constant 0 : i32
    %c0_i32_1 = arith.constant 0 : i32
    return %c0_i32, %arg0, %c0_i32_0 : i32, i32, i32
  }
  func.func @transform_1(%arg0: i32) -> (i32, i32) {
    %c0_i32 = arith.constant 0 : i32
    %c0_i32_0 = arith.constant 0 : i32
    return %arg0, %c0_i32 : i32, i32
  }
  func.func @transform_2(%arg0: i32) -> (i32, i32, i32) {
    %c0_i32 = arith.constant 0 : i32
    %c0_i32_0 = arith.constant 0 : i32
    %c0_i32_1 = arith.constant 0 : i32
    return %c0_i32, %arg0, %c0_i32_0 : i32, i32, i32
  }
  func.func @transform_3(%arg0: i32) -> (i32, i32) {
    %c0_i32 = arith.constant 0 : i32
    %c0_i32_0 = arith.constant 0 : i32
    %c0_i32_1 = arith.constant 0 : i32
    return %c0_i32, %c0_i32_0 : i32, i32
  }
  func.func @transform_4(%arg0: i32) -> (i32, i32) {
    %c0_i32 = arith.constant 0 : i32
    %c0_i32_0 = arith.constant 0 : i32
    return %arg0, %c0_i32 : i32, i32
  }
  func.func @transform_5(%arg0: i32) -> (i32, i32) {
    %c0_i32 = arith.constant 0 : i32
    %c0_i32_0 = arith.constant 0 : i32
    return %arg0, %c0_i32 : i32, i32
  }
}

module attributes {stable_mosaic.version = 14 : i64} {
  func.func @tc_final(%arg0: i32, %arg1: memref<2x1280x128xf32, #tpu.memory_space<vmem>>, %arg2: memref<1280x128xf32, #tpu.memory_space<vmem>>, %arg3: memref<2x1280x128xf32, #tpu.memory_space<vmem>>, %arg4: memref<128x128xf32, #tpu.memory_space<vmem>>, %arg5: memref<1x128xf32, #tpu.memory_space<vmem>>, %arg6: memref<1x128xf32, #tpu.memory_space<vmem>>, %arg7: memref<128x128xf32, #tpu.memory_space<vmem>>, %arg8: memref<1x128xf32, #tpu.memory_space<vmem>>, %arg9: memref<1280x128xf32, #tpu.memory_space<vmem>>) attributes {dimension_semantics = [#tpu.dimension_semantics<arbitrary>], iteration_bounds = array<i64: 8>, scalar_prefetch = 0 : i64, scratch_operands = 0 : i64, tpu.core_type = #tpu.core_type<tc>, window_params = [{transform_indices = @transform_0, window_bounds = array<i64: 2, 1280, 128>}, {transform_indices = @transform_1, window_bounds = array<i64: 1280, 128>}, {transform_indices = @transform_2, window_bounds = array<i64: 2, 1280, 128>}, {pipeline_mode = #tpu.pipeline_mode<synchronous>, transform_indices = @transform_3, window_bounds = array<i64: 128, 128>}, {pipeline_mode = #tpu.pipeline_mode<synchronous>, transform_indices = @transform_4, window_bounds = array<i64: 1, 128>}, {pipeline_mode = #tpu.pipeline_mode<synchronous>, transform_indices = @transform_5, window_bounds = array<i64: 1, 128>}, {pipeline_mode = #tpu.pipeline_mode<synchronous>, transform_indices = @transform_6, window_bounds = array<i64: 128, 128>}, {pipeline_mode = #tpu.pipeline_mode<synchronous>, transform_indices = @transform_7, window_bounds = array<i64: 1, 128>}, {transform_indices = @transform_8, window_bounds = array<i64: 1280, 128>}]} {
    %get3A = arith.constant 0 : index
    %get3A_0 = arith.constant 0 : index
    %get3A_1 = arith.constant 0 : index
    %get3A_2 = vector.load %arg3[%get3A, %get3A_0, %get3A_1] : memref<2x1280x128xf32, #tpu.memory_space<vmem>>, vector<2x1280x128xf32>
    %slice3A = vector.extract_strided_slice %get3A_2 {offsets = [0, 0, 0], sizes = [1, 1280, 128], strides = [1, 1, 1]} : vector<2x1280x128xf32> to vector<1x1280x128xf32>
    %squeeze3A = vector.shape_cast %slice3A : vector<1x1280x128xf32> to vector<1280x128xf32>
    %slice3A_3 = vector.extract_strided_slice %squeeze3A {offsets = [0, 0], sizes = [1280, 1], strides = [1, 1]} : vector<1280x128xf32> to vector<1280x1xf32>
    %slice3A_4 = vector.extract_strided_slice %get3A_2 {offsets = [1, 0, 0], sizes = [1, 1280, 128], strides = [1, 1, 1]} : vector<2x1280x128xf32> to vector<1x1280x128xf32>
    %squeeze3A_5 = vector.shape_cast %slice3A_4 : vector<1x1280x128xf32> to vector<1280x128xf32>
    %slice3A_6 = vector.extract_strided_slice %squeeze3A_5 {offsets = [0, 0], sizes = [1280, 1], strides = [1, 1]} : vector<1280x128xf32> to vector<1280x1xf32>
    %add3A = arith.addf %slice3A_3, %slice3A_6 : vector<1280x1xf32>
    %add3A_7 = arith.constant 1.000000e+00 : f32
    %add3A_8 = vector.broadcast %add3A_7 : f32 to vector<1280x1xf32>
    %add3A_9 = arith.addf %add3A, %add3A_8 : vector<1280x1xf32>
    %rsqrt3A = math.rsqrt %add3A_9 : vector<1280x1xf32>
    %get3A_10 = arith.constant 0 : index
    %get3A_11 = arith.constant 0 : index
    %get3A_12 = arith.constant 0 : index
    %get3A_13 = vector.load %arg1[%get3A_10, %get3A_11, %get3A_12] : memref<2x1280x128xf32, #tpu.memory_space<vmem>>, vector<1x1280x128xf32>
    %get3A_14 = vector.shape_cast %get3A_13 : vector<1x1280x128xf32> to vector<1280x128xf32>
    %get3A_15 = arith.constant 1 : index
    %get3A_16 = arith.constant 0 : index
    %get3A_17 = arith.constant 0 : index
    %get3A_18 = vector.load %arg1[%get3A_15, %get3A_16, %get3A_17] : memref<2x1280x128xf32, #tpu.memory_space<vmem>>, vector<1x1280x128xf32>
    %get3A_19 = vector.shape_cast %get3A_18 : vector<1x1280x128xf32> to vector<1280x128xf32>
    %add3A_20 = arith.addf %get3A_14, %get3A_19 : vector<1280x128xf32>
    %get3A_21 = arith.constant 0 : index
    %get3A_22 = arith.constant 0 : index
    %get3A_23 = vector.load %arg2[%get3A_21, %get3A_22] : memref<1280x128xf32, #tpu.memory_space<vmem>>, vector<1280x128xf32>
    %add3A_24 = arith.addf %add3A_20, %get3A_23 : vector<1280x128xf32>
    %mul3A = vector.broadcast %rsqrt3A : vector<1280x1xf32> to vector<1280x128xf32>
    %mul3A_25 = arith.mulf %add3A_24, %mul3A : vector<1280x128xf32>
    %get3A_26 = arith.constant 0 : index
    %get3A_27 = arith.constant 0 : index
    %get3A_28 = vector.load %arg4[%get3A_26, %get3A_27] : memref<128x128xf32, #tpu.memory_space<vmem>>, vector<128x128xf32>
    %dot_general3A = arith.constant dense<0.000000e+00> : vector<1280x128xf32>
    %dot_general3A_29 = tpu.matmul %mul3A_25, %get3A_28, %dot_general3A {dimension_numbers = #tpu.dot_dimension_numbers<[1], [0], [0], [1], [0, 0, 1, 1], [], []>, transpose_lhs_hint = false} : vector<1280x128xf32>, vector<128x128xf32>, vector<1280x128xf32> -> vector<1280x128xf32>
    %get3A_30 = arith.constant 0 : index
    %get3A_31 = arith.constant 0 : index
    %get3A_32 = vector.load %arg5[%get3A_30, %get3A_31] : memref<1x128xf32, #tpu.memory_space<vmem>>, vector<1x128xf32>
    %get3A_33 = arith.constant 0 : index
    %get3A_34 = arith.constant 0 : index
    %get3A_35 = vector.load %arg6[%get3A_33, %get3A_34] : memref<1x128xf32, #tpu.memory_space<vmem>>, vector<1x128xf32>
    %reduce_sum3A = arith.constant dense<0.000000e+00> : vector<1280xf32>
    %reduce_sum3A_36 = vector.multi_reduction <add>, %dot_general3A_29, %reduce_sum3A [1] : vector<1280x128xf32> to vector<1280xf32>
    %broadcast_in_dim3A = vector.shape_cast %reduce_sum3A_36 : vector<1280xf32> to vector<1280x1xf32>
    %div3A = arith.constant 1.280000e+02 : f32
    %div3A_37 = vector.broadcast %div3A : f32 to vector<1280x1xf32>
    %div3A_38 = arith.divf %broadcast_in_dim3A, %div3A_37 : vector<1280x1xf32>
    %sub3A = vector.broadcast %div3A_38 : vector<1280x1xf32> to vector<1280x128xf32>
    %sub3A_39 = arith.subf %dot_general3A_29, %sub3A : vector<1280x128xf32>
    %sub3A_40 = vector.broadcast %div3A_38 : vector<1280x1xf32> to vector<1280x128xf32>
    %sub3A_41 = arith.subf %dot_general3A_29, %sub3A_40 : vector<1280x128xf32>
    %mul3A_42 = arith.mulf %sub3A_39, %sub3A_41 : vector<1280x128xf32>
    %reduce_sum3A_43 = arith.constant dense<0.000000e+00> : vector<1280xf32>
    %reduce_sum3A_44 = vector.multi_reduction <add>, %mul3A_42, %reduce_sum3A_43 [1] : vector<1280x128xf32> to vector<1280xf32>
    %broadcast_in_dim3A_45 = vector.shape_cast %reduce_sum3A_44 : vector<1280xf32> to vector<1280x1xf32>
    %div3A_46 = arith.constant 1.280000e+02 : f32
    %div3A_47 = vector.broadcast %div3A_46 : f32 to vector<1280x1xf32>
    %div3A_48 = arith.divf %broadcast_in_dim3A_45, %div3A_47 : vector<1280x1xf32>
    %sub3A_49 = vector.broadcast %div3A_38 : vector<1280x1xf32> to vector<1280x128xf32>
    %sub3A_50 = arith.subf %dot_general3A_29, %sub3A_49 : vector<1280x128xf32>
    %add3A_51 = arith.constant 9.99999974E-6 : f32
    %add3A_52 = vector.broadcast %add3A_51 : f32 to vector<1280x1xf32>
    %add3A_53 = arith.addf %div3A_48, %add3A_52 : vector<1280x1xf32>
    %rsqrt3A_54 = math.rsqrt %add3A_53 : vector<1280x1xf32>
    %mul3A_55 = vector.broadcast %rsqrt3A_54 : vector<1280x1xf32> to vector<1280x128xf32>
    %mul3A_56 = arith.mulf %sub3A_50, %mul3A_55 : vector<1280x128xf32>
    %mul3A_57 = vector.broadcast %get3A_32 : vector<1x128xf32> to vector<1280x128xf32>
    %mul3A_58 = arith.mulf %mul3A_56, %mul3A_57 : vector<1280x128xf32>
    %add3A_59 = vector.broadcast %get3A_35 : vector<1x128xf32> to vector<1280x128xf32>
    %add3A_60 = arith.addf %mul3A_58, %add3A_59 : vector<1280x128xf32>
    %get3A_61 = arith.constant 0 : index
    %get3A_62 = arith.constant 0 : index
    %get3A_63 = vector.load %arg7[%get3A_61, %get3A_62] : memref<128x128xf32, #tpu.memory_space<vmem>>, vector<128x128xf32>
    %dot_general3A_64 = arith.constant dense<0.000000e+00> : vector<1280x128xf32>
    %dot_general3A_65 = tpu.matmul %add3A_60, %get3A_63, %dot_general3A_64 {dimension_numbers = #tpu.dot_dimension_numbers<[1], [0], [0], [1], [0, 0, 1, 1], [], []>, transpose_lhs_hint = false} : vector<1280x128xf32>, vector<128x128xf32>, vector<1280x128xf32> -> vector<1280x128xf32>
    %get3A_66 = arith.constant 0 : index
    %get3A_67 = arith.constant 0 : index
    %get3A_68 = vector.load %arg8[%get3A_66, %get3A_67] : memref<1x128xf32, #tpu.memory_space<vmem>>, vector<1x128xf32>
    %add3A_69 = vector.broadcast %get3A_68 : vector<1x128xf32> to vector<1280x128xf32>
    %add3A_70 = arith.addf %dot_general3A_65, %add3A_69 : vector<1280x128xf32>
    %swap3A = arith.constant 0 : index
    %swap3A_71 = arith.constant 0 : index
    %swap3A_72 = vector.load %arg9[%swap3A, %swap3A_71] : memref<1280x128xf32, #tpu.memory_space<vmem>>, vector<1280x128xf32>
    tpu.vector_store %arg9[%swap3A, %swap3A_71], %add3A_70 {strides = array<i32>} : memref<1280x128xf32, #tpu.memory_space<vmem>>, vector<1280x128xf32>,
    return
  }
  func.func @transform_0(%arg0: i32) -> (i32, i32, i32) {
    %c0_i32 = arith.constant 0 : i32
    %c0_i32_0 = arith.constant 0 : i32
    %c0_i32_1 = arith.constant 0 : i32
    return %c0_i32, %arg0, %c0_i32_0 : i32, i32, i32
  }
  func.func @transform_1(%arg0: i32) -> (i32, i32) {
    %c0_i32 = arith.constant 0 : i32
    %c0_i32_0 = arith.constant 0 : i32
    return %arg0, %c0_i32 : i32, i32
  }
  func.func @transform_2(%arg0: i32) -> (i32, i32, i32) {
    %c0_i32 = arith.constant 0 : i32
    %c0_i32_0 = arith.constant 0 : i32
    %c0_i32_1 = arith.constant 0 : i32
    return %c0_i32, %arg0, %c0_i32_0 : i32, i32, i32
  }
  func.func @transform_3(%arg0: i32) -> (i32, i32) {
    %c0_i32 = arith.constant 0 : i32
    %c0_i32_0 = arith.constant 0 : i32
    %c0_i32_1 = arith.constant 0 : i32
    return %c0_i32, %c0_i32_0 : i32, i32
  }
  func.func @transform_4(%arg0: i32) -> (i32, i32) {
    %c0_i32 = arith.constant 0 : i32
    %c0_i32_0 = arith.constant 0 : i32
    %c0_i32_1 = arith.constant 0 : i32
    return %c0_i32, %c0_i32_0 : i32, i32
  }
  func.func @transform_5(%arg0: i32) -> (i32, i32) {
    %c0_i32 = arith.constant 0 : i32
    %c0_i32_0 = arith.constant 0 : i32
    %c0_i32_1 = arith.constant 0 : i32
    return %c0_i32, %c0_i32_0 : i32, i32
  }
  func.func @transform_6(%arg0: i32) -> (i32, i32) {
    %c0_i32 = arith.constant 0 : i32
    %c0_i32_0 = arith.constant 0 : i32
    %c0_i32_1 = arith.constant 0 : i32
    return %c0_i32, %c0_i32_0 : i32, i32
  }
  func.func @transform_7(%arg0: i32) -> (i32, i32) {
    %c0_i32 = arith.constant 0 : i32
    %c0_i32_0 = arith.constant 0 : i32
    %c0_i32_1 = arith.constant 0 : i32
    return %c0_i32, %c0_i32_0 : i32, i32
  }
  func.func @transform_8(%arg0: i32) -> (i32, i32) {
    %c0_i32 = arith.constant 0 : i32
    %c0_i32_0 = arith.constant 0 : i32
    return %arg0, %c0_i32 : i32, i32
  }
}

</mosaic_0001>

<sc_bundles>
// kernel: sc_degree.3.cloned.1.call-start
scs
__scs_entry_jumppad:
0x0: {  	(pc) =	sbr.rel $0x88, $3  }
0x1: {  	(tag) =	ssettag $0x0;
	lr =	simm.s32 $0x1  }
0x2: {  	[smem:$0x3F81] =	sst lr;
	_ =	strace $0xD0000000  }
0x3: {  	_ = 	snop  }
0x4: {  	_ = 	snop  }
0x5: {  	_ = 	snop  }
0x6: {  	_ = 	snop  }
0x7: {  	_ = 	snop  }
__scs_overlays_trampoline_lowered:
0x8: {  	[smem:$0x3F90] =	sst s0  }
0x9: {  	[smem:$0x3F91] =	sst s1  }
0xa: {  	[smem:$0x3F92] =	sst s2  }
0xb: {  	[smem:$0x3F93] =	sst s3  }
0xc: {  	[smem:$0x3F94] =	sst s4  }
0xd: {  	[smem:$0x3F95] =	sst s5  }
0xe: {  	[smem:$0x3F96] =	sst s6  }
0xf: {  	[smem:$0x3F97] =	sst s7  }
0x10: {  	[smem:$0x3F98] =	sst s8  }
0x11: {  	[smem:$0x3F99] =	sst s9;
	s0 =	simm.s32 @!p0 $0x0  }
0x12: {  	s1 =	sld [smem:$0x3F7F];
	s0 =	simm.s32 @p0 $0x1  }
0x13: {  	[smem:$0x3F9A] =	sst s0;
	s0 =	simm.s32 @!p1 $0x0  }
0x14: {  	s2 =	sld [smem:$0x3F7E];
	s0 =	simm.s32 @p1 $0x1  }
0x15: {  	[smem:$0x3F9B] =	sst s0;
	s0 =	simm.s32 @!p2 $0x0  }
0x16: {  	s3 =	sld [smem:$0x3FDB];
	s0 =	simm.s32 @p2 $0x1  }
0x17: {  	s4 =	simm.s32 $0x1BF5;
	[smem:$0x3F9D] =	sst s0  }
0x18: {  	s0 =	sld [smem:$0x3F80];
	_ =	swait.ge [sflag:s4], $0x0  }
0x19: {  	s7 =	sld [smem:$0x3F81]  }
0x1a: {  	s8 =	sadd.s32 $0xFFFFE003, lr  }
0x1b: {  	s9 =	sadd.s32 $0xFFFFFEF7, lr;
	s5 =	simm.s32 $0xFFFFFFFF;
	p2 =	slt.u32 s8, $0xFFFFF086  }
0x1c: {  	p1 =	slt.u32 s9, $0xF7A;
	s5 =	simm.s32 @!p2 $0x0  }
0x1d: {  	s5 =	simm.s32 @p1 $0x1;
	p0 =	seq.s32 s7, s2  }
0x1e: {  	s7 =	smul.u32 @!p0 $0xF7A, s2;
	p2 =	seq.s32 @!p0 s5, $0x0  }
0x1f: {  	s9 =	smul.u32 $0xF7A, s1;
	s8 =	simm.s32 @!p0 $0x1BF5;
	p2 =	por !p2, p0  }
0x20: {  	[sflag:s8] =	ssyncset.s32 @!p0 $0xFFFFF086;
	s6 =	sadd.s32 @!p0 s3, s7;
	s7 =	simm.s32 @!p0 $0x108  }
0x21: {  	s3 =	sadd.s32 s3, s9;
	s6 =	sadd.s32 @!p0 $0x88, s6;
	s7 =	simm.s32 @p2 $0x1082  }
0x22: {  	[simem:s7], [sflag:s8] =	dma.local @!p0 [hbm:s6], $0xF7A  }
0x23: {  	s9 =	sor.u32 $0xD0000000, s2;
	s6 =	simm.s32 $0x108;
	_ =	swait.ge @!p0 [sflag:s8], $0x0  }
0x24: {  	s3 =	sadd.s32 $0x88, s3;
	s6 =	simm.s32 @!p1 $0x1082;
	[sflag:s4] =	ssyncset.s32 $0xFFFFF086  }
0x25: {  	[simem:s6], [sflag:s4] =	dma.local [hbm:s3], $0xF7A  }
0x26: {  	[smem:$0x3F81] =	sst s1;
	(tag) =	ssettag s2;
	_ =	strace s9  }
0x27: {  	s1 =	sld [smem:$0x3F91]  }
0x28: {  	s2 =	sld [smem:$0x3F92]  }
0x29: {  	s4 =	sld [smem:$0x3F94]  }
0x2a: {  	p0 =	seq.s32 s5, $0x0;
	s5 =	sld [smem:$0x3F95]  }
0x2b: {  	s6 =	sld [smem:$0x3F96]  }
0x2c: {  	s7 =	sld [smem:$0x3F97]  }
0x2d: {  	s3 =	simm.s32 $0x108;
	s8 =	sld [smem:$0x3F98]  }
0x2e: {  	s3 =	simm.s32 @!p0 $0x1082;
	s9 =	sld [smem:$0x3F99]  }
0x2f: {  	lr =	sadd.s32 s0, s3;
	s0 =	sld [smem:$0x3F90]  }
0x30: {  	s3 =	sld [smem:$0x3F93]  }
0x31: {  	[smem:$0x3F9C] =	sst s10  }
0x32: {  	s10 =	sld [smem:$0x3F9A];
	_ =	sdelay $0x3  }
0x33: {  	p0 =	seq.s32 s10, $0x1;
	s10 =	sld [smem:$0x3F9C];
	_ =	sdelay $0x3  }
0x34: {  	[smem:$0x3F9C] =	sst s10  }
0x35: {  	s10 =	sld [smem:$0x3F9B];
	_ =	sdelay $0x3  }
0x36: {  	p1 =	seq.s32 s10, $0x1;
	s10 =	sld [smem:$0x3F9C];
	_ =	sdelay $0x3  }
0x37: {  	[smem:$0x3F9C] =	sst s10  }
0x38: {  	s10 =	sld [smem:$0x3F9D]  }
0x39: {  	_ = 	snop;
	(pc) =	sbr.ind lr, $3  }
0x3a: {  	_ = 	snop  }
0x3b: {  	_ = 	snop  }
0x3c: {  	p2 =	seq.s32 s10, $0x1;
	s10 =	sld [smem:$0x3F9C]  }
0x3d: {  	_ =	shalt  }
0x3e: {  	_ =	shalt  }
0x3f: {  	_ =	shalt  }
0x40: {  	_ =	shalt  }
0x41: {  	_ =	shalt  }
0x42: {  	_ =	shalt  }
0x43: {  	_ =	shalt  }
0x44: {  	_ =	shalt  }
0x45: {  	_ =	shalt  }
0x46: {  	_ =	shalt  }
0x47: {  	_ =	shalt  }
0x48: {  	_ =	shalt  }
0x49: {  	_ =	shalt  }
0x4a: {  	_ =	shalt  }
0x4b: {  	_ =	shalt  }
0x4c: {  	_ =	shalt  }
0x4d: {  	_ =	shalt  }
0x4e: {  	_ =	shalt  }
0x4f: {  	_ =	shalt  }
0x50: {  	_ =	shalt  }
0x51: {  	_ =	shalt  }
0x52: {  	_ =	shalt  }
0x53: {  	_ =	shalt  }
0x54: {  	_ =	shalt  }
0x55: {  	_ =	shalt  }
0x56: {  	_ =	shalt  }
0x57: {  	_ =	shalt  }
0x58: {  	_ =	shalt  }
0x59: {  	_ =	shalt  }
0x5a: {  	_ =	shalt  }
0x5b: {  	_ =	shalt  }
0x5c: {  	_ =	shalt  }
0x5d: {  	_ =	shalt  }
0x5e: {  	_ =	shalt  }
0x5f: {  	_ =	shalt  }
0x60: {  	_ =	shalt  }
0x61: {  	_ =	shalt  }
0x62: {  	_ =	shalt  }
0x63: {  	_ =	shalt  }
0x64: {  	_ =	shalt  }
0x65: {  	_ =	shalt  }
0x66: {  	_ =	shalt  }
0x67: {  	_ =	shalt  }
0x68: {  	_ =	shalt  }
0x69: {  	_ =	shalt  }
0x6a: {  	_ =	shalt  }
0x6b: {  	_ =	shalt  }
0x6c: {  	_ =	shalt  }
0x6d: {  	_ =	shalt  }
0x6e: {  	_ =	shalt  }
0x6f: {  	_ =	shalt  }
0x70: {  	_ =	shalt  }
0x71: {  	_ =	shalt  }
0x72: {  	_ =	shalt  }
0x73: {  	_ =	shalt  }
0x74: {  	_ =	shalt  }
0x75: {  	_ =	shalt  }
0x76: {  	_ =	shalt  }
0x77: {  	_ =	shalt  }
0x78: {  	_ =	shalt  }
0x79: {  	_ =	shalt  }
0x7a: {  	_ =	shalt  }
0x7b: {  	_ =	shalt  }
0x7c: {  	_ =	shalt  }
0x7d: {  	_ =	shalt  }
0x7e: {  	_ =	shalt  }
0x7f: {  	_ =	shalt  }
0x80: {  	_ =	shalt  }
0x81: {  	_ =	shalt  }
0x82: {  	_ =	shalt  }
0x83: {  	_ =	shalt  }
0x84: {  	_ =	shalt  }
0x85: {  	_ =	shalt  }
0x86: {  	_ =	shalt  }
0x87: {  	_ =	shalt  }
.Lfunc_end0:
.L_simem_size_0:
called_computation_lowered:
.L_overlay_start_0:
0x88: {  	s2 =	sld [smem:$0x3FD9]  }
0x89: {  	s3 =	sld [smem:$0x3FFE];
	_ =	sdelay $0x1  }
0x8a: {  	s1 =	srdreg.scid  }
0x8b: {  	s0 =	sand.u32 $0x1, s1  }
0x8c: {  	s17 =	sshll.u32 s0, $0xA;
	s2 =	sadd.s32 s3, s2  }
0x8d: {  	s2 =	sadd.s32 s2, s17  }
0x8e: {  	[smem:$0x3FA8] =	sst s2  }
0x8f: {  	_ = 	snop  }
0x90: {  	s2 =	sld [smem:$0x3FD0];
	(tm) =	ssettm $0x1  }
0x91: {  	s18 =	sld [smem:$0x3FFB];
	_ =	sdelay $0x3  }
0x92: {  	_ =	strace s18  }
0x93: {  	s3 =	sld [smem:$0x3FFC];
	_ =	sdelay $0x3  }
0x94: {  	_ =	strace s3  }
0x95: {  	s3 =	sld [smem:$0x3FFD];
	_ =	sdelay $0x3  }
0x96: {  	_ =	strace s3  }
0x97: {  	_ =	strace $0x8FFFFFFF  }
0x98: {  	s19 =	sld [smem:$0x3FDB];
	_ =	sdelay $0x1  }
0x99: {  	s4 =	simm.s32 $_scs_section_size  }
0x9a: {  	s5 =	simm.s32 $_size__tile_overlayer_lowered;
	s6 =	simm.s32 $_tile_overlayer_lowered  }
0x9b: {  	s22 =	simm.s32 $0x1BFF;
	s21 =	sshll.u32 s6, $0x1;
	s3 =	sadd.s32 s4, s19  }
0x9c: {  	s7 =	simm.s32 $0x0;
	s20 =	sshll.u32 s5, $0x1;
	s5 =	sadd.s32 s21, s3  }
0x9d: {  	[timem:s7], [sflag:s22] =	dma.local [hbm:s5], s20  }
0x9e: {  	_ =	swait.ge [sflag:s22], s20  }
0x9f: {  	s4 =	ssub.s32 $0x0, s20;
	[sflag:s22] =	ssyncset.done $0x0  }
0xa0: {  	[sflag:s22] =	ssyncadd.s32 s4;
	_ =	sdelay $0x1  }
0xa1: {  	s23 =	simm.s32 $0x1B8B  }
0xa2: {  	_ =	swait.ge [sflag:s23], $0x1  }
0xa3: {  	[sflag:s23] =	ssyncset.done $0x0  }
0xa4: {  	s25 =	simm.s32 $0x1B8E;
	s24 =	sld [smem:$0x3FFE];
	[sflag:s23] =	ssyncadd.s32 $0xFFFFFFFF  }
0xa5: {  	s26 =	simm.s32 $execute0_lowered;
	[smem:$0x3FD2] =	sst s25  }
0xa6: {  	s5 =	sshll.u32 s26, $0x1;
	_ =	strace $0x80000046;
	[dreg:$0x1] =	wrdreg $0xFFFFFFFF  }
0xa7: {  	s28 =	simm.s32 $_size_execute0_lowered;
	s3 =	sadd.s32 s3, s5;
	[dreg:$0x0] =	wrdreg $0x0  }
0xa8: {  	s5 =	sshll.u32 s28, $0x1;
	[dreg:$0x2] =	wrdreg s3  }
0xa9: {  	[dreg:$0x3] =	wrdreg s5  }
0xaa: {  	[dreg:$0x4] =	wrdreg $0xC0  }
0xab: {  	_ =	task [dreg:s7], $0x5FFFF  }
0xac: {  	[dreg:$0x1] =	wrdreg $0xFFFFFFFF  }
0xad: {  	[dreg:$0x0] =	wrdreg $0x60  }
0xae: {  	[dreg:$0x2] =	wrdreg s2  }
0xaf: {  	[dreg:$0x3] =	wrdreg s24  }
0xb0: {  	[dreg:$0x4] =	wrdreg $0xA8000  }
0xb1: {  	[dreg:$0x5] =	wrdreg $0x9  }
0xb2: {  	_ =	task.clear_ibuf [dreg:s7], $0x6FFFF;
	_ =	strace $0x90000046  }
0xb3: {  	s29 =	simm.s32 $0x9;
	_ =	strace $0x80000048  }
0xb4: {  	_ =	swait.ge [sflag:s29], $0x1  }
0xb5: {  	[sflag:s29] =	ssyncadd.s32 $0xFFFFFFFF  }
0xb6: {  	_ =	strace $0x90000048  }
0xb7: {  	_ =	sfence  }
0xb8: {  	s30 =	sld [smem:$0x0];
	_ =	sdelay $0x2  }
0xb9: {  	s31 =	sshll.u32 s1, $0xD;
	s1 =	sshrl.u32 s1, $0x2  }
0xba: {  	s3 =	sand.u32 $0x4000, s31;
	s1 =	sadd.s32 s1, s30  }
0xbb: {  	s0 =	sor.u32 s3, s0;
	s1 =	sshll.u32 s1, $0x11  }
0xbc: {  	s0 =	sor.u32 s1, s0  }
0xbd: {  	s0 =	sadd.s32 $0x8F2B, s0  }
0xbe: {  	[sflag:s0] =	ssyncadd.remote.s32 $0x1  }
0xbf: {  	_ =	sfence.sel $0xFFFF  }
0xc0: {  	[dreg:$0x0] =	wrdreg $0xFFFFFFFF;
	(pc) =	sbr.abs _section_cstart, $3  }
0xc1: {  	[dreg:$0x1] =	wrdreg $0xFFFFFFFF  }
0xc2: {  	_ =	task.clear_ibuf [dreg:s7], $0x2FFFF;
	_ =	strace $0x9FFFFFFF  }
0xc3: {  	(tm) =	ssettm $0x7FFFFFFF  }
tec
execute0_lowered:
.L_overlay_start_1:
0x0: {  	(tag) =	ssettag $0x1  }
0x1: {  	s7 =	rddreg [dreg:$0x0]  }
0x2: {  	s6 =	rddreg [dreg:$0x1]  }
0x3: {  	s1 =	rddreg [dreg:$0x2]  }
0x4: {  	s2 =	srdreg.scid;
	s0 =	rddreg [dreg:$0x3]  }
0x5: {  	s3 =	simm.s32 $0x0;
	s15 =	simm.s32 $0x1;
	s16 =	simm.s32 $0x6800  }
0x6: {  	s17 =	simm.s32 $0x80;
	s8 =	sand.u32 $0x1, s2;
	s2 =	stileid.u32  }
0x7: {  	s20 =	simm.s32 $0x0;
	[smem:$0x7FF] =	sst s3;
	s9 =	smul.u32 $0x140000, s8  }
0x8: {  	s4 =	sadd.s32 $0x5E00, s6;
	s5 =	sadd.s32 $0x5600, s6;
	s10 =	smul.u32 $0x14000, s2  }
0x9: {  	_ =	strace $0x80000047;
	s30 =	sshll.u32 s2, $0x1;
	s11 =	smul.u32 $0x50000, s2  }
0xa: {  	s12 =	ssub.s32 $0x2, s8;
	s18 =	sshll.u32 s2, $0x6;
	s8 =	sor.u32 s8, s30  }
0xb: {  	s31 =	sshrl.u32 s12, $0x1;
	s18 =	sor.u32 $0x1C01, s18;
	s9 =	sadd.s32 s10, s9  }
0xc: {  	s8 =	smul.u32 $0x500, s8;
	s11 =	sshrl.u32 s11, $0x2;
	s9 =	sshrl.u32 s9, $0x3  }
0xd: {  	s14 =	ssub.s32 s12, s31;
	s13 =	sadd.s32 s9, s6;
	s6 =	sadd.s32 s11, s1  }
0xe: {  	s7 =	sadd.s32 s7, s8;
	s8 =	sadd.s32 $0x4000, s6;
	s9 =	sadd.s32 $0x8000, s6  }
0xf: {  	s10 =	sadd.s32 $0xC000, s6;
	s11 =	sadd.s32 $0x10000, s6;
	s12 =	sadd.s32 $0x6600, s13  }
0x10: {  	s13 =	smax.u32 s14, $0x1;
	s14 =	simm.s32 $0x2800;
	s19 =	sshrl.u32 s6, $0x3  }
.LBB2_1:
0x11: {  	[tilespmem:s14], [sflag:$0x1] =	stream.linear.gather [hbm4b:s4+s3], $0x4000, $0x38;
	[tilespmem:$0x1E800] =	vst v63  }
0x12: {  	_ =	swait.ge [sflag:s15], $0x4000  }
0x13: {  	[sflag:s15] =	ssyncset.done $0x0  }
0x14: {  	[sflag:s15] =	ssyncadd.s32 $0xFFFFC000  }
0x15: {  	[tilespmem:s16], [sflag:$0x1] =	stream.linear.gather [hbm4b:s5+s3], $0x4000, $0x38;
	[tilespmem:$0x1E800] =	vst v63  }
0x16: {  	_ =	swait.ge [sflag:s15], $0x4000  }
0x17: {  	[sflag:s15] =	ssyncset.done $0x0  }
0x18: {  	[sflag:s15] =	ssyncadd.s32 $0xFFFFC000  }
0x19: {  	[tilespmem:s3], [sflag:$0x1] =	stream.linear.gather [hbm4b:s7+s3], $0x2800, $0x38;
	[tilespmem:$0x1E800] =	vst v63  }
0x1a: {  	_ =	swait.ge [sflag:s15], $0x2800  }
0x1b: {  	[sflag:s15] =	ssyncset.done $0x0  }
0x1c: {  	[sflag:s15] =	ssyncadd.s32 $0xFFFFD800  }
0x1d: {  	[spmem:s6] =	stream.linear.scatter [tilespmem:s16], [sflag:$0x1], $0x4000, $0x38;
	[tilespmem:$0x1E800] =	vst v63  }
0x1e: {  	_ =	swait.ge [sflag:s15], $0x4000  }
0x1f: {  	[sflag:s15] =	ssyncset.done $0x0  }
0x20: {  	[sflag:s15] =	ssyncadd.s32 $0xFFFFC000  }
0x21: {  	[spmem:s8] =	stream.linear.scatter [tilespmem:s16], [sflag:$0x1], $0x4000, $0x38;
	[tilespmem:$0x1E800] =	vst v63  }
0x22: {  	_ =	swait.ge [sflag:s15], $0x4000  }
0x23: {  	[sflag:s15] =	ssyncset.done $0x0  }
0x24: {  	[sflag:s15] =	ssyncadd.s32 $0xFFFFC000  }
0x25: {  	[spmem:s9] =	stream.linear.scatter [tilespmem:s16], [sflag:$0x1], $0x4000, $0x38;
	[tilespmem:$0x1E800] =	vst v63  }
0x26: {  	_ =	swait.ge [sflag:s15], $0x4000  }
0x27: {  	[sflag:s15] =	ssyncset.done $0x0  }
0x28: {  	[sflag:s15] =	ssyncadd.s32 $0xFFFFC000  }
0x29: {  	[spmem:s10] =	stream.linear.scatter [tilespmem:s16], [sflag:$0x1], $0x4000, $0x38;
	[tilespmem:$0x1E800] =	vst v63  }
0x2a: {  	_ =	swait.ge [sflag:s15], $0x4000  }
0x2b: {  	[sflag:s15] =	ssyncset.done $0x0  }
0x2c: {  	[sflag:s15] =	ssyncadd.s32 $0xFFFFC000  }
0x2d: {  	[spmem:s11] =	stream.linear.scatter [tilespmem:s16], [sflag:$0x1], $0x4000, $0x38;
	[tilespmem:$0x1E800] =	vst v63  }
0x2e: {  	_ =	swait.ge [sflag:s15], $0x4000  }
0x2f: {  	[sflag:s15] =	ssyncset.done $0x0  }
0x30: {  	[sflag:s15] =	ssyncadd.s32 $0xFFFFC000  }
0x31: {  	s21 =	simm.s32 $0x0;
	[bflag:$0x0] =	sbarrier.arrive $0xFFFF  }
0x32: {  	[spmem:s1] =	stream.indirect.scatter.add.f32 [tilespmem:s14], [sflag:$0x1], $0x80, s21, s17, $0xb8;
	[tilespmem:$0x1E800] =	vst v63  }
0x33: {  	_ =	swait.ge [sflag:s15], $0x4000  }
0x34: {  	s21 =	simm.s32 $0x200;
	[sflag:s15] =	ssyncset.done $0x0  }
.LBB2_2:
0x35: {  	s22 =	sshra.s32 s21, $0x2;
	[sflag:s15] =	ssyncadd.s32 $0xFFFFC000;
	p0 =	sne.s32 s21, $0x9E00  }
0x36: {  	[spmem:s1] =	stream.indirect.scatter.add.f32 [tilespmem:s14], [sflag:$0x1], $0x80, s22, s17, $0xb8;
	[tilespmem:$0x1E800] =	vst v63  }
.Ltmp0:
0x37: {  	_ = 	snop;
	(pc) =	sbr.rel @p0 .LBB2_2-.Ltmp0, $4  }
0x38: {  	_ = 	snop  }
0x39: {  	s21 =	sadd.s32 $0x200, s21  }
0x3a: {  	_ =	swait.ge [sflag:s15], $0x4000  }
0x3b: {  	[sflag:s15] =	ssyncset.done $0x0  }
0x3c: {  	s20 =	sadd.s32 $0x1, s20  }
0x3d: {  	[sflag:s15] =	ssyncadd.s32 $0xFFFFC000;
	p0 =	sne.s32 s20, s13  }
.Ltmp1:
0x3e: {  	[bflag:$0x0] =	sbarrier.arrive $0xFFFF;
	(pc) =	sbr.rel @p0 .LBB2_1-.Ltmp1, $4  }
0x3f: {  	[hbm:s12], [sflag:s18] =	dma.local [spmem:s19], $0x2800  }
0x40: {  	_ =	swait.ge [sflag:s15], $0x2800  }
0x41: {  	[sflag:s15] =	ssyncset.done $0x0  }
0x42: {  	[sflag:s15] =	ssyncadd.s32 $0xFFFFD800  }
0x43: {  	_ =	sfence.sel $0x180000  }
0x44: {  	[bflag:$0x0] =	sbarrier.arrive $0xFFFF  }
0x45: {  	p0 =	sne.s32 s2, $0x0;
	_ =	strace $0x90000047  }
0x46: {  	s0 =	sadd.s32 @!p0 $0x100000, s0;
	[bflag:$0x2] =	sbarrier.arrive $0xFFFF  }
0x47: {  	[sflag:s0] =	ssyncadd.tile.s32 @!p0 $0x1;
	_ =	shalt  }
.Lfunc_end2:
_tile_overlayer_lowered:
.L_overlay_start_2:
0x48: {  	(tag) =	ssettag $0x2  }
0x49: {  	s0 =	rddreg [dreg:$0x0];
	s2 =	stileid.u32  }
0x4a: {  	s1 =	rddreg [dreg:$0x1];
	p0 =	sne.s32 s2, $0x0  }
0x4b: {  	s3 =	rddreg [dreg:$0x2];
	[bflag:$0x3] =	sbarrier.arrive $0xFFFF;
	s2 =	simm.s32 @!p0 $0x1C01  }
0x4c: {  	[timem:s3], [sflag:s2] =	dma.local @!p0 [hbm:s0], s1  }
0x4d: {  	s0 =	simm.s32 @!p0 $0x1  }
0x4e: {  	_ =	swait.ge @!p0 [sflag:s0], s1  }
0x4f: {  	s1 =	ssub.s32 @!p0 $0x0, s1;
	[sflag:s0] =	ssyncset.done @!p0 $0x0  }
0x50: {  	[sflag:s0] =	ssyncadd.s32 @!p0 s1  }
0x51: {  	[bflag:$0x3] =	sbarrier.arrive $0xFFFF  }
0x52: {  	_ =	shalt  }

// kernel: sc_edge_scatter.4.cloned.1.call-start
scs
__scs_entry_jumppad:
0x0: {  	(pc) =	sbr.rel $0x88, $3  }
0x1: {  	(tag) =	ssettag $0x0;
	lr =	simm.s32 $0x1  }
0x2: {  	[smem:$0x3F81] =	sst lr;
	_ =	strace $0xD0000000  }
0x3: {  	_ = 	snop  }
0x4: {  	_ = 	snop  }
0x5: {  	_ = 	snop  }
0x6: {  	_ = 	snop  }
0x7: {  	_ = 	snop  }
__scs_overlays_trampoline_lowered:
0x8: {  	[smem:$0x3F90] =	sst s0  }
0x9: {  	[smem:$0x3F91] =	sst s1  }
0xa: {  	[smem:$0x3F92] =	sst s2  }
0xb: {  	[smem:$0x3F93] =	sst s3  }
0xc: {  	[smem:$0x3F94] =	sst s4  }
0xd: {  	[smem:$0x3F95] =	sst s5  }
0xe: {  	[smem:$0x3F96] =	sst s6  }
0xf: {  	[smem:$0x3F97] =	sst s7  }
0x10: {  	[smem:$0x3F98] =	sst s8  }
0x11: {  	[smem:$0x3F99] =	sst s9;
	s0 =	simm.s32 @!p0 $0x0  }
0x12: {  	s1 =	sld [smem:$0x3F7F];
	s0 =	simm.s32 @p0 $0x1  }
0x13: {  	[smem:$0x3F9A] =	sst s0;
	s0 =	simm.s32 @!p1 $0x0  }
0x14: {  	s2 =	sld [smem:$0x3F7E];
	s0 =	simm.s32 @p1 $0x1  }
0x15: {  	[smem:$0x3F9B] =	sst s0;
	s0 =	simm.s32 @!p2 $0x0  }
0x16: {  	s3 =	sld [smem:$0x3FDB];
	s0 =	simm.s32 @p2 $0x1  }
0x17: {  	s4 =	simm.s32 $0x1BF5;
	[smem:$0x3F9D] =	sst s0  }
0x18: {  	s0 =	sld [smem:$0x3F80];
	_ =	swait.ge [sflag:s4], $0x0  }
0x19: {  	s7 =	sld [smem:$0x3F81]  }
0x1a: {  	s8 =	sadd.s32 $0xFFFFE003, lr  }
0x1b: {  	s9 =	sadd.s32 $0xFFFFFEF7, lr;
	s5 =	simm.s32 $0xFFFFFFFF;
	p2 =	slt.u32 s8, $0xFFFFF086  }
0x1c: {  	p1 =	slt.u32 s9, $0xF7A;
	s5 =	simm.s32 @!p2 $0x0  }
0x1d: {  	s5 =	simm.s32 @p1 $0x1;
	p0 =	seq.s32 s7, s2  }
0x1e: {  	s7 =	smul.u32 @!p0 $0xF7A, s2;
	p2 =	seq.s32 @!p0 s5, $0x0  }
0x1f: {  	s9 =	smul.u32 $0xF7A, s1;
	s8 =	simm.s32 @!p0 $0x1BF5;
	p2 =	por !p2, p0  }
0x20: {  	[sflag:s8] =	ssyncset.s32 @!p0 $0xFFFFF086;
	s6 =	sadd.s32 @!p0 s3, s7;
	s7 =	simm.s32 @!p0 $0x108  }
0x21: {  	s3 =	sadd.s32 s3, s9;
	s6 =	sadd.s32 @!p0 $0x88, s6;
	s7 =	simm.s32 @p2 $0x1082  }
0x22: {  	[simem:s7], [sflag:s8] =	dma.local @!p0 [hbm:s6], $0xF7A  }
0x23: {  	s9 =	sor.u32 $0xD0000000, s2;
	s6 =	simm.s32 $0x108;
	_ =	swait.ge @!p0 [sflag:s8], $0x0  }
0x24: {  	s3 =	sadd.s32 $0x88, s3;
	s6 =	simm.s32 @!p1 $0x1082;
	[sflag:s4] =	ssyncset.s32 $0xFFFFF086  }
0x25: {  	[simem:s6], [sflag:s4] =	dma.local [hbm:s3], $0xF7A  }
0x26: {  	[smem:$0x3F81] =	sst s1;
	(tag) =	ssettag s2;
	_ =	strace s9  }
0x27: {  	s1 =	sld [smem:$0x3F91]  }
0x28: {  	s2 =	sld [smem:$0x3F92]  }
0x29: {  	s4 =	sld [smem:$0x3F94]  }
0x2a: {  	p0 =	seq.s32 s5, $0x0;
	s5 =	sld [smem:$0x3F95]  }
0x2b: {  	s6 =	sld [smem:$0x3F96]  }
0x2c: {  	s7 =	sld [smem:$0x3F97]  }
0x2d: {  	s3 =	simm.s32 $0x108;
	s8 =	sld [smem:$0x3F98]  }
0x2e: {  	s3 =	simm.s32 @!p0 $0x1082;
	s9 =	sld [smem:$0x3F99]  }
0x2f: {  	lr =	sadd.s32 s0, s3;
	s0 =	sld [smem:$0x3F90]  }
0x30: {  	s3 =	sld [smem:$0x3F93]  }
0x31: {  	[smem:$0x3F9C] =	sst s10  }
0x32: {  	s10 =	sld [smem:$0x3F9A];
	_ =	sdelay $0x3  }
0x33: {  	p0 =	seq.s32 s10, $0x1;
	s10 =	sld [smem:$0x3F9C];
	_ =	sdelay $0x3  }
0x34: {  	[smem:$0x3F9C] =	sst s10  }
0x35: {  	s10 =	sld [smem:$0x3F9B];
	_ =	sdelay $0x3  }
0x36: {  	p1 =	seq.s32 s10, $0x1;
	s10 =	sld [smem:$0x3F9C];
	_ =	sdelay $0x3  }
0x37: {  	[smem:$0x3F9C] =	sst s10  }
0x38: {  	s10 =	sld [smem:$0x3F9D]  }
0x39: {  	_ = 	snop;
	(pc) =	sbr.ind lr, $3  }
0x3a: {  	_ = 	snop  }
0x3b: {  	_ = 	snop  }
0x3c: {  	p2 =	seq.s32 s10, $0x1;
	s10 =	sld [smem:$0x3F9C]  }
0x3d: {  	_ =	shalt  }
0x3e: {  	_ =	shalt  }
0x3f: {  	_ =	shalt  }
0x40: {  	_ =	shalt  }
0x41: {  	_ =	shalt  }
0x42: {  	_ =	shalt  }
0x43: {  	_ =	shalt  }
0x44: {  	_ =	shalt  }
0x45: {  	_ =	shalt  }
0x46: {  	_ =	shalt  }
0x47: {  	_ =	shalt  }
0x48: {  	_ =	shalt  }
0x49: {  	_ =	shalt  }
0x4a: {  	_ =	shalt  }
0x4b: {  	_ =	shalt  }
0x4c: {  	_ =	shalt  }
0x4d: {  	_ =	shalt  }
0x4e: {  	_ =	shalt  }
0x4f: {  	_ =	shalt  }
0x50: {  	_ =	shalt  }
0x51: {  	_ =	shalt  }
0x52: {  	_ =	shalt  }
0x53: {  	_ =	shalt  }
0x54: {  	_ =	shalt  }
0x55: {  	_ =	shalt  }
0x56: {  	_ =	shalt  }
0x57: {  	_ =	shalt  }
0x58: {  	_ =	shalt  }
0x59: {  	_ =	shalt  }
0x5a: {  	_ =	shalt  }
0x5b: {  	_ =	shalt  }
0x5c: {  	_ =	shalt  }
0x5d: {  	_ =	shalt  }
0x5e: {  	_ =	shalt  }
0x5f: {  	_ =	shalt  }
0x60: {  	_ =	shalt  }
0x61: {  	_ =	shalt  }
0x62: {  	_ =	shalt  }
0x63: {  	_ =	shalt  }
0x64: {  	_ =	shalt  }
0x65: {  	_ =	shalt  }
0x66: {  	_ =	shalt  }
0x67: {  	_ =	shalt  }
0x68: {  	_ =	shalt  }
0x69: {  	_ =	shalt  }
0x6a: {  	_ =	shalt  }
0x6b: {  	_ =	shalt  }
0x6c: {  	_ =	shalt  }
0x6d: {  	_ =	shalt  }
0x6e: {  	_ =	shalt  }
0x6f: {  	_ =	shalt  }
0x70: {  	_ =	shalt  }
0x71: {  	_ =	shalt  }
0x72: {  	_ =	shalt  }
0x73: {  	_ =	shalt  }
0x74: {  	_ =	shalt  }
0x75: {  	_ =	shalt  }
0x76: {  	_ =	shalt  }
0x77: {  	_ =	shalt  }
0x78: {  	_ =	shalt  }
0x79: {  	_ =	shalt  }
0x7a: {  	_ =	shalt  }
0x7b: {  	_ =	shalt  }
0x7c: {  	_ =	shalt  }
0x7d: {  	_ =	shalt  }
0x7e: {  	_ =	shalt  }
0x7f: {  	_ =	shalt  }
0x80: {  	_ =	shalt  }
0x81: {  	_ =	shalt  }
0x82: {  	_ =	shalt  }
0x83: {  	_ =	shalt  }
0x84: {  	_ =	shalt  }
0x85: {  	_ =	shalt  }
0x86: {  	_ =	shalt  }
0x87: {  	_ =	shalt  }
.Lfunc_end0:
.L_simem_size_0:
called_computation.1_lowered:
.L_overlay_start_0:
0x88: {  	s2 =	sld [smem:$0x3FD9]  }
0x89: {  	s3 =	sld [smem:$0x3FFE];
	_ =	sdelay $0x1  }
0x8a: {  	s1 =	srdreg.scid  }
0x8b: {  	s0 =	sand.u32 $0x1, s1  }
0x8c: {  	s17 =	sshll.u32 s0, $0xA;
	s2 =	sadd.s32 s3, s2  }
0x8d: {  	s2 =	sadd.s32 s2, s17  }
0x8e: {  	[smem:$0x3FA8] =	sst s2  }
0x8f: {  	_ = 	snop  }
0x90: {  	s2 =	sld [smem:$0x3FD0];
	(tm) =	ssettm $0x1  }
0x91: {  	s18 =	sld [smem:$0x3FFB];
	_ =	sdelay $0x3  }
0x92: {  	_ =	strace s18  }
0x93: {  	s3 =	sld [smem:$0x3FFC];
	_ =	sdelay $0x3  }
0x94: {  	_ =	strace s3  }
0x95: {  	s3 =	sld [smem:$0x3FFD];
	_ =	sdelay $0x3  }
0x96: {  	_ =	strace s3  }
0x97: {  	_ =	strace $0x8FFFFFFF  }
0x98: {  	s19 =	sld [smem:$0x3FDB];
	_ =	sdelay $0x1  }
0x99: {  	s4 =	simm.s32 $_scs_section_size  }
0x9a: {  	s5 =	simm.s32 $_size__tile_overlayer_lowered;
	s6 =	simm.s32 $_tile_overlayer_lowered  }
0x9b: {  	s22 =	simm.s32 $0x1BFF;
	s21 =	sshll.u32 s6, $0x1;
	s3 =	sadd.s32 s4, s19  }
0x9c: {  	s7 =	simm.s32 $0x0;
	s20 =	sshll.u32 s5, $0x1;
	s5 =	sadd.s32 s21, s3  }
0x9d: {  	[timem:s7], [sflag:s22] =	dma.local [hbm:s5], s20  }
0x9e: {  	_ =	swait.ge [sflag:s22], s20  }
0x9f: {  	s4 =	ssub.s32 $0x0, s20;
	[sflag:s22] =	ssyncset.done $0x0  }
0xa0: {  	[sflag:s22] =	ssyncadd.s32 s4;
	_ =	sdelay $0x1  }
0xa1: {  	s23 =	simm.s32 $0x1B8B  }
0xa2: {  	_ =	swait.ge [sflag:s23], $0x1  }
0xa3: {  	[sflag:s23] =	ssyncset.done $0x0  }
0xa4: {  	s25 =	simm.s32 $0x1B8E;
	s24 =	sld [smem:$0x3FFE];
	[sflag:s23] =	ssyncadd.s32 $0xFFFFFFFF  }
0xa5: {  	s26 =	simm.s32 $execute0_lowered;
	[smem:$0x3FD2] =	sst s25  }
0xa6: {  	s5 =	sshll.u32 s26, $0x1;
	_ =	strace $0x80000049;
	[dreg:$0x1] =	wrdreg $0xFFFFFFFF  }
0xa7: {  	s28 =	simm.s32 $_size_execute0_lowered;
	s3 =	sadd.s32 s3, s5;
	[dreg:$0x0] =	wrdreg $0x0  }
0xa8: {  	s5 =	sshll.u32 s28, $0x1;
	[dreg:$0x2] =	wrdreg s3  }
0xa9: {  	[dreg:$0x3] =	wrdreg s5  }
0xaa: {  	[dreg:$0x4] =	wrdreg $0xC0  }
0xab: {  	_ =	task [dreg:s7], $0x5FFFF  }
0xac: {  	[dreg:$0x1] =	wrdreg $0xFFFFFFFF  }
0xad: {  	[dreg:$0x0] =	wrdreg $0x60  }
0xae: {  	[dreg:$0x2] =	wrdreg s24  }
0xaf: {  	[dreg:$0x3] =	wrdreg s2  }
0xb0: {  	[dreg:$0x4] =	wrdreg $0xA8000  }
0xb1: {  	[dreg:$0x5] =	wrdreg $0x9  }
0xb2: {  	_ =	task.clear_ibuf [dreg:s7], $0x6FFFF;
	_ =	strace $0x90000049  }
0xb3: {  	s29 =	simm.s32 $0x9;
	_ =	strace $0x8000004B  }
0xb4: {  	_ =	swait.ge [sflag:s29], $0x1  }
0xb5: {  	[sflag:s29] =	ssyncadd.s32 $0xFFFFFFFF  }
0xb6: {  	_ =	strace $0x9000004B  }
0xb7: {  	_ =	sfence  }
0xb8: {  	s30 =	sld [smem:$0x0];
	_ =	sdelay $0x2  }
0xb9: {  	s31 =	sshll.u32 s1, $0xD;
	s1 =	sshrl.u32 s1, $0x2  }
0xba: {  	s3 =	sand.u32 $0x4000, s31;
	s1 =	sadd.s32 s1, s30  }
0xbb: {  	s0 =	sor.u32 s3, s0;
	s1 =	sshll.u32 s1, $0x11  }
0xbc: {  	s0 =	sor.u32 s1, s0  }
0xbd: {  	s0 =	sadd.s32 $0x8F2B, s0  }
0xbe: {  	[sflag:s0] =	ssyncadd.remote.s32 $0x1  }
0xbf: {  	_ =	sfence.sel $0xFFFF  }
0xc0: {  	[dreg:$0x0] =	wrdreg $0xFFFFFFFF;
	(pc) =	sbr.abs _section_cstart, $3  }
0xc1: {  	[dreg:$0x1] =	wrdreg $0xFFFFFFFF  }
0xc2: {  	_ =	task.clear_ibuf [dreg:s7], $0x2FFFF;
	_ =	strace $0x9FFFFFFF  }
0xc3: {  	(tm) =	ssettm $0x7FFFFFFF  }
tec
execute0_lowered:
.L_overlay_start_1:
0x0: {  	(tag) =	ssettag $0x1  }
0x1: {  	s6 =	rddreg [dreg:$0x0]  }
0x2: {  	s14 =	rddreg [dreg:$0x1]  }
0x3: {  	s0 =	srdreg.scid;
	s2 =	rddreg [dreg:$0x2]  }
0x4: {  	s25 =	stileid.u32;
	s3 =	simm.s32 $0x0;
	s18 =	simm.s32 $0x3  }
0x5: {  	s19 =	simm.s32 $0x1400;
	s20 =	simm.s32 $0x80;
	s21 =	simm.s32 $0x6800  }
0x6: {  	s22 =	simm.s32 $0x1;
	s23 =	simm.s32 $0x2;
	s24 =	simm.s32 $0x1380  }
0x7: {  	s28 =	simm.s32 $0x0;
	s7 =	sand.u32 $0x1, s0;
	s8 =	smul.u32 $0x14000, s25  }
0x8: {  	[smem:$0x7FF] =	sst s3;
	s4 =	sadd.s32 $0x60600, s6;
	s13 =	sadd.s32 $0x56600, s6  }
0x9: {  	s9 =	smul.u32 $0x50000, s25;
	s26 =	sshll.u32 s25, $0x1;
	s25 =	simm.s32 $0x2700  }
0xa: {  	s5 =	smul.u32 $0x140000, s7;
	_ =	strace $0x8000004A;
	s29 =	ssub.s32 $0x2, s7  }
0xb: {  	s7 =	sor.u32 s7, s26;
	s26 =	simm.s32 $0x2780;
	s30 =	sshrl.u32 s9, $0x2  }
0xc: {  	s31 =	sshrl.u32 s29, $0x1;
	s11 =	smul.u32 $0x2800, s7;
	s5 =	sadd.s32 s8, s5  }
0xd: {  	s16 =	ssub.s32 s29, s31;
	s8 =	sshrl.u32 s5, $0x3;
	s5 =	sadd.s32 $0x5600, s6  }
0xe: {  	s17 =	sshrl.u32 s11, $0x3;
	s16 =	smax.u32 s16, $0x1;
	s15 =	sadd.s32 s8, s6  }
0xf: {  	s6 =	sadd.s32 s30, s2;
	s11 =	sadd.s32 s13, s17;
	s12 =	sadd.s32 s14, s17  }
0x10: {  	s17 =	sadd.s32 $0x280, s17;
	s7 =	sadd.s32 $0x4000, s6;
	s8 =	sadd.s32 $0x8000, s6  }
0x11: {  	s9 =	sadd.s32 $0xC000, s6;
	s10 =	sadd.s32 $0x10000, s6;
	s13 =	sadd.s32 s13, s17  }
0x12: {  	s14 =	sadd.s32 s14, s17;
	s15 =	sadd.s32 $0x88600, s15;
	s17 =	simm.s32 $0x2800  }
.LBB2_1:
0x13: {  	[tilespmem:s17], [sflag:$0x3] =	stream.linear.gather [hbm4b:s5+s3], $0x4000, $0x38;
	[tilespmem:$0x1E800] =	vst v63  }
0x14: {  	_ =	swait.ge [sflag:s18], $0x4000  }
0x15: {  	[sflag:s18] =	ssyncset.done $0x0  }
0x16: {  	[sflag:s18] =	ssyncadd.s32 $0xFFFFC000  }
0x17: {  	[spmem:s6] =	stream.linear.scatter [tilespmem:s17], [sflag:$0x3], $0x4000, $0x38;
	[tilespmem:$0x1E800] =	vst v63  }
0x18: {  	_ =	swait.ge [sflag:s18], $0x4000  }
0x19: {  	[sflag:s18] =	ssyncset.done $0x0  }
0x1a: {  	[sflag:s18] =	ssyncadd.s32 $0xFFFFC000  }
0x1b: {  	[spmem:s7] =	stream.linear.scatter [tilespmem:s17], [sflag:$0x3], $0x4000, $0x38;
	[tilespmem:$0x1E800] =	vst v63  }
0x1c: {  	_ =	swait.ge [sflag:s18], $0x4000  }
0x1d: {  	[sflag:s18] =	ssyncset.done $0x0  }
0x1e: {  	[sflag:s18] =	ssyncadd.s32 $0xFFFFC000  }
0x1f: {  	[spmem:s8] =	stream.linear.scatter [tilespmem:s17], [sflag:$0x3], $0x4000, $0x38;
	[tilespmem:$0x1E800] =	vst v63  }
0x20: {  	_ =	swait.ge [sflag:s18], $0x4000  }
0x21: {  	[sflag:s18] =	ssyncset.done $0x0  }
0x22: {  	[sflag:s18] =	ssyncadd.s32 $0xFFFFC000  }
0x23: {  	[spmem:s9] =	stream.linear.scatter [tilespmem:s17], [sflag:$0x3], $0x4000, $0x38;
	[tilespmem:$0x1E800] =	vst v63  }
0x24: {  	_ =	swait.ge [sflag:s18], $0x4000  }
0x25: {  	[sflag:s18] =	ssyncset.done $0x0  }
0x26: {  	[sflag:s18] =	ssyncadd.s32 $0xFFFFC000  }
0x27: {  	[spmem:s10] =	stream.linear.scatter [tilespmem:s17], [sflag:$0x3], $0x4000, $0x38;
	[tilespmem:$0x1E800] =	vst v63  }
0x28: {  	_ =	swait.ge [sflag:s18], $0x4000  }
0x29: {  	[sflag:s18] =	ssyncset.done $0x0  }
0x2a: {  	[sflag:s18] =	ssyncadd.s32 $0xFFFFC000  }
0x2b: {  	[bflag:$0x0] =	sbarrier.arrive $0xFFFF  }
0x2c: {  	[tilespmem:s3], [sflag:$0x3] =	stream.linear.gather [hbm4b:s11+s3], $0x1400, $0x38;
	[tilespmem:$0x1E800] =	vst v63  }
0x2d: {  	_ =	swait.ge [sflag:s18], $0x1400  }
0x2e: {  	[sflag:s18] =	ssyncset.done $0x0  }
0x2f: {  	[sflag:s18] =	ssyncadd.s32 $0xFFFFEC00  }
0x30: {  	[tilespmem:s19], [sflag:$0x3] =	stream.linear.gather [hbm4b:s12+s3], $0x1400, $0x38;
	[tilespmem:$0x1E800] =	vst v63  }
0x31: {  	_ =	swait.ge [sflag:s18], $0x1400  }
0x32: {  	[sflag:s18] =	ssyncset.done $0x0  }
0x33: {  	[sflag:s18] =	ssyncadd.s32 $0xFFFFEC00  }
0x34: {  	[tilespmem:s17], [sflag:$0x1] =	stream.indirect.gather [hbm4b:s4+s20], $0x80, s3, s20, $0xb8;
	[tilespmem:$0x1E800] =	vst v63  }
0x35: {  	s29 =	simm.s32 $0x80  }
0x36: {  	[tilespmem:s21], [sflag:$0x2] =	stream.indirect.gather [hbm4b:s4+s20], $0x80, s29, s20, $0xb8;
	[tilespmem:$0x1E800] =	vst v63  }
0x37: {  	_ =	swait.ge [sflag:s22], $0x4000  }
0x38: {  	[sflag:s22] =	ssyncset.done $0x0  }
0x39: {  	s29 =	simm.s32 $0x1400;
	[sflag:s22] =	ssyncadd.s32 $0xFFFFC000  }
0x3a: {  	[spmem:s2] =	stream.indirect.scatter.add.f32 [tilespmem:s17], [sflag:$0x3], $0x80, s29, s20, $0xb8;
	[tilespmem:$0x1E800] =	vst v63  }
0x3b: {  	_ =	swait.ge [sflag:s18], $0x4000  }
0x3c: {  	[sflag:s18] =	ssyncset.done $0x0  }
0x3d: {  	s29 =	simm.s32 $0x100;
	[sflag:s18] =	ssyncadd.s32 $0xFFFFC000  }
0x3e: {  	[tilespmem:s17], [sflag:$0x1] =	stream.indirect.gather [hbm4b:s4+s20], $0x80, s29, s20, $0xb8;
	[tilespmem:$0x1E800] =	vst v63  }
0x3f: {  	_ =	swait.ge [sflag:s23], $0x4000  }
0x40: {  	[sflag:s23] =	ssyncset.done $0x0  }
0x41: {  	s29 =	simm.s32 $0x1480;
	[sflag:s23] =	ssyncadd.s32 $0xFFFFC000  }
0x42: {  	[spmem:s2] =	stream.indirect.scatter.add.f32 [tilespmem:s21], [sflag:$0x3], $0x80, s29, s20, $0xb8;
	[tilespmem:$0x1E800] =	vst v63  }
0x43: {  	_ =	swait.ge [sflag:s18], $0x4000  }
0x44: {  	s30 =	simm.s32 $0x800;
	s29 =	simm.s32 $0x100;
	[sflag:s18] =	ssyncset.done $0x0  }
.LBB2_2:
0x45: {  	s31 =	sadd.s32 $0x80, s29  }
0x46: {  	[sflag:s18] =	ssyncadd.s32 $0xFFFFC000;
	s0 =	smov.u32 s30;
	s1 =	sadd.s32 $0x400, s30  }
0x47: {  	[tilespmem:s21], [sflag:$0x2] =	stream.indirect.gather [hbm4b:s4+s20], $0x80, s31, s20, $0xb8;
	[tilespmem:$0x1E800] =	vst v63  }
0x48: {  	p0 =	sne.s32 s30, $0x4800;
	_ =	swait.ge [sflag:s22], $0x4000  }
0x49: {  	[sflag:s22] =	ssyncset.done $0x0  }
0x4a: {  	s30 =	sadd.s32 $0x1400, s29;
	[sflag:s22] =	ssyncadd.s32 $0xFFFFC000  }
0x4b: {  	[spmem:s2] =	stream.indirect.scatter.add.f32 [tilespmem:s17], [sflag:$0x3], $0x80, s30, s20, $0xb8;
	[tilespmem:$0x1E800] =	vst v63  }
0x4c: {  	_ =	swait.ge [sflag:s18], $0x4000  }
0x4d: {  	[sflag:s18] =	ssyncset.done $0x0  }
0x4e: {  	s30 =	sadd.s32 $0x100, s29;
	[sflag:s18] =	ssyncadd.s32 $0xFFFFC000  }
0x4f: {  	[tilespmem:s17], [sflag:$0x1] =	stream.indirect.gather [hbm4b:s4+s20], $0x80, s30, s20, $0xb8;
	[tilespmem:$0x1E800] =	vst v63  }
0x50: {  	_ =	swait.ge [sflag:s23], $0x4000  }
.Ltmp0:
0x51: {  	[sflag:s23] =	ssyncset.done $0x0;
	(pc) =	sbr.rel @p0 .LBB2_2-.Ltmp0, $4  }
0x52: {  	s29 =	sadd.s32 $0x1480, s29;
	[sflag:s23] =	ssyncadd.s32 $0xFFFFC000  }
0x53: {  	[spmem:s2] =	stream.indirect.scatter.add.f32 [tilespmem:s21], [sflag:$0x3], $0x80, s29, s20, $0xb8;
	[tilespmem:$0x1E800] =	vst v63  }
0x54: {  	_ =	swait.ge [sflag:s18], $0x4000  }
0x55: {  	s30 =	smov.u32 s1;
	s29 =	sshra.s32 s0, $0x2;
	[sflag:s18] =	ssyncset.done $0x0  }
0x56: {  	s0 =	sadd.s32 $0x80, s29;
	[sflag:s18] =	ssyncadd.s32 $0xFFFFC000  }
0x57: {  	[tilespmem:s21], [sflag:$0x2] =	stream.indirect.gather [hbm4b:s4+s20], $0x80, s0, s20, $0xb8;
	[tilespmem:$0x1E800] =	vst v63  }
0x58: {  	_ =	swait.ge [sflag:s22], $0x4000  }
0x59: {  	[sflag:s22] =	ssyncset.done $0x0  }
0x5a: {  	s1 =	sadd.s32 $0x1400, s29;
	[sflag:s22] =	ssyncadd.s32 $0xFFFFC000  }
0x5b: {  	[spmem:s2] =	stream.indirect.scatter.add.f32 [tilespmem:s17], [sflag:$0x3], $0x80, s1, s20, $0xb8;
	[tilespmem:$0x1E800] =	vst v63  }
0x5c: {  	_ =	swait.ge [sflag:s18], $0x4000  }
0x5d: {  	[sflag:s18] =	ssyncset.done $0x0  }
0x5e: {  	s31 =	sadd.s32 $0x100, s29;
	[sflag:s18] =	ssyncadd.s32 $0xFFFFC000  }
0x5f: {  	[tilespmem:s17], [sflag:$0x1] =	stream.indirect.gather [hbm4b:s4+s20], $0x80, s31, s20, $0xb8;
	[tilespmem:$0x1E800] =	vst v63  }
0x60: {  	_ =	swait.ge [sflag:s23], $0x4000  }
0x61: {  	[sflag:s23] =	ssyncset.done $0x0  }
0x62: {  	s1 =	sadd.s32 $0x1480, s29;
	[sflag:s23] =	ssyncadd.s32 $0xFFFFC000  }
0x63: {  	[spmem:s2] =	stream.indirect.scatter.add.f32 [tilespmem:s21], [sflag:$0x3], $0x80, s1, s20, $0xb8;
	[tilespmem:$0x1E800] =	vst v63  }
0x64: {  	_ =	swait.ge [sflag:s18], $0x4000  }
0x65: {  	[sflag:s18] =	ssyncset.done $0x0  }
0x66: {  	[sflag:s18] =	ssyncadd.s32 $0xFFFFC000  }
0x67: {  	[tilespmem:s21], [sflag:$0x2] =	stream.indirect.gather [hbm4b:s4+s20], $0x80, s24, s20, $0xb8;
	[tilespmem:$0x1E800] =	vst v63  }
0x68: {  	_ =	swait.ge [sflag:s22], $0x4000  }
0x69: {  	[sflag:s22] =	ssyncset.done $0x0  }
0x6a: {  	[sflag:s22] =	ssyncadd.s32 $0xFFFFC000  }
0x6b: {  	[spmem:s2] =	stream.indirect.scatter.add.f32 [tilespmem:s17], [sflag:$0x3], $0x80, s25, s20, $0xb8;
	[tilespmem:$0x1E800] =	vst v63  }
0x6c: {  	_ =	swait.ge [sflag:s18], $0x4000  }
0x6d: {  	[sflag:s18] =	ssyncset.done $0x0  }
0x6e: {  	[sflag:s18] =	ssyncadd.s32 $0xFFFFC000  }
0x6f: {  	_ =	swait.ge [sflag:s23], $0x4000  }
0x70: {  	[sflag:s23] =	ssyncset.done $0x0  }
0x71: {  	[sflag:s23] =	ssyncadd.s32 $0xFFFFC000  }
0x72: {  	[spmem:s2] =	stream.indirect.scatter.add.f32 [tilespmem:s21], [sflag:$0x3], $0x80, s26, s20, $0xb8;
	[tilespmem:$0x1E800] =	vst v63  }
0x73: {  	_ =	swait.ge [sflag:s18], $0x4000  }
0x74: {  	[sflag:s18] =	ssyncset.done $0x0  }
0x75: {  	s31 =	simm.s32 $0x0;
	[sflag:s18] =	ssyncadd.s32 $0xFFFFC000  }
0x76: {  	[tilespmem:s31], [sflag:$0x3] =	stream.linear.gather [hbm4b:s13+s31], $0x1400, $0x38;
	[tilespmem:$0x1E800] =	vst v63  }
0x77: {  	_ =	swait.ge [sflag:s18], $0x1400  }
0x78: {  	[sflag:s18] =	ssyncset.done $0x0  }
0x79: {  	[sflag:s18] =	ssyncadd.s32 $0xFFFFEC00  }
0x7a: {  	[tilespmem:s19], [sflag:$0x3] =	stream.linear.gather [hbm4b:s14+s31], $0x1400, $0x38;
	[tilespmem:$0x1E800] =	vst v63  }
0x7b: {  	_ =	swait.ge [sflag:s18], $0x1400  }
0x7c: {  	[sflag:s18] =	ssyncset.done $0x0  }
0x7d: {  	[sflag:s18] =	ssyncadd.s32 $0xFFFFEC00  }
0x7e: {  	[tilespmem:s17], [sflag:$0x1] =	stream.indirect.gather [hbm4b:s4+s20], $0x80, s31, s20, $0xb8;
	[tilespmem:$0x1E800] =	vst v63  }
0x7f: {  	s1 =	simm.s32 $0x80  }
0x80: {  	[tilespmem:s21], [sflag:$0x2] =	stream.indirect.gather [hbm4b:s4+s20], $0x80, s1, s20, $0xb8;
	[tilespmem:$0x1E800] =	vst v63  }
0x81: {  	_ =	swait.ge [sflag:s22], $0x4000  }
0x82: {  	[sflag:s22] =	ssyncset.done $0x0  }
0x83: {  	s31 =	simm.s32 $0x1400;
	[sflag:s22] =	ssyncadd.s32 $0xFFFFC000  }
0x84: {  	[spmem:s2] =	stream.indirect.scatter.add.f32 [tilespmem:s17], [sflag:$0x3], $0x80, s31, s20, $0xb8;
	[tilespmem:$0x1E800] =	vst v63  }
0x85: {  	_ =	swait.ge [sflag:s18], $0x4000  }
0x86: {  	[sflag:s18] =	ssyncset.done $0x0  }
0x87: {  	s1 =	simm.s32 $0x100;
	[sflag:s18] =	ssyncadd.s32 $0xFFFFC000  }
0x88: {  	[tilespmem:s17], [sflag:$0x1] =	stream.indirect.gather [hbm4b:s4+s20], $0x80, s1, s20, $0xb8;
	[tilespmem:$0x1E800] =	vst v63  }
0x89: {  	_ =	swait.ge [sflag:s23], $0x4000  }
0x8a: {  	[sflag:s23] =	ssyncset.done $0x0  }
0x8b: {  	s31 =	simm.s32 $0x1480;
	[sflag:s23] =	ssyncadd.s32 $0xFFFFC000  }
0x8c: {  	[spmem:s2] =	stream.indirect.scatter.add.f32 [tilespmem:s21], [sflag:$0x3], $0x80, s31, s20, $0xb8;
	[tilespmem:$0x1E800] =	vst v63  }
0x8d: {  	_ =	swait.ge [sflag:s18], $0x4000  }
0x8e: {  	s30 =	simm.s32 $0x800;
	s29 =	simm.s32 $0x100;
	[sflag:s18] =	ssyncset.done $0x0  }
.LBB2_4:
0x8f: {  	s0 =	sadd.s32 $0x80, s29  }
0x90: {  	[sflag:s18] =	ssyncadd.s32 $0xFFFFC000;
	s1 =	smov.u32 s30;
	s31 =	sadd.s32 $0x400, s30  }
0x91: {  	[tilespmem:s21], [sflag:$0x2] =	stream.indirect.gather [hbm4b:s4+s20], $0x80, s0, s20, $0xb8;
	[tilespmem:$0x1E800] =	vst v63  }
0x92: {  	p0 =	sne.s32 s30, $0x4800;
	_ =	swait.ge [sflag:s22], $0x4000  }
0x93: {  	[sflag:s22] =	ssyncset.done $0x0  }
0x94: {  	s0 =	sadd.s32 $0x1400, s29;
	[sflag:s22] =	ssyncadd.s32 $0xFFFFC000  }
0x95: {  	[spmem:s2] =	stream.indirect.scatter.add.f32 [tilespmem:s17], [sflag:$0x3], $0x80, s0, s20, $0xb8;
	[tilespmem:$0x1E800] =	vst v63  }
0x96: {  	_ =	swait.ge [sflag:s18], $0x4000  }
0x97: {  	[sflag:s18] =	ssyncset.done $0x0  }
0x98: {  	s0 =	sadd.s32 $0x100, s29;
	[sflag:s18] =	ssyncadd.s32 $0xFFFFC000  }
0x99: {  	[tilespmem:s17], [sflag:$0x1] =	stream.indirect.gather [hbm4b:s4+s20], $0x80, s0, s20, $0xb8;
	[tilespmem:$0x1E800] =	vst v63  }
0x9a: {  	_ =	swait.ge [sflag:s23], $0x4000  }
.Ltmp1:
0x9b: {  	[sflag:s23] =	ssyncset.done $0x0;
	(pc) =	sbr.rel @p0 .LBB2_4-.Ltmp1, $4  }
0x9c: {  	s0 =	sadd.s32 $0x1480, s29;
	[sflag:s23] =	ssyncadd.s32 $0xFFFFC000  }
0x9d: {  	[spmem:s2] =	stream.indirect.scatter.add.f32 [tilespmem:s21], [sflag:$0x3], $0x80, s0, s20, $0xb8;
	[tilespmem:$0x1E800] =	vst v63  }
0x9e: {  	_ =	swait.ge [sflag:s18], $0x4000  }
0x9f: {  	s30 =	smov.u32 s31;
	s29 =	sshra.s32 s1, $0x2;
	[sflag:s18] =	ssyncset.done $0x0  }
0xa0: {  	s0 =	sadd.s32 $0x80, s29;
	[sflag:s18] =	ssyncadd.s32 $0xFFFFC000  }
0xa1: {  	[tilespmem:s21], [sflag:$0x2] =	stream.indirect.gather [hbm4b:s4+s20], $0x80, s0, s20, $0xb8;
	[tilespmem:$0x1E800] =	vst v63  }
0xa2: {  	_ =	swait.ge [sflag:s22], $0x4000  }
0xa3: {  	[sflag:s22] =	ssyncset.done $0x0  }
0xa4: {  	s31 =	sadd.s32 $0x1400, s29;
	[sflag:s22] =	ssyncadd.s32 $0xFFFFC000  }
0xa5: {  	[spmem:s2] =	stream.indirect.scatter.add.f32 [tilespmem:s17], [sflag:$0x3], $0x80, s31, s20, $0xb8;
	[tilespmem:$0x1E800] =	vst v63  }
0xa6: {  	_ =	swait.ge [sflag:s18], $0x4000  }
0xa7: {  	[sflag:s18] =	ssyncset.done $0x0  }
0xa8: {  	s1 =	sadd.s32 $0x100, s29;
	[sflag:s18] =	ssyncadd.s32 $0xFFFFC000  }
0xa9: {  	[tilespmem:s17], [sflag:$0x1] =	stream.indirect.gather [hbm4b:s4+s20], $0x80, s1, s20, $0xb8;
	[tilespmem:$0x1E800] =	vst v63  }
0xaa: {  	_ =	swait.ge [sflag:s23], $0x4000  }
0xab: {  	[sflag:s23] =	ssyncset.done $0x0  }
0xac: {  	s30 =	sadd.s32 $0x1480, s29;
	[sflag:s23] =	ssyncadd.s32 $0xFFFFC000  }
0xad: {  	[spmem:s2] =	stream.indirect.scatter.add.f32 [tilespmem:s21], [sflag:$0x3], $0x80, s30, s20, $0xb8;
	[tilespmem:$0x1E800] =	vst v63  }
0xae: {  	_ =	swait.ge [sflag:s18], $0x4000  }
0xaf: {  	[sflag:s18] =	ssyncset.done $0x0  }
0xb0: {  	[sflag:s18] =	ssyncadd.s32 $0xFFFFC000  }
0xb1: {  	[tilespmem:s21], [sflag:$0x2] =	stream.indirect.gather [hbm4b:s4+s20], $0x80, s24, s20, $0xb8;
	[tilespmem:$0x1E800] =	vst v63  }
0xb2: {  	_ =	swait.ge [sflag:s22], $0x4000  }
0xb3: {  	[sflag:s22] =	ssyncset.done $0x0  }
0xb4: {  	[sflag:s22] =	ssyncadd.s32 $0xFFFFC000  }
0xb5: {  	[spmem:s2] =	stream.indirect.scatter.add.f32 [tilespmem:s17], [sflag:$0x3], $0x80, s25, s20, $0xb8;
	[tilespmem:$0x1E800] =	vst v63  }
0xb6: {  	_ =	swait.ge [sflag:s18], $0x4000  }
0xb7: {  	[sflag:s18] =	ssyncset.done $0x0  }
0xb8: {  	[sflag:s18] =	ssyncadd.s32 $0xFFFFC000  }
0xb9: {  	_ =	swait.ge [sflag:s23], $0x4000  }
0xba: {  	[sflag:s23] =	ssyncset.done $0x0  }
0xbb: {  	[sflag:s23] =	ssyncadd.s32 $0xFFFFC000  }
0xbc: {  	[spmem:s2] =	stream.indirect.scatter.add.f32 [tilespmem:s21], [sflag:$0x3], $0x80, s26, s20, $0xb8;
	[tilespmem:$0x1E800] =	vst v63  }
0xbd: {  	s31 =	stileid.u32;
	_ =	swait.ge [sflag:s18], $0x4000  }
0xbe: {  	s28 =	sadd.s32 $0x1, s28;
	s0 =	sshll.u32 s31, $0x6;
	[sflag:s18] =	ssyncset.done $0x0  }
0xbf: {  	p0 =	sne.s32 s28, s16;
	s0 =	sor.u32 $0x1C03, s0;
	[sflag:s18] =	ssyncadd.s32 $0xFFFFC000  }
.Ltmp2:
0xc0: {  	s1 =	sshrl.u32 s6, $0x3;
	[bflag:$0x0] =	sbarrier.arrive $0xFFFF;
	(pc) =	sbr.rel @p0 .LBB2_1-.Ltmp2, $4  }
0xc1: {  	[hbm:s15], [sflag:s0] =	dma.local [spmem:s1], $0x2800  }
0xc2: {  	_ =	swait.ge [sflag:s18], $0x2800  }
0xc3: {  	[sflag:s18] =	ssyncset.done $0x0  }
0xc4: {  	[sflag:s18] =	ssyncadd.s32 $0xFFFFD800  }
0xc5: {  	_ =	sfence.sel $0x180000  }
0xc6: {  	[bflag:$0x0] =	sbarrier.arrive $0xFFFF  }
0xc7: {  	_ =	strace $0x9000004A  }
0xc8: {  	s0 =	stileid.u32;
	[bflag:$0x2] =	sbarrier.arrive $0xFFFF  }
0xc9: {  	p0 =	sne.s32 s0, $0x0;
	s0 =	rddreg [dreg:$0x3]  }
0xca: {  	s0 =	sadd.s32 @!p0 $0x100000, s0  }
0xcb: {  	[sflag:s0] =	ssyncadd.tile.s32 @!p0 $0x1;
	_ =	shalt  }
.Lfunc_end2:
_tile_overlayer_lowered:
.L_overlay_start_2:
0xcc: {  	(tag) =	ssettag $0x2  }
0xcd: {  	s0 =	rddreg [dreg:$0x0];
	s2 =	stileid.u32  }
0xce: {  	s1 =	rddreg [dreg:$0x1];
	p0 =	sne.s32 s2, $0x0  }
0xcf: {  	s3 =	rddreg [dreg:$0x2];
	[bflag:$0x3] =	sbarrier.arrive $0xFFFF;
	s2 =	simm.s32 @!p0 $0x1C03  }
0xd0: {  	[timem:s3], [sflag:s2] =	dma.local @!p0 [hbm:s0], s1  }
0xd1: {  	s0 =	simm.s32 @!p0 $0x3  }
0xd2: {  	_ =	swait.ge @!p0 [sflag:s0], s1  }
0xd3: {  	s1 =	ssub.s32 @!p0 $0x0, s1;
	[sflag:s0] =	ssyncset.done @!p0 $0x0  }
0xd4: {  	[sflag:s0] =	ssyncadd.s32 @!p0 s1  }
0xd5: {  	[bflag:$0x3] =	sbarrier.arrive $0xFFFF  }
0xd6: {  	_ =	shalt  }

// kernel: sc_edge_scatter.7.cloned.1.call-start
scs
__scs_entry_jumppad:
0x0: {  	(pc) =	sbr.rel $0x88, $3  }
0x1: {  	(tag) =	ssettag $0x0;
	lr =	simm.s32 $0x1  }
0x2: {  	[smem:$0x3F81] =	sst lr;
	_ =	strace $0xD0000000  }
0x3: {  	_ = 	snop  }
0x4: {  	_ = 	snop  }
0x5: {  	_ = 	snop  }
0x6: {  	_ = 	snop  }
0x7: {  	_ = 	snop  }
__scs_overlays_trampoline_lowered:
0x8: {  	[smem:$0x3F90] =	sst s0  }
0x9: {  	[smem:$0x3F91] =	sst s1  }
0xa: {  	[smem:$0x3F92] =	sst s2  }
0xb: {  	[smem:$0x3F93] =	sst s3  }
0xc: {  	[smem:$0x3F94] =	sst s4  }
0xd: {  	[smem:$0x3F95] =	sst s5  }
0xe: {  	[smem:$0x3F96] =	sst s6  }
0xf: {  	[smem:$0x3F97] =	sst s7  }
0x10: {  	[smem:$0x3F98] =	sst s8  }
0x11: {  	[smem:$0x3F99] =	sst s9;
	s0 =	simm.s32 @!p0 $0x0  }
0x12: {  	s1 =	sld [smem:$0x3F7F];
	s0 =	simm.s32 @p0 $0x1  }
0x13: {  	[smem:$0x3F9A] =	sst s0;
	s0 =	simm.s32 @!p1 $0x0  }
0x14: {  	s2 =	sld [smem:$0x3F7E];
	s0 =	simm.s32 @p1 $0x1  }
0x15: {  	[smem:$0x3F9B] =	sst s0;
	s0 =	simm.s32 @!p2 $0x0  }
0x16: {  	s3 =	sld [smem:$0x3FDB];
	s0 =	simm.s32 @p2 $0x1  }
0x17: {  	s4 =	simm.s32 $0x1BF5;
	[smem:$0x3F9D] =	sst s0  }
0x18: {  	s0 =	sld [smem:$0x3F80];
	_ =	swait.ge [sflag:s4], $0x0  }
0x19: {  	s7 =	sld [smem:$0x3F81]  }
0x1a: {  	s8 =	sadd.s32 $0xFFFFE003, lr  }
0x1b: {  	s9 =	sadd.s32 $0xFFFFFEF7, lr;
	s5 =	simm.s32 $0xFFFFFFFF;
	p2 =	slt.u32 s8, $0xFFFFF086  }
0x1c: {  	p1 =	slt.u32 s9, $0xF7A;
	s5 =	simm.s32 @!p2 $0x0  }
0x1d: {  	s5 =	simm.s32 @p1 $0x1;
	p0 =	seq.s32 s7, s2  }
0x1e: {  	s7 =	smul.u32 @!p0 $0xF7A, s2;
	p2 =	seq.s32 @!p0 s5, $0x0  }
0x1f: {  	s9 =	smul.u32 $0xF7A, s1;
	s8 =	simm.s32 @!p0 $0x1BF5;
	p2 =	por !p2, p0  }
0x20: {  	[sflag:s8] =	ssyncset.s32 @!p0 $0xFFFFF086;
	s6 =	sadd.s32 @!p0 s3, s7;
	s7 =	simm.s32 @!p0 $0x108  }
0x21: {  	s3 =	sadd.s32 s3, s9;
	s6 =	sadd.s32 @!p0 $0x88, s6;
	s7 =	simm.s32 @p2 $0x1082  }
0x22: {  	[simem:s7], [sflag:s8] =	dma.local @!p0 [hbm:s6], $0xF7A  }
0x23: {  	s9 =	sor.u32 $0xD0000000, s2;
	s6 =	simm.s32 $0x108;
	_ =	swait.ge @!p0 [sflag:s8], $0x0  }
0x24: {  	s3 =	sadd.s32 $0x88, s3;
	s6 =	simm.s32 @!p1 $0x1082;
	[sflag:s4] =	ssyncset.s32 $0xFFFFF086  }
0x25: {  	[simem:s6], [sflag:s4] =	dma.local [hbm:s3], $0xF7A  }
0x26: {  	[smem:$0x3F81] =	sst s1;
	(tag) =	ssettag s2;
	_ =	strace s9  }
0x27: {  	s1 =	sld [smem:$0x3F91]  }
0x28: {  	s2 =	sld [smem:$0x3F92]  }
0x29: {  	s4 =	sld [smem:$0x3F94]  }
0x2a: {  	p0 =	seq.s32 s5, $0x0;
	s5 =	sld [smem:$0x3F95]  }
0x2b: {  	s6 =	sld [smem:$0x3F96]  }
0x2c: {  	s7 =	sld [smem:$0x3F97]  }
0x2d: {  	s3 =	simm.s32 $0x108;
	s8 =	sld [smem:$0x3F98]  }
0x2e: {  	s3 =	simm.s32 @!p0 $0x1082;
	s9 =	sld [smem:$0x3F99]  }
0x2f: {  	lr =	sadd.s32 s0, s3;
	s0 =	sld [smem:$0x3F90]  }
0x30: {  	s3 =	sld [smem:$0x3F93]  }
0x31: {  	[smem:$0x3F9C] =	sst s10  }
0x32: {  	s10 =	sld [smem:$0x3F9A];
	_ =	sdelay $0x3  }
0x33: {  	p0 =	seq.s32 s10, $0x1;
	s10 =	sld [smem:$0x3F9C];
	_ =	sdelay $0x3  }
0x34: {  	[smem:$0x3F9C] =	sst s10  }
0x35: {  	s10 =	sld [smem:$0x3F9B];
	_ =	sdelay $0x3  }
0x36: {  	p1 =	seq.s32 s10, $0x1;
	s10 =	sld [smem:$0x3F9C];
	_ =	sdelay $0x3  }
0x37: {  	[smem:$0x3F9C] =	sst s10  }
0x38: {  	s10 =	sld [smem:$0x3F9D]  }
0x39: {  	_ = 	snop;
	(pc) =	sbr.ind lr, $3  }
0x3a: {  	_ = 	snop  }
0x3b: {  	_ = 	snop  }
0x3c: {  	p2 =	seq.s32 s10, $0x1;
	s10 =	sld [smem:$0x3F9C]  }
0x3d: {  	_ =	shalt  }
0x3e: {  	_ =	shalt  }
0x3f: {  	_ =	shalt  }
0x40: {  	_ =	shalt  }
0x41: {  	_ =	shalt  }
0x42: {  	_ =	shalt  }
0x43: {  	_ =	shalt  }
0x44: {  	_ =	shalt  }
0x45: {  	_ =	shalt  }
0x46: {  	_ =	shalt  }
0x47: {  	_ =	shalt  }
0x48: {  	_ =	shalt  }
0x49: {  	_ =	shalt  }
0x4a: {  	_ =	shalt  }
0x4b: {  	_ =	shalt  }
0x4c: {  	_ =	shalt  }
0x4d: {  	_ =	shalt  }
0x4e: {  	_ =	shalt  }
0x4f: {  	_ =	shalt  }
0x50: {  	_ =	shalt  }
0x51: {  	_ =	shalt  }
0x52: {  	_ =	shalt  }
0x53: {  	_ =	shalt  }
0x54: {  	_ =	shalt  }
0x55: {  	_ =	shalt  }
0x56: {  	_ =	shalt  }
0x57: {  	_ =	shalt  }
0x58: {  	_ =	shalt  }
0x59: {  	_ =	shalt  }
0x5a: {  	_ =	shalt  }
0x5b: {  	_ =	shalt  }
0x5c: {  	_ =	shalt  }
0x5d: {  	_ =	shalt  }
0x5e: {  	_ =	shalt  }
0x5f: {  	_ =	shalt  }
0x60: {  	_ =	shalt  }
0x61: {  	_ =	shalt  }
0x62: {  	_ =	shalt  }
0x63: {  	_ =	shalt  }
0x64: {  	_ =	shalt  }
0x65: {  	_ =	shalt  }
0x66: {  	_ =	shalt  }
0x67: {  	_ =	shalt  }
0x68: {  	_ =	shalt  }
0x69: {  	_ =	shalt  }
0x6a: {  	_ =	shalt  }
0x6b: {  	_ =	shalt  }
0x6c: {  	_ =	shalt  }
0x6d: {  	_ =	shalt  }
0x6e: {  	_ =	shalt  }
0x6f: {  	_ =	shalt  }
0x70: {  	_ =	shalt  }
0x71: {  	_ =	shalt  }
0x72: {  	_ =	shalt  }
0x73: {  	_ =	shalt  }
0x74: {  	_ =	shalt  }
0x75: {  	_ =	shalt  }
0x76: {  	_ =	shalt  }
0x77: {  	_ =	shalt  }
0x78: {  	_ =	shalt  }
0x79: {  	_ =	shalt  }
0x7a: {  	_ =	shalt  }
0x7b: {  	_ =	shalt  }
0x7c: {  	_ =	shalt  }
0x7d: {  	_ =	shalt  }
0x7e: {  	_ =	shalt  }
0x7f: {  	_ =	shalt  }
0x80: {  	_ =	shalt  }
0x81: {  	_ =	shalt  }
0x82: {  	_ =	shalt  }
0x83: {  	_ =	shalt  }
0x84: {  	_ =	shalt  }
0x85: {  	_ =	shalt  }
0x86: {  	_ =	shalt  }
0x87: {  	_ =	shalt  }
.Lfunc_end0:
.L_simem_size_0:
called_computation.2_lowered:
.L_overlay_start_0:
0x88: {  	s2 =	sld [smem:$0x3FD9]  }
0x89: {  	s3 =	sld [smem:$0x3FFE];
	_ =	sdelay $0x1  }
0x8a: {  	s1 =	srdreg.scid  }
0x8b: {  	s0 =	sand.u32 $0x1, s1  }
0x8c: {  	s17 =	sshll.u32 s0, $0xA;
	s2 =	sadd.s32 s3, s2  }
0x8d: {  	s2 =	sadd.s32 s2, s17  }
0x8e: {  	[smem:$0x3FA8] =	sst s2  }
0x8f: {  	_ = 	snop  }
0x90: {  	s2 =	sld [smem:$0x3FD0];
	(tm) =	ssettm $0x1  }
0x91: {  	s18 =	sld [smem:$0x3FFB];
	_ =	sdelay $0x3  }
0x92: {  	_ =	strace s18  }
0x93: {  	s3 =	sld [smem:$0x3FFC];
	_ =	sdelay $0x3  }
0x94: {  	_ =	strace s3  }
0x95: {  	s3 =	sld [smem:$0x3FFD];
	_ =	sdelay $0x3  }
0x96: {  	_ =	strace s3  }
0x97: {  	_ =	strace $0x8FFFFFFF  }
0x98: {  	s19 =	sld [smem:$0x3FDB];
	_ =	sdelay $0x1  }
0x99: {  	s4 =	simm.s32 $_scs_section_size  }
0x9a: {  	s5 =	simm.s32 $_size__tile_overlayer_lowered;
	s6 =	simm.s32 $_tile_overlayer_lowered  }
0x9b: {  	s22 =	simm.s32 $0x1BFF;
	s21 =	sshll.u32 s6, $0x1;
	s3 =	sadd.s32 s4, s19  }
0x9c: {  	s7 =	simm.s32 $0x0;
	s20 =	sshll.u32 s5, $0x1;
	s5 =	sadd.s32 s21, s3  }
0x9d: {  	[timem:s7], [sflag:s22] =	dma.local [hbm:s5], s20  }
0x9e: {  	_ =	swait.ge [sflag:s22], s20  }
0x9f: {  	s4 =	ssub.s32 $0x0, s20;
	[sflag:s22] =	ssyncset.done $0x0  }
0xa0: {  	[sflag:s22] =	ssyncadd.s32 s4;
	_ =	sdelay $0x1  }
0xa1: {  	s23 =	simm.s32 $0x1B8B  }
0xa2: {  	_ =	swait.ge [sflag:s23], $0x1  }
0xa3: {  	[sflag:s23] =	ssyncset.done $0x0  }
0xa4: {  	s25 =	simm.s32 $0x1B8E;
	s24 =	sld [smem:$0x3FFE];
	[sflag:s23] =	ssyncadd.s32 $0xFFFFFFFF  }
0xa5: {  	s26 =	simm.s32 $execute0_lowered;
	[smem:$0x3FD2] =	sst s25  }
0xa6: {  	s5 =	sshll.u32 s26, $0x1;
	_ =	strace $0x8000004C;
	[dreg:$0x1] =	wrdreg $0xFFFFFFFF  }
0xa7: {  	s28 =	simm.s32 $_size_execute0_lowered;
	s3 =	sadd.s32 s3, s5;
	[dreg:$0x0] =	wrdreg $0x0  }
0xa8: {  	s5 =	sshll.u32 s28, $0x1;
	[dreg:$0x2] =	wrdreg s3  }
0xa9: {  	[dreg:$0x3] =	wrdreg s5  }
0xaa: {  	[dreg:$0x4] =	wrdreg $0xC0  }
0xab: {  	_ =	task [dreg:s7], $0x5FFFF  }
0xac: {  	[dreg:$0x1] =	wrdreg $0xFFFFFFFF  }
0xad: {  	[dreg:$0x0] =	wrdreg $0x60  }
0xae: {  	[dreg:$0x2] =	wrdreg s24  }
0xaf: {  	[dreg:$0x3] =	wrdreg s2  }
0xb0: {  	[dreg:$0x4] =	wrdreg $0xA8000  }
0xb1: {  	[dreg:$0x5] =	wrdreg $0x9  }
0xb2: {  	_ =	task.clear_ibuf [dreg:s7], $0x6FFFF;
	_ =	strace $0x9000004C  }
0xb3: {  	s29 =	simm.s32 $0x9;
	_ =	strace $0x8000004E  }
0xb4: {  	_ =	swait.ge [sflag:s29], $0x1  }
0xb5: {  	[sflag:s29] =	ssyncadd.s32 $0xFFFFFFFF  }
0xb6: {  	_ =	strace $0x9000004E  }
0xb7: {  	_ =	sfence  }
0xb8: {  	s30 =	sld [smem:$0x0];
	_ =	sdelay $0x2  }
0xb9: {  	s31 =	sshll.u32 s1, $0xD;
	s1 =	sshrl.u32 s1, $0x2  }
0xba: {  	s3 =	sand.u32 $0x4000, s31;
	s1 =	sadd.s32 s1, s30  }
0xbb: {  	s0 =	sor.u32 s3, s0;
	s1 =	sshll.u32 s1, $0x11  }
0xbc: {  	s0 =	sor.u32 s1, s0  }
0xbd: {  	s0 =	sadd.s32 $0x8F2B, s0  }
0xbe: {  	[sflag:s0] =	ssyncadd.remote.s32 $0x1  }
0xbf: {  	_ =	sfence.sel $0xFFFF  }
0xc0: {  	[dreg:$0x0] =	wrdreg $0xFFFFFFFF;
	(pc) =	sbr.abs _section_cstart, $3  }
0xc1: {  	[dreg:$0x1] =	wrdreg $0xFFFFFFFF  }
0xc2: {  	_ =	task.clear_ibuf [dreg:s7], $0x2FFFF;
	_ =	strace $0x9FFFFFFF  }
0xc3: {  	(tm) =	ssettm $0x7FFFFFFF  }
tec
execute0_lowered:
.L_overlay_start_1:
0x0: {  	(tag) =	ssettag $0x1  }
0x1: {  	s6 =	rddreg [dreg:$0x0]  }
0x2: {  	s14 =	rddreg [dreg:$0x1]  }
0x3: {  	s0 =	srdreg.scid;
	s2 =	rddreg [dreg:$0x2]  }
0x4: {  	s25 =	stileid.u32;
	s3 =	simm.s32 $0x0;
	s18 =	simm.s32 $0x3  }
0x5: {  	s19 =	simm.s32 $0x1400;
	s20 =	simm.s32 $0x80;
	s21 =	simm.s32 $0x6800  }
0x6: {  	s22 =	simm.s32 $0x1;
	s23 =	simm.s32 $0x2;
	s24 =	simm.s32 $0x1380  }
0x7: {  	s28 =	simm.s32 $0x0;
	s7 =	sand.u32 $0x1, s0;
	s8 =	smul.u32 $0x14000, s25  }
0x8: {  	[smem:$0x7FF] =	sst s3;
	s4 =	sadd.s32 $0x60600, s6;
	s13 =	sadd.s32 $0x56600, s6  }
0x9: {  	s9 =	smul.u32 $0x50000, s25;
	s26 =	sshll.u32 s25, $0x1;
	s25 =	simm.s32 $0x2700  }
0xa: {  	s5 =	smul.u32 $0x140000, s7;
	_ =	strace $0x8000004D;
	s29 =	ssub.s32 $0x2, s7  }
0xb: {  	s7 =	sor.u32 s7, s26;
	s26 =	simm.s32 $0x2780;
	s30 =	sshrl.u32 s9, $0x2  }
0xc: {  	s31 =	sshrl.u32 s29, $0x1;
	s11 =	smul.u32 $0x2800, s7;
	s5 =	sadd.s32 s8, s5  }
0xd: {  	s16 =	ssub.s32 s29, s31;
	s8 =	sshrl.u32 s5, $0x3;
	s5 =	sadd.s32 $0x5600, s6  }
0xe: {  	s17 =	sshrl.u32 s11, $0x3;
	s16 =	smax.u32 s16, $0x1;
	s15 =	sadd.s32 s8, s6  }
0xf: {  	s6 =	sadd.s32 s30, s2;
	s11 =	sadd.s32 s13, s17;
	s12 =	sadd.s32 s14, s17  }
0x10: {  	s17 =	sadd.s32 $0x280, s17;
	s7 =	sadd.s32 $0x4000, s6;
	s8 =	sadd.s32 $0x8000, s6  }
0x11: {  	s9 =	sadd.s32 $0xC000, s6;
	s10 =	sadd.s32 $0x10000, s6;
	s13 =	sadd.s32 s13, s17  }
0x12: {  	s14 =	sadd.s32 s14, s17;
	s15 =	sadd.s32 $0x88600, s15;
	s17 =	simm.s32 $0x2800  }
.LBB2_1:
0x13: {  	[tilespmem:s17], [sflag:$0x3] =	stream.linear.gather [hbm4b:s5+s3], $0x4000, $0x38;
	[tilespmem:$0x1E800] =	vst v63  }
0x14: {  	_ =	swait.ge [sflag:s18], $0x4000  }
0x15: {  	[sflag:s18] =	ssyncset.done $0x0  }
0x16: {  	[sflag:s18] =	ssyncadd.s32 $0xFFFFC000  }
0x17: {  	[spmem:s6] =	stream.linear.scatter [tilespmem:s17], [sflag:$0x3], $0x4000, $0x38;
	[tilespmem:$0x1E800] =	vst v63  }
0x18: {  	_ =	swait.ge [sflag:s18], $0x4000  }
0x19: {  	[sflag:s18] =	ssyncset.done $0x0  }
0x1a: {  	[sflag:s18] =	ssyncadd.s32 $0xFFFFC000  }
0x1b: {  	[spmem:s7] =	stream.linear.scatter [tilespmem:s17], [sflag:$0x3], $0x4000, $0x38;
	[tilespmem:$0x1E800] =	vst v63  }
0x1c: {  	_ =	swait.ge [sflag:s18], $0x4000  }
0x1d: {  	[sflag:s18] =	ssyncset.done $0x0  }
0x1e: {  	[sflag:s18] =	ssyncadd.s32 $0xFFFFC000  }
0x1f: {  	[spmem:s8] =	stream.linear.scatter [tilespmem:s17], [sflag:$0x3], $0x4000, $0x38;
	[tilespmem:$0x1E800] =	vst v63  }
0x20: {  	_ =	swait.ge [sflag:s18], $0x4000  }
0x21: {  	[sflag:s18] =	ssyncset.done $0x0  }
0x22: {  	[sflag:s18] =	ssyncadd.s32 $0xFFFFC000  }
0x23: {  	[spmem:s9] =	stream.linear.scatter [tilespmem:s17], [sflag:$0x3], $0x4000, $0x38;
	[tilespmem:$0x1E800] =	vst v63  }
0x24: {  	_ =	swait.ge [sflag:s18], $0x4000  }
0x25: {  	[sflag:s18] =	ssyncset.done $0x0  }
0x26: {  	[sflag:s18] =	ssyncadd.s32 $0xFFFFC000  }
0x27: {  	[spmem:s10] =	stream.linear.scatter [tilespmem:s17], [sflag:$0x3], $0x4000, $0x38;
	[tilespmem:$0x1E800] =	vst v63  }
0x28: {  	_ =	swait.ge [sflag:s18], $0x4000  }
0x29: {  	[sflag:s18] =	ssyncset.done $0x0  }
0x2a: {  	[sflag:s18] =	ssyncadd.s32 $0xFFFFC000  }
0x2b: {  	[bflag:$0x0] =	sbarrier.arrive $0xFFFF  }
0x2c: {  	[tilespmem:s3], [sflag:$0x3] =	stream.linear.gather [hbm4b:s11+s3], $0x1400, $0x38;
	[tilespmem:$0x1E800] =	vst v63  }
0x2d: {  	_ =	swait.ge [sflag:s18], $0x1400  }
0x2e: {  	[sflag:s18] =	ssyncset.done $0x0  }
0x2f: {  	[sflag:s18] =	ssyncadd.s32 $0xFFFFEC00  }
0x30: {  	[tilespmem:s19], [sflag:$0x3] =	stream.linear.gather [hbm4b:s12+s3], $0x1400, $0x38;
	[tilespmem:$0x1E800] =	vst v63  }
0x31: {  	_ =	swait.ge [sflag:s18], $0x1400  }
0x32: {  	[sflag:s18] =	ssyncset.done $0x0  }
0x33: {  	[sflag:s18] =	ssyncadd.s32 $0xFFFFEC00  }
0x34: {  	[tilespmem:s17], [sflag:$0x1] =	stream.indirect.gather [hbm4b:s4+s20], $0x80, s3, s20, $0xb8;
	[tilespmem:$0x1E800] =	vst v63  }
0x35: {  	s29 =	simm.s32 $0x80  }
0x36: {  	[tilespmem:s21], [sflag:$0x2] =	stream.indirect.gather [hbm4b:s4+s20], $0x80, s29, s20, $0xb8;
	[tilespmem:$0x1E800] =	vst v63  }
0x37: {  	_ =	swait.ge [sflag:s22], $0x4000  }
0x38: {  	[sflag:s22] =	ssyncset.done $0x0  }
0x39: {  	s29 =	simm.s32 $0x1400;
	[sflag:s22] =	ssyncadd.s32 $0xFFFFC000  }
0x3a: {  	[spmem:s2] =	stream.indirect.scatter.add.f32 [tilespmem:s17], [sflag:$0x3], $0x80, s29, s20, $0xb8;
	[tilespmem:$0x1E800] =	vst v63  }
0x3b: {  	_ =	swait.ge [sflag:s18], $0x4000  }
0x3c: {  	[sflag:s18] =	ssyncset.done $0x0  }
0x3d: {  	s29 =	simm.s32 $0x100;
	[sflag:s18] =	ssyncadd.s32 $0xFFFFC000  }
0x3e: {  	[tilespmem:s17], [sflag:$0x1] =	stream.indirect.gather [hbm4b:s4+s20], $0x80, s29, s20, $0xb8;
	[tilespmem:$0x1E800] =	vst v63  }
0x3f: {  	_ =	swait.ge [sflag:s23], $0x4000  }
0x40: {  	[sflag:s23] =	ssyncset.done $0x0  }
0x41: {  	s29 =	simm.s32 $0x1480;
	[sflag:s23] =	ssyncadd.s32 $0xFFFFC000  }
0x42: {  	[spmem:s2] =	stream.indirect.scatter.add.f32 [tilespmem:s21], [sflag:$0x3], $0x80, s29, s20, $0xb8;
	[tilespmem:$0x1E800] =	vst v63  }
0x43: {  	_ =	swait.ge [sflag:s18], $0x4000  }
0x44: {  	s30 =	simm.s32 $0x800;
	s29 =	simm.s32 $0x100;
	[sflag:s18] =	ssyncset.done $0x0  }
.LBB2_2:
0x45: {  	s31 =	sadd.s32 $0x80, s29  }
0x46: {  	[sflag:s18] =	ssyncadd.s32 $0xFFFFC000;
	s0 =	smov.u32 s30;
	s1 =	sadd.s32 $0x400, s30  }
0x47: {  	[tilespmem:s21], [sflag:$0x2] =	stream.indirect.gather [hbm4b:s4+s20], $0x80, s31, s20, $0xb8;
	[tilespmem:$0x1E800] =	vst v63  }
0x48: {  	p0 =	sne.s32 s30, $0x4800;
	_ =	swait.ge [sflag:s22], $0x4000  }
0x49: {  	[sflag:s22] =	ssyncset.done $0x0  }
0x4a: {  	s30 =	sadd.s32 $0x1400, s29;
	[sflag:s22] =	ssyncadd.s32 $0xFFFFC000  }
0x4b: {  	[spmem:s2] =	stream.indirect.scatter.add.f32 [tilespmem:s17], [sflag:$0x3], $0x80, s30, s20, $0xb8;
	[tilespmem:$0x1E800] =	vst v63  }
0x4c: {  	_ =	swait.ge [sflag:s18], $0x4000  }
0x4d: {  	[sflag:s18] =	ssyncset.done $0x0  }
0x4e: {  	s30 =	sadd.s32 $0x100, s29;
	[sflag:s18] =	ssyncadd.s32 $0xFFFFC000  }
0x4f: {  	[tilespmem:s17], [sflag:$0x1] =	stream.indirect.gather [hbm4b:s4+s20], $0x80, s30, s20, $0xb8;
	[tilespmem:$0x1E800] =	vst v63  }
0x50: {  	_ =	swait.ge [sflag:s23], $0x4000  }
.Ltmp0:
0x51: {  	[sflag:s23] =	ssyncset.done $0x0;
	(pc) =	sbr.rel @p0 .LBB2_2-.Ltmp0, $4  }
0x52: {  	s29 =	sadd.s32 $0x1480, s29;
	[sflag:s23] =	ssyncadd.s32 $0xFFFFC000  }
0x53: {  	[spmem:s2] =	stream.indirect.scatter.add.f32 [tilespmem:s21], [sflag:$0x3], $0x80, s29, s20, $0xb8;
	[tilespmem:$0x1E800] =	vst v63  }
0x54: {  	_ =	swait.ge [sflag:s18], $0x4000  }
0x55: {  	s30 =	smov.u32 s1;
	s29 =	sshra.s32 s0, $0x2;
	[sflag:s18] =	ssyncset.done $0x0  }
0x56: {  	s0 =	sadd.s32 $0x80, s29;
	[sflag:s18] =	ssyncadd.s32 $0xFFFFC000  }
0x57: {  	[tilespmem:s21], [sflag:$0x2] =	stream.indirect.gather [hbm4b:s4+s20], $0x80, s0, s20, $0xb8;
	[tilespmem:$0x1E800] =	vst v63  }
0x58: {  	_ =	swait.ge [sflag:s22], $0x4000  }
0x59: {  	[sflag:s22] =	ssyncset.done $0x0  }
0x5a: {  	s1 =	sadd.s32 $0x1400, s29;
	[sflag:s22] =	ssyncadd.s32 $0xFFFFC000  }
0x5b: {  	[spmem:s2] =	stream.indirect.scatter.add.f32 [tilespmem:s17], [sflag:$0x3], $0x80, s1, s20, $0xb8;
	[tilespmem:$0x1E800] =	vst v63  }
0x5c: {  	_ =	swait.ge [sflag:s18], $0x4000  }
0x5d: {  	[sflag:s18] =	ssyncset.done $0x0  }
0x5e: {  	s31 =	sadd.s32 $0x100, s29;
	[sflag:s18] =	ssyncadd.s32 $0xFFFFC000  }
0x5f: {  	[tilespmem:s17], [sflag:$0x1] =	stream.indirect.gather [hbm4b:s4+s20], $0x80, s31, s20, $0xb8;
	[tilespmem:$0x1E800] =	vst v63  }
0x60: {  	_ =	swait.ge [sflag:s23], $0x4000  }
0x61: {  	[sflag:s23] =	ssyncset.done $0x0  }
0x62: {  	s1 =	sadd.s32 $0x1480, s29;
	[sflag:s23] =	ssyncadd.s32 $0xFFFFC000  }
0x63: {  	[spmem:s2] =	stream.indirect.scatter.add.f32 [tilespmem:s21], [sflag:$0x3], $0x80, s1, s20, $0xb8;
	[tilespmem:$0x1E800] =	vst v63  }
0x64: {  	_ =	swait.ge [sflag:s18], $0x4000  }
0x65: {  	[sflag:s18] =	ssyncset.done $0x0  }
0x66: {  	[sflag:s18] =	ssyncadd.s32 $0xFFFFC000  }
0x67: {  	[tilespmem:s21], [sflag:$0x2] =	stream.indirect.gather [hbm4b:s4+s20], $0x80, s24, s20, $0xb8;
	[tilespmem:$0x1E800] =	vst v63  }
0x68: {  	_ =	swait.ge [sflag:s22], $0x4000  }
0x69: {  	[sflag:s22] =	ssyncset.done $0x0  }
0x6a: {  	[sflag:s22] =	ssyncadd.s32 $0xFFFFC000  }
0x6b: {  	[spmem:s2] =	stream.indirect.scatter.add.f32 [tilespmem:s17], [sflag:$0x3], $0x80, s25, s20, $0xb8;
	[tilespmem:$0x1E800] =	vst v63  }
0x6c: {  	_ =	swait.ge [sflag:s18], $0x4000  }
0x6d: {  	[sflag:s18] =	ssyncset.done $0x0  }
0x6e: {  	[sflag:s18] =	ssyncadd.s32 $0xFFFFC000  }
0x6f: {  	_ =	swait.ge [sflag:s23], $0x4000  }
0x70: {  	[sflag:s23] =	ssyncset.done $0x0  }
0x71: {  	[sflag:s23] =	ssyncadd.s32 $0xFFFFC000  }
0x72: {  	[spmem:s2] =	stream.indirect.scatter.add.f32 [tilespmem:s21], [sflag:$0x3], $0x80, s26, s20, $0xb8;
	[tilespmem:$0x1E800] =	vst v63  }
0x73: {  	_ =	swait.ge [sflag:s18], $0x4000  }
0x74: {  	[sflag:s18] =	ssyncset.done $0x0  }
0x75: {  	s31 =	simm.s32 $0x0;
	[sflag:s18] =	ssyncadd.s32 $0xFFFFC000  }
0x76: {  	[tilespmem:s31], [sflag:$0x3] =	stream.linear.gather [hbm4b:s13+s31], $0x1400, $0x38;
	[tilespmem:$0x1E800] =	vst v63  }
0x77: {  	_ =	swait.ge [sflag:s18], $0x1400  }
0x78: {  	[sflag:s18] =	ssyncset.done $0x0  }
0x79: {  	[sflag:s18] =	ssyncadd.s32 $0xFFFFEC00  }
0x7a: {  	[tilespmem:s19], [sflag:$0x3] =	stream.linear.gather [hbm4b:s14+s31], $0x1400, $0x38;
	[tilespmem:$0x1E800] =	vst v63  }
0x7b: {  	_ =	swait.ge [sflag:s18], $0x1400  }
0x7c: {  	[sflag:s18] =	ssyncset.done $0x0  }
0x7d: {  	[sflag:s18] =	ssyncadd.s32 $0xFFFFEC00  }
0x7e: {  	[tilespmem:s17], [sflag:$0x1] =	stream.indirect.gather [hbm4b:s4+s20], $0x80, s31, s20, $0xb8;
	[tilespmem:$0x1E800] =	vst v63  }
0x7f: {  	s1 =	simm.s32 $0x80  }
0x80: {  	[tilespmem:s21], [sflag:$0x2] =	stream.indirect.gather [hbm4b:s4+s20], $0x80, s1, s20, $0xb8;
	[tilespmem:$0x1E800] =	vst v63  }
0x81: {  	_ =	swait.ge [sflag:s22], $0x4000  }
0x82: {  	[sflag:s22] =	ssyncset.done $0x0  }
0x83: {  	s31 =	simm.s32 $0x1400;
	[sflag:s22] =	ssyncadd.s32 $0xFFFFC000  }
0x84: {  	[spmem:s2] =	stream.indirect.scatter.add.f32 [tilespmem:s17], [sflag:$0x3], $0x80, s31, s20, $0xb8;
	[tilespmem:$0x1E800] =	vst v63  }
0x85: {  	_ =	swait.ge [sflag:s18], $0x4000  }
0x86: {  	[sflag:s18] =	ssyncset.done $0x0  }
0x87: {  	s1 =	simm.s32 $0x100;
	[sflag:s18] =	ssyncadd.s32 $0xFFFFC000  }
0x88: {  	[tilespmem:s17], [sflag:$0x1] =	stream.indirect.gather [hbm4b:s4+s20], $0x80, s1, s20, $0xb8;
	[tilespmem:$0x1E800] =	vst v63  }
0x89: {  	_ =	swait.ge [sflag:s23], $0x4000  }
0x8a: {  	[sflag:s23] =	ssyncset.done $0x0  }
0x8b: {  	s31 =	simm.s32 $0x1480;
	[sflag:s23] =	ssyncadd.s32 $0xFFFFC000  }
0x8c: {  	[spmem:s2] =	stream.indirect.scatter.add.f32 [tilespmem:s21], [sflag:$0x3], $0x80, s31, s20, $0xb8;
	[tilespmem:$0x1E800] =	vst v63  }
0x8d: {  	_ =	swait.ge [sflag:s18], $0x4000  }
0x8e: {  	s30 =	simm.s32 $0x800;
	s29 =	simm.s32 $0x100;
	[sflag:s18] =	ssyncset.done $0x0  }
.LBB2_4:
0x8f: {  	s0 =	sadd.s32 $0x80, s29  }
0x90: {  	[sflag:s18] =	ssyncadd.s32 $0xFFFFC000;
	s1 =	smov.u32 s30;
	s31 =	sadd.s32 $0x400, s30  }
0x91: {  	[tilespmem:s21], [sflag:$0x2] =	stream.indirect.gather [hbm4b:s4+s20], $0x80, s0, s20, $0xb8;
	[tilespmem:$0x1E800] =	vst v63  }
0x92: {  	p0 =	sne.s32 s30, $0x4800;
	_ =	swait.ge [sflag:s22], $0x4000  }
0x93: {  	[sflag:s22] =	ssyncset.done $0x0  }
0x94: {  	s0 =	sadd.s32 $0x1400, s29;
	[sflag:s22] =	ssyncadd.s32 $0xFFFFC000  }
0x95: {  	[spmem:s2] =	stream.indirect.scatter.add.f32 [tilespmem:s17], [sflag:$0x3], $0x80, s0, s20, $0xb8;
	[tilespmem:$0x1E800] =	vst v63  }
0x96: {  	_ =	swait.ge [sflag:s18], $0x4000  }
0x97: {  	[sflag:s18] =	ssyncset.done $0x0  }
0x98: {  	s0 =	sadd.s32 $0x100, s29;
	[sflag:s18] =	ssyncadd.s32 $0xFFFFC000  }
0x99: {  	[tilespmem:s17], [sflag:$0x1] =	stream.indirect.gather [hbm4b:s4+s20], $0x80, s0, s20, $0xb8;
	[tilespmem:$0x1E800] =	vst v63  }
0x9a: {  	_ =	swait.ge [sflag:s23], $0x4000  }
.Ltmp1:
0x9b: {  	[sflag:s23] =	ssyncset.done $0x0;
	(pc) =	sbr.rel @p0 .LBB2_4-.Ltmp1, $4  }
0x9c: {  	s0 =	sadd.s32 $0x1480, s29;
	[sflag:s23] =	ssyncadd.s32 $0xFFFFC000  }
0x9d: {  	[spmem:s2] =	stream.indirect.scatter.add.f32 [tilespmem:s21], [sflag:$0x3], $0x80, s0, s20, $0xb8;
	[tilespmem:$0x1E800] =	vst v63  }
0x9e: {  	_ =	swait.ge [sflag:s18], $0x4000  }
0x9f: {  	s30 =	smov.u32 s31;
	s29 =	sshra.s32 s1, $0x2;
	[sflag:s18] =	ssyncset.done $0x0  }
0xa0: {  	s0 =	sadd.s32 $0x80, s29;
	[sflag:s18] =	ssyncadd.s32 $0xFFFFC000  }
0xa1: {  	[tilespmem:s21], [sflag:$0x2] =	stream.indirect.gather [hbm4b:s4+s20], $0x80, s0, s20, $0xb8;
	[tilespmem:$0x1E800] =	vst v63  }
0xa2: {  	_ =	swait.ge [sflag:s22], $0x4000  }
0xa3: {  	[sflag:s22] =	ssyncset.done $0x0  }
0xa4: {  	s31 =	sadd.s32 $0x1400, s29;
	[sflag:s22] =	ssyncadd.s32 $0xFFFFC000  }
0xa5: {  	[spmem:s2] =	stream.indirect.scatter.add.f32 [tilespmem:s17], [sflag:$0x3], $0x80, s31, s20, $0xb8;
	[tilespmem:$0x1E800] =	vst v63  }
0xa6: {  	_ =	swait.ge [sflag:s18], $0x4000  }
0xa7: {  	[sflag:s18] =	ssyncset.done $0x0  }
0xa8: {  	s1 =	sadd.s32 $0x100, s29;
	[sflag:s18] =	ssyncadd.s32 $0xFFFFC000  }
0xa9: {  	[tilespmem:s17], [sflag:$0x1] =	stream.indirect.gather [hbm4b:s4+s20], $0x80, s1, s20, $0xb8;
	[tilespmem:$0x1E800] =	vst v63  }
0xaa: {  	_ =	swait.ge [sflag:s23], $0x4000  }
0xab: {  	[sflag:s23] =	ssyncset.done $0x0  }
0xac: {  	s30 =	sadd.s32 $0x1480, s29;
	[sflag:s23] =	ssyncadd.s32 $0xFFFFC000  }
0xad: {  	[spmem:s2] =	stream.indirect.scatter.add.f32 [tilespmem:s21], [sflag:$0x3], $0x80, s30, s20, $0xb8;
	[tilespmem:$0x1E800] =	vst v63  }
0xae: {  	_ =	swait.ge [sflag:s18], $0x4000  }
0xaf: {  	[sflag:s18] =	ssyncset.done $0x0  }
0xb0: {  	[sflag:s18] =	ssyncadd.s32 $0xFFFFC000  }
0xb1: {  	[tilespmem:s21], [sflag:$0x2] =	stream.indirect.gather [hbm4b:s4+s20], $0x80, s24, s20, $0xb8;
	[tilespmem:$0x1E800] =	vst v63  }
0xb2: {  	_ =	swait.ge [sflag:s22], $0x4000  }
0xb3: {  	[sflag:s22] =	ssyncset.done $0x0  }
0xb4: {  	[sflag:s22] =	ssyncadd.s32 $0xFFFFC000  }
0xb5: {  	[spmem:s2] =	stream.indirect.scatter.add.f32 [tilespmem:s17], [sflag:$0x3], $0x80, s25, s20, $0xb8;
	[tilespmem:$0x1E800] =	vst v63  }
0xb6: {  	_ =	swait.ge [sflag:s18], $0x4000  }
0xb7: {  	[sflag:s18] =	ssyncset.done $0x0  }
0xb8: {  	[sflag:s18] =	ssyncadd.s32 $0xFFFFC000  }
0xb9: {  	_ =	swait.ge [sflag:s23], $0x4000  }
0xba: {  	[sflag:s23] =	ssyncset.done $0x0  }
0xbb: {  	[sflag:s23] =	ssyncadd.s32 $0xFFFFC000  }
0xbc: {  	[spmem:s2] =	stream.indirect.scatter.add.f32 [tilespmem:s21], [sflag:$0x3], $0x80, s26, s20, $0xb8;
	[tilespmem:$0x1E800] =	vst v63  }
0xbd: {  	s31 =	stileid.u32;
	_ =	swait.ge [sflag:s18], $0x4000  }
0xbe: {  	s28 =	sadd.s32 $0x1, s28;
	s0 =	sshll.u32 s31, $0x6;
	[sflag:s18] =	ssyncset.done $0x0  }
0xbf: {  	p0 =	sne.s32 s28, s16;
	s0 =	sor.u32 $0x1C03, s0;
	[sflag:s18] =	ssyncadd.s32 $0xFFFFC000  }
.Ltmp2:
0xc0: {  	s1 =	sshrl.u32 s6, $0x3;
	[bflag:$0x0] =	sbarrier.arrive $0xFFFF;
	(pc) =	sbr.rel @p0 .LBB2_1-.Ltmp2, $4  }
0xc1: {  	[hbm:s15], [sflag:s0] =	dma.local [spmem:s1], $0x2800  }
0xc2: {  	_ =	swait.ge [sflag:s18], $0x2800  }
0xc3: {  	[sflag:s18] =	ssyncset.done $0x0  }
0xc4: {  	[sflag:s18] =	ssyncadd.s32 $0xFFFFD800  }
0xc5: {  	_ =	sfence.sel $0x180000  }
0xc6: {  	[bflag:$0x0] =	sbarrier.arrive $0xFFFF  }
0xc7: {  	_ =	strace $0x9000004D  }
0xc8: {  	s0 =	stileid.u32;
	[bflag:$0x2] =	sbarrier.arrive $0xFFFF  }
0xc9: {  	p0 =	sne.s32 s0, $0x0;
	s0 =	rddreg [dreg:$0x3]  }
0xca: {  	s0 =	sadd.s32 @!p0 $0x100000, s0  }
0xcb: {  	[sflag:s0] =	ssyncadd.tile.s32 @!p0 $0x1;
	_ =	shalt  }
.Lfunc_end2:
_tile_overlayer_lowered:
.L_overlay_start_2:
0xcc: {  	(tag) =	ssettag $0x2  }
0xcd: {  	s0 =	rddreg [dreg:$0x0];
	s2 =	stileid.u32  }
0xce: {  	s1 =	rddreg [dreg:$0x1];
	p0 =	sne.s32 s2, $0x0  }
0xcf: {  	s3 =	rddreg [dreg:$0x2];
	[bflag:$0x3] =	sbarrier.arrive $0xFFFF;
	s2 =	simm.s32 @!p0 $0x1C03  }
0xd0: {  	[timem:s3], [sflag:s2] =	dma.local @!p0 [hbm:s0], s1  }
0xd1: {  	s0 =	simm.s32 @!p0 $0x3  }
0xd2: {  	_ =	swait.ge @!p0 [sflag:s0], s1  }
0xd3: {  	s1 =	ssub.s32 @!p0 $0x0, s1;
	[sflag:s0] =	ssyncset.done @!p0 $0x0  }
0xd4: {  	[sflag:s0] =	ssyncadd.s32 @!p0 s1  }
0xd5: {  	[bflag:$0x3] =	sbarrier.arrive $0xFFFF  }
0xd6: {  	_ =	shalt  }

</sc_bundles>
